<compile_context>
chip_gen: v7x
topology: tpu7x:2x2x1
jax: 0.10.2.dev20260603
libtpu: 0.0.44.dev20260713+nightly
codegen_flags: <defaults>
</compile_context>

<pallas_src>
import functools

import jax
import jax.numpy as jnp
from jax import lax
from jax.experimental import pallas as pl
from jax.experimental.pallas import tpu as pltpu
from jax.experimental.pallas import tpu_sc as plsc

_NC = 2
_NS = 16
_NW = _NC * _NS
_CK = 64
_CPS = 4


def _make_sc_kernel(N, D, E0, E1, N_pad):
    T0 = E0 // _NS
    T1 = E1 // _NS
    RPT = N_pad // _NS
    mesh = plsc.VectorSubcoreMesh(core_axis_name="c", subcore_axis_name="s")

    @functools.partial(
        pl.kernel,
        mesh=mesh,
        compiler_params=pltpu.CompilerParams(needs_layout_passes=False),
        out_type=(
            jax.ShapeDtypeStruct((_NC * N_pad, D), jnp.float32),
            jax.ShapeDtypeStruct((_NW * N_pad,), jnp.float32),
        ),
        scratch_types=[
            pltpu.VMEM((_CPS, _CK), jnp.int32),
            pltpu.VMEM((_CPS, _CK), jnp.int32),
            pltpu.VMEM((_CPS * _CK, D), jnp.float32),
            pltpu.VMEM((N_pad,), jnp.float32),
            pltpu.VMEM((16, D), jnp.float32),
            pltpu.VMEM_SHARED((N_pad, D), jnp.float32),
            pltpu.SemaphoreType.DMA((_CPS,)),
            pltpu.SemaphoreType.DMA((_CPS,)),
            pltpu.SemaphoreType.DMA((_CPS,)),
        ],
    )
    def sc(x_hbm, src_hbm, dst_hbm, sums_hbm, cnts_hbm,
           idx_s, idx_d, rows, cnt_loc, zbuf, sums_sh,
           sem_i, sem_g, sem_s):
        c = lax.axis_index("c")
        s = lax.axis_index("s")
        w = c * _NS + s
        zv = jnp.zeros((16,), jnp.float32)
        ones = jnp.ones((16,), jnp.float32)

        def zb_body(i, _):
            zbuf[i // (D // 16), pl.ds((i % (D // 16)) * 16, 16)] = zv
            return 0
        lax.fori_loop(0, 16 * (D // 16), zb_body, 0)

        def zc_body(i, _):
            cnt_loc[pl.ds(i * 16, 16)] = zv
            return 0
        lax.fori_loop(0, N_pad // 16, zc_body, 0)

        zcps = [
            pltpu.async_copy(
                zbuf, sums_sh.at[pl.ds(s * RPT + i * 16, 16)], sem_g.at[0])
            for i in range(RPT // 16)
        ]
        for cp in zcps:
            cp.wait()
        plsc.subcore_barrier()

        base_row = jnp.where(c == 0, s * (T0 // _CK),
                             E0 // _CK + s * (T1 // _CK))

        def step(i, _):
            r0 = base_row + i * _CPS
            icps = []
            for j in range(_CPS):
                icps.append(pltpu.async_copy(
                    src_hbm.at[r0 + j], idx_s.at[j], sem_i.at[j]))
                icps.append(pltpu.async_copy(
                    dst_hbm.at[r0 + j], idx_d.at[j], sem_i.at[j]))
            gcps = []
            for j in range(_CPS):
                icps[2 * j].wait()
                gcps.append(pltpu.async_copy(
                    x_hbm.at[idx_s.at[j]],
                    rows.at[pl.ds(j * _CK, _CK)], sem_g.at[j]))
            scps = []
            for j in range(_CPS):
                icps[2 * j + 1].wait()
                gcps[j].wait()
                scps.append(pltpu.async_copy(
                    rows.at[pl.ds(j * _CK, _CK)],
                    sums_sh.at[idx_d.at[j]], sem_s.at[j], add=True))
                for q in range(_CK // 16):
                    vidx = idx_d[j, pl.ds(q * 16, 16)]
                    plsc.addupdate_scatter(cnt_loc, [vidx], ones)
            for cp in scps:
                cp.wait()
            return 0
        lax.fori_loop(
            0, jnp.where(c == 0, T0 // (_CK * _CPS), T1 // (_CK * _CPS)),
            step, 0)

        plsc.subcore_barrier()
        pltpu.sync_copy(
            sums_sh.at[pl.ds(s * RPT, RPT)],
            sums_hbm.at[pl.ds(c * N_pad + s * RPT, RPT)])
        pltpu.sync_copy(cnt_loc, cnts_hbm.at[pl.ds(w * N_pad, N_pad)])

    return sc


def _tc_body(sums_ref, cnts_ref, w_ref, x_ref, o_ref):
    p = sums_ref[0] + sums_ref[1]
    cnt = jnp.sum(cnts_ref[...], axis=0)
    mm = lax.dot_general(p, w_ref[...],
                         dimension_numbers=(((1,), (1,)), ((), ())),
                         preferred_element_type=jnp.float32)
    o_ref[...] = mm / jnp.maximum(cnt, 1.0)[:, None] + x_ref[...]


def kernel(x, edge_index, W_rel):
    N, D = x.shape
    E = edge_index.shape[1]
    _GG = _CK * _CPS
    _Q = _NS * _GG
    E0 = (int(E * 0.70) // _Q) * _Q
    E1 = -(-(E - E0) // _Q) * _Q
    E_pad = E0 + E1
    N_pad = -(-(N + 1) // (_NS * 16)) * (_NS * 16)

    src = edge_index[0]
    dst = edge_index[1]
    pad = E_pad - E
    if pad:
        src = jnp.concatenate([src, jnp.zeros((pad,), jnp.int32)])
        dst = jnp.concatenate([dst, jnp.full((pad,), N, jnp.int32)])
    src2 = src.reshape(E_pad // _CK, _CK)
    dst2 = dst.reshape(E_pad // _CK, _CK)

    sums, cnts = _make_sc_kernel(N, D, E0, E1, N_pad)(x, src2, dst2)
    sums = sums.reshape(_NC, N_pad, D)
    cnts = cnts.reshape(_NW, N_pad)

    BR = 1024
    NB = N_pad // BR
    out = pl.pallas_call(
        _tc_body,
        grid=(NB,),
        in_specs=[
            pl.BlockSpec((_NC, BR, D), lambda i: (0, i, 0)),
            pl.BlockSpec((_NW, BR), lambda i: (0, i)),
            pl.BlockSpec((D, D), lambda i: (0, 0)),
            pl.BlockSpec((BR, D), lambda i: (i, 0)),
        ],
        out_specs=pl.BlockSpec((BR, D), lambda i: (i, 0)),
        out_shape=jax.ShapeDtypeStruct((N, D), jnp.float32),
    )(sums, cnts, W_rel, x)
    return out

# --- scband reference (transcript-rebuilt; emitter-appended) ---
"""Pipeline reference for scband-gcnlayer-11622181503329 (READ-ONLY COPY).

The authoritative reference and input builder live on the scoring server;
editing this copy changes nothing except your own understanding.
"""

import jax, jax.numpy as jnp
import numpy as np

N = 10000
E = 320000
D = 128


def setup_inputs(seed: int = 0) -> dict:
    key = jax.random.key(seed)
    k1, k2, k3 = jax.random.split(key, 3)
    x = jax.random.normal(k1, (N, D), dtype=jnp.float32)
    edge_index = jax.random.randint(k2, (2, E), 0, N, dtype=jnp.int32)
    # relation weight (nn.Linear(in_feats, out_feats, bias=False) -> W: [out, in])
    W_rel = jax.random.normal(k3, (D, D), dtype=jnp.float32) * 0.05
    return {"x": x, "edge_index": edge_index, "W_rel": W_rel}


def reference(x, edge_index, W_rel):
    # Faithful translation of the (homogeneous, single-relation) DGL GCNLayer:
    #   message  m_e = rel_W(h_src)            (Linear, no bias)
    #   reduce   h_v = mean_{e->v}(m_e) + h_v  (residual add of dst feature)
    # Nodes with no incoming edges keep their input feature (DGL semantics);
    # the clamped count gives mean=0 there, so out = x for those nodes.
    src = edge_index[0]
    dst = edge_index[1]
    m = x[src] @ W_rel.T                                   # gather + matmul, [E, D]
    sums = jax.ops.segment_sum(m, dst, num_segments=N)     # scatter-add,   [N, D]
    counts = jax.ops.segment_sum(jnp.ones((E,), dtype=x.dtype), dst, num_segments=N)
    mean = sums / jnp.maximum(counts, 1.0)[:, None]
    return mean + x

if __name__ == "__main__":
    import jax
    _d = setup_inputs()
    print(jax.jit(kernel)(*tuple(_d.values())))

</pallas_src>

<mosaic_0001>
#map = affine_map<(d0, d1) -> (0, 0)>
#map1 = affine_map<(d0, d1) -> (0)>
module attributes {stable_mosaic.version = 14 : i64} {
  func.func @sc(%arg0: i32, %arg1: i32, %arg2: memref<10000x128xf32, #tpu.memory_space<hbm>>, %arg3: memref<5056x64xi32, #tpu.memory_space<hbm>>, %arg4: memref<5056x64xi32, #tpu.memory_space<hbm>>, %arg5: memref<20480x128xf32, #tpu.memory_space<hbm>>, %arg6: memref<327680xf32, #tpu.memory_space<hbm>>, %arg7: memref<4x64xi32, #tpu.memory_space<vmem>>, %arg8: memref<4x64xi32, #tpu.memory_space<vmem>>, %arg9: memref<256x128xf32, #tpu.memory_space<vmem>>, %arg10: memref<10240xf32, #tpu.memory_space<vmem>>, %arg11: memref<16x128xf32, #tpu.memory_space<vmem>>, %arg12: memref<10240x128xf32, #tpu.memory_space<vmem_shared>>, %arg13: memref<4x!tpu.dma_semaphore, #tpu.memory_space<semaphore_mem>>, %arg14: memref<4x!tpu.dma_semaphore, #tpu.memory_space<semaphore_mem>>, %arg15: memref<4x!tpu.dma_semaphore, #tpu.memory_space<semaphore_mem>>) attributes {dimension_semantics = [#tpu.dimension_semantics<core_parallel>, #tpu.dimension_semantics<subcore_parallel>], iteration_bounds = array<i64: 2, 16>, scalar_prefetch = 0 : i64, scratch_operands = 9 : i64, tpu.core_type = #tpu.core_type<sc_vector_subcore>, window_params = [{transform_indices = #map}, {transform_indices = #map}, {transform_indices = #map}, {transform_indices = #map}, {transform_indices = #map1}]} {
    %mul3A = arith.constant 16 : i32
    %mul3A_0 = arith.muli %arg0, %mul3A : i32
    %add3A = arith.addi %mul3A_0, %arg1 : i32
    %broadcast_in_dim3A = arith.constant 0.000000e+00 : f32
    %broadcast_in_dim3A_1 = vector.broadcast %broadcast_in_dim3A : f32 to vector<16xf32>
    %broadcast_in_dim3A_2 = arith.constant 1.000000e+00 : f32
    %broadcast_in_dim3A_3 = vector.broadcast %broadcast_in_dim3A_2 : f32 to vector<16xf32>
    %scan3A = arith.constant 0 : i32
    %scan3A_4 = arith.constant 0 : i32
    %scan3A_5 = arith.constant 128 : i32
    %scan3A_6 = arith.addi %scan3A_4, %scan3A_5 : i32
    %scan3A_7 = arith.constant 1 : i32
    %scan3A_8 = scf.for %scan3A_767 = %scan3A_4 to %scan3A_6 step %scan3A_7 iter_args(%scan3A_768 = %scan3A) -> (i32)  : i32 {
      %jit3A_769 = arith.constant 8 : i32
      %div3A = arith.divsi %scan3A_767, %jit3A_769 : i32
      %sign3A = arith.constant 0 : i32
      %sign3A_770 = arith.cmpi sgt, %scan3A_767, %sign3A : i32
      %sign3A_771 = arith.extui %sign3A_770 : i1 to i32
      %sign3A_772 = arith.constant 0 : i32
      %sign3A_773 = arith.cmpi slt, %scan3A_767, %sign3A_772 : i32
      %sign3A_774 = arith.extui %sign3A_773 : i1 to i32
      %sign3A_775 = arith.subi %sign3A_771, %sign3A_774 : i32
      %sign3A_776 = arith.constant 0 : i32
      %sign3A_777 = arith.cmpi sgt, %jit3A_769, %sign3A_776 : i32
      %sign3A_778 = arith.extui %sign3A_777 : i1 to i32
      %sign3A_779 = arith.constant 0 : i32
      %sign3A_780 = arith.cmpi slt, %jit3A_769, %sign3A_779 : i32
      %sign3A_781 = arith.extui %sign3A_780 : i1 to i32
      %sign3A_782 = arith.subi %sign3A_778, %sign3A_781 : i32
      %ne3A = arith.cmpi ne, %sign3A_775, %sign3A_782 : i32
      %rem3A = arith.remsi %scan3A_767, %jit3A_769 : i32
      %ne3A_783 = arith.constant 0 : i32
      %ne3A_784 = arith.cmpi ne, %rem3A, %ne3A_783 : i32
      %and3A = arith.andi %ne3A, %ne3A_784 : i1
      %sub3A = arith.constant 1 : i32
      %sub3A_785 = arith.subi %div3A, %sub3A : i32
      %select_n3A_786 = arith.select %and3A, %sub3A_785, %div3A : i32
      %jit3A_787 = arith.constant 8 : i32
      %eq3A_788 = arith.constant 0 : i32
      %eq3A_789 = arith.cmpi eq, %jit3A_787, %eq3A_788 : i32
      %jit3A_790 = arith.constant 1 : i32
      %select_n3A_791 = arith.select %eq3A_789, %jit3A_790, %jit3A_787 : i32
      %rem3A_792 = arith.remsi %scan3A_767, %select_n3A_791 : i32
      %ne3A_793 = arith.constant 0 : i32
      %ne3A_794 = arith.cmpi ne, %rem3A_792, %ne3A_793 : i32
      %lt3A = arith.constant 0 : i32
      %lt3A_795 = arith.cmpi slt, %rem3A_792, %lt3A : i32
      %lt3A_796 = arith.constant 0 : i32
      %lt3A_797 = arith.cmpi slt, %select_n3A_791, %lt3A_796 : i32
      %ne3A_798 = arith.xori %lt3A_795, %lt3A_797 : i1
      %and3A_799 = arith.andi %ne3A_798, %ne3A_794 : i1
      %add3A_800 = arith.addi %rem3A_792, %select_n3A_791 : i32
      %select_n3A_801 = arith.select %and3A_799, %add3A_800, %rem3A_792 : i32
      %mul3A_802 = arith.constant 16 : i32
      %mul3A_803 = arith.muli %select_n3A_801, %mul3A_802 : i32
      %swap3A = arith.index_cast %select_n3A_786 : i32 to index
      %swap3A_804 = arith.index_cast %mul3A_803 : i32 to index
      %swap3A_805 = tpu.vector_load %arg11[%swap3A, %swap3A_804] {strides = array<i32>} : memref<16x128xf32, #tpu.memory_space<vmem>>, vector<16xf32>,
      tpu.vector_store %arg11[%swap3A, %swap3A_804], %broadcast_in_dim3A_1 {strides = array<i32>} : memref<16x128xf32, #tpu.memory_space<vmem>>, vector<16xf32>,
      %scan3A_806 = arith.constant 0 : i32
      scf.yield %scan3A_806 : i32
    }
    %scan3A_9 = arith.constant 128 : i32
    %scan3A_10 = arith.constant 0 : i32
    %scan3A_11 = arith.constant 0 : i32
    %scan3A_12 = arith.constant 640 : i32
    %scan3A_13 = arith.addi %scan3A_11, %scan3A_12 : i32
    %scan3A_14 = arith.constant 1 : i32
    %scan3A_15 = scf.for %scan3A_767 = %scan3A_11 to %scan3A_13 step %scan3A_14 iter_args(%scan3A_768 = %scan3A_10) -> (i32)  : i32 {
      %mul3A_769 = arith.constant 16 : i32
      %mul3A_770 = arith.muli %scan3A_767, %mul3A_769 : i32
      %swap3A = arith.index_cast %mul3A_770 : i32 to index
      %swap3A_771 = tpu.vector_load %arg10[%swap3A] {strides = array<i32>} : memref<10240xf32, #tpu.memory_space<vmem>>, vector<16xf32>,
      tpu.vector_store %arg10[%swap3A], %broadcast_in_dim3A_1 {strides = array<i32>} : memref<10240xf32, #tpu.memory_space<vmem>>, vector<16xf32>,
      %scan3A_772 = arith.constant 0 : i32
      scf.yield %scan3A_772 : i32
    }
    %scan3A_16 = arith.constant 640 : i32
    %mul3A_17 = arith.constant 640 : i32
    %mul3A_18 = arith.muli %arg1, %mul3A_17 : i32
    %add3A_19 = arith.constant 0 : i32
    %add3A_20 = arith.addi %mul3A_18, %add3A_19 : i32
    %dma_start3A = arith.constant 0 : i32
    %dma_start3A_21 = arith.constant 0 : i32
    %dma_start3A_22 = tpu.memref_slice %arg12[%add3A_20, %dma_start3A_21] : memref<10240x128xf32, #tpu.memory_space<vmem_shared>> -> memref<16x128xf32, #tpu.memory_space<vmem_shared>>
    %dma_start3A_23 = tpu.memref_slice %arg14[%dma_start3A] : memref<4x!tpu.dma_semaphore, #tpu.memory_space<semaphore_mem>> -> memref<1x!tpu.dma_semaphore, #tpu.memory_space<semaphore_mem>>
    %dma_start3A_24 = tpu.memref_squeeze %dma_start3A_23 : memref<1x!tpu.dma_semaphore, #tpu.memory_space<semaphore_mem>> -> memref<!tpu.dma_semaphore, #tpu.memory_space<semaphore_mem>>
    %dma_start3A_25 = arith.constant 0 : i32
    %dma_start3A_26 = tpu.memref_slice %arg12[%add3A_20, %dma_start3A_25] : memref<10240x128xf32, #tpu.memory_space<vmem_shared>> -> memref<16x128xf32, #tpu.memory_space<vmem_shared>>
    tpu.enqueue_dma source(%arg11 : memref<16x128xf32, #tpu.memory_space<vmem>>) target(%dma_start3A_26 : memref<16x128xf32, #tpu.memory_space<vmem_shared>>) target_semaphore(%dma_start3A_24 : memref<!tpu.dma_semaphore, #tpu.memory_space<semaphore_mem>>)
    %mul3A_27 = arith.constant 640 : i32
    %mul3A_28 = arith.muli %arg1, %mul3A_27 : i32
    %add3A_29 = arith.constant 16 : i32
    %add3A_30 = arith.addi %mul3A_28, %add3A_29 : i32
    %dma_start3A_31 = arith.constant 0 : i32
    %dma_start3A_32 = arith.constant 0 : i32
    %dma_start3A_33 = tpu.memref_slice %arg12[%add3A_30, %dma_start3A_32] : memref<10240x128xf32, #tpu.memory_space<vmem_shared>> -> memref<16x128xf32, #tpu.memory_space<vmem_shared>>
    %dma_start3A_34 = tpu.memref_slice %arg14[%dma_start3A_31] : memref<4x!tpu.dma_semaphore, #tpu.memory_space<semaphore_mem>> -> memref<1x!tpu.dma_semaphore, #tpu.memory_space<semaphore_mem>>
    %dma_start3A_35 = tpu.memref_squeeze %dma_start3A_34 : memref<1x!tpu.dma_semaphore, #tpu.memory_space<semaphore_mem>> -> memref<!tpu.dma_semaphore, #tpu.memory_space<semaphore_mem>>
    %dma_start3A_36 = arith.constant 0 : i32
    %dma_start3A_37 = tpu.memref_slice %arg12[%add3A_30, %dma_start3A_36] : memref<10240x128xf32, #tpu.memory_space<vmem_shared>> -> memref<16x128xf32, #tpu.memory_space<vmem_shared>>
    tpu.enqueue_dma source(%arg11 : memref<16x128xf32, #tpu.memory_space<vmem>>) target(%dma_start3A_37 : memref<16x128xf32, #tpu.memory_space<vmem_shared>>) target_semaphore(%dma_start3A_35 : memref<!tpu.dma_semaphore, #tpu.memory_space<semaphore_mem>>)
    %mul3A_38 = arith.constant 640 : i32
    %mul3A_39 = arith.muli %arg1, %mul3A_38 : i32
    %add3A_40 = arith.constant 32 : i32
    %add3A_41 = arith.addi %mul3A_39, %add3A_40 : i32
    %dma_start3A_42 = arith.constant 0 : i32
    %dma_start3A_43 = arith.constant 0 : i32
    %dma_start3A_44 = tpu.memref_slice %arg12[%add3A_41, %dma_start3A_43] : memref<10240x128xf32, #tpu.memory_space<vmem_shared>> -> memref<16x128xf32, #tpu.memory_space<vmem_shared>>
    %dma_start3A_45 = tpu.memref_slice %arg14[%dma_start3A_42] : memref<4x!tpu.dma_semaphore, #tpu.memory_space<semaphore_mem>> -> memref<1x!tpu.dma_semaphore, #tpu.memory_space<semaphore_mem>>
    %dma_start3A_46 = tpu.memref_squeeze %dma_start3A_45 : memref<1x!tpu.dma_semaphore, #tpu.memory_space<semaphore_mem>> -> memref<!tpu.dma_semaphore, #tpu.memory_space<semaphore_mem>>
    %dma_start3A_47 = arith.constant 0 : i32
    %dma_start3A_48 = tpu.memref_slice %arg12[%add3A_41, %dma_start3A_47] : memref<10240x128xf32, #tpu.memory_space<vmem_shared>> -> memref<16x128xf32, #tpu.memory_space<vmem_shared>>
    tpu.enqueue_dma source(%arg11 : memref<16x128xf32, #tpu.memory_space<vmem>>) target(%dma_start3A_48 : memref<16x128xf32, #tpu.memory_space<vmem_shared>>) target_semaphore(%dma_start3A_46 : memref<!tpu.dma_semaphore, #tpu.memory_space<semaphore_mem>>)
    %mul3A_49 = arith.constant 640 : i32
    %mul3A_50 = arith.muli %arg1, %mul3A_49 : i32
    %add3A_51 = arith.constant 48 : i32
    %add3A_52 = arith.addi %mul3A_50, %add3A_51 : i32
    %dma_start3A_53 = arith.constant 0 : i32
    %dma_start3A_54 = arith.constant 0 : i32
    %dma_start3A_55 = tpu.memref_slice %arg12[%add3A_52, %dma_start3A_54] : memref<10240x128xf32, #tpu.memory_space<vmem_shared>> -> memref<16x128xf32, #tpu.memory_space<vmem_shared>>
    %dma_start3A_56 = tpu.memref_slice %arg14[%dma_start3A_53] : memref<4x!tpu.dma_semaphore, #tpu.memory_space<semaphore_mem>> -> memref<1x!tpu.dma_semaphore, #tpu.memory_space<semaphore_mem>>
    %dma_start3A_57 = tpu.memref_squeeze %dma_start3A_56 : memref<1x!tpu.dma_semaphore, #tpu.memory_space<semaphore_mem>> -> memref<!tpu.dma_semaphore, #tpu.memory_space<semaphore_mem>>
    %dma_start3A_58 = arith.constant 0 : i32
    %dma_start3A_59 = tpu.memref_slice %arg12[%add3A_52, %dma_start3A_58] : memref<10240x128xf32, #tpu.memory_space<vmem_shared>> -> memref<16x128xf32, #tpu.memory_space<vmem_shared>>
    tpu.enqueue_dma source(%arg11 : memref<16x128xf32, #tpu.memory_space<vmem>>) target(%dma_start3A_59 : memref<16x128xf32, #tpu.memory_space<vmem_shared>>) target_semaphore(%dma_start3A_57 : memref<!tpu.dma_semaphore, #tpu.memory_space<semaphore_mem>>)
    %mul3A_60 = arith.constant 640 : i32
    %mul3A_61 = arith.muli %arg1, %mul3A_60 : i32
    %add3A_62 = arith.constant 64 : i32
    %add3A_63 = arith.addi %mul3A_61, %add3A_62 : i32
    %dma_start3A_64 = arith.constant 0 : i32
    %dma_start3A_65 = arith.constant 0 : i32
    %dma_start3A_66 = tpu.memref_slice %arg12[%add3A_63, %dma_start3A_65] : memref<10240x128xf32, #tpu.memory_space<vmem_shared>> -> memref<16x128xf32, #tpu.memory_space<vmem_shared>>
    %dma_start3A_67 = tpu.memref_slice %arg14[%dma_start3A_64] : memref<4x!tpu.dma_semaphore, #tpu.memory_space<semaphore_mem>> -> memref<1x!tpu.dma_semaphore, #tpu.memory_space<semaphore_mem>>
    %dma_start3A_68 = tpu.memref_squeeze %dma_start3A_67 : memref<1x!tpu.dma_semaphore, #tpu.memory_space<semaphore_mem>> -> memref<!tpu.dma_semaphore, #tpu.memory_space<semaphore_mem>>
    %dma_start3A_69 = arith.constant 0 : i32
    %dma_start3A_70 = tpu.memref_slice %arg12[%add3A_63, %dma_start3A_69] : memref<10240x128xf32, #tpu.memory_space<vmem_shared>> -> memref<16x128xf32, #tpu.memory_space<vmem_shared>>
    tpu.enqueue_dma source(%arg11 : memref<16x128xf32, #tpu.memory_space<vmem>>) target(%dma_start3A_70 : memref<16x128xf32, #tpu.memory_space<vmem_shared>>) target_semaphore(%dma_start3A_68 : memref<!tpu.dma_semaphore, #tpu.memory_space<semaphore_mem>>)
    %mul3A_71 = arith.constant 640 : i32
    %mul3A_72 = arith.muli %arg1, %mul3A_71 : i32
    %add3A_73 = arith.constant 80 : i32
    %add3A_74 = arith.addi %mul3A_72, %add3A_73 : i32
    %dma_start3A_75 = arith.constant 0 : i32
    %dma_start3A_76 = arith.constant 0 : i32
    %dma_start3A_77 = tpu.memref_slice %arg12[%add3A_74, %dma_start3A_76] : memref<10240x128xf32, #tpu.memory_space<vmem_shared>> -> memref<16x128xf32, #tpu.memory_space<vmem_shared>>
    %dma_start3A_78 = tpu.memref_slice %arg14[%dma_start3A_75] : memref<4x!tpu.dma_semaphore, #tpu.memory_space<semaphore_mem>> -> memref<1x!tpu.dma_semaphore, #tpu.memory_space<semaphore_mem>>
    %dma_start3A_79 = tpu.memref_squeeze %dma_start3A_78 : memref<1x!tpu.dma_semaphore, #tpu.memory_space<semaphore_mem>> -> memref<!tpu.dma_semaphore, #tpu.memory_space<semaphore_mem>>
    %dma_start3A_80 = arith.constant 0 : i32
    %dma_start3A_81 = tpu.memref_slice %arg12[%add3A_74, %dma_start3A_80] : memref<10240x128xf32, #tpu.memory_space<vmem_shared>> -> memref<16x128xf32, #tpu.memory_space<vmem_shared>>
    tpu.enqueue_dma source(%arg11 : memref<16x128xf32, #tpu.memory_space<vmem>>) target(%dma_start3A_81 : memref<16x128xf32, #tpu.memory_space<vmem_shared>>) target_semaphore(%dma_start3A_79 : memref<!tpu.dma_semaphore, #tpu.memory_space<semaphore_mem>>)
    %mul3A_82 = arith.constant 640 : i32
    %mul3A_83 = arith.muli %arg1, %mul3A_82 : i32
    %add3A_84 = arith.constant 96 : i32
    %add3A_85 = arith.addi %mul3A_83, %add3A_84 : i32
    %dma_start3A_86 = arith.constant 0 : i32
    %dma_start3A_87 = arith.constant 0 : i32
    %dma_start3A_88 = tpu.memref_slice %arg12[%add3A_85, %dma_start3A_87] : memref<10240x128xf32, #tpu.memory_space<vmem_shared>> -> memref<16x128xf32, #tpu.memory_space<vmem_shared>>
    %dma_start3A_89 = tpu.memref_slice %arg14[%dma_start3A_86] : memref<4x!tpu.dma_semaphore, #tpu.memory_space<semaphore_mem>> -> memref<1x!tpu.dma_semaphore, #tpu.memory_space<semaphore_mem>>
    %dma_start3A_90 = tpu.memref_squeeze %dma_start3A_89 : memref<1x!tpu.dma_semaphore, #tpu.memory_space<semaphore_mem>> -> memref<!tpu.dma_semaphore, #tpu.memory_space<semaphore_mem>>
    %dma_start3A_91 = arith.constant 0 : i32
    %dma_start3A_92 = tpu.memref_slice %arg12[%add3A_85, %dma_start3A_91] : memref<10240x128xf32, #tpu.memory_space<vmem_shared>> -> memref<16x128xf32, #tpu.memory_space<vmem_shared>>
    tpu.enqueue_dma source(%arg11 : memref<16x128xf32, #tpu.memory_space<vmem>>) target(%dma_start3A_92 : memref<16x128xf32, #tpu.memory_space<vmem_shared>>) target_semaphore(%dma_start3A_90 : memref<!tpu.dma_semaphore, #tpu.memory_space<semaphore_mem>>)
    %mul3A_93 = arith.constant 640 : i32
    %mul3A_94 = arith.muli %arg1, %mul3A_93 : i32
    %add3A_95 = arith.constant 112 : i32
    %add3A_96 = arith.addi %mul3A_94, %add3A_95 : i32
    %dma_start3A_97 = arith.constant 0 : i32
    %dma_start3A_98 = arith.constant 0 : i32
    %dma_start3A_99 = tpu.memref_slice %arg12[%add3A_96, %dma_start3A_98] : memref<10240x128xf32, #tpu.memory_space<vmem_shared>> -> memref<16x128xf32, #tpu.memory_space<vmem_shared>>
    %dma_start3A_100 = tpu.memref_slice %arg14[%dma_start3A_97] : memref<4x!tpu.dma_semaphore, #tpu.memory_space<semaphore_mem>> -> memref<1x!tpu.dma_semaphore, #tpu.memory_space<semaphore_mem>>
    %dma_start3A_101 = tpu.memref_squeeze %dma_start3A_100 : memref<1x!tpu.dma_semaphore, #tpu.memory_space<semaphore_mem>> -> memref<!tpu.dma_semaphore, #tpu.memory_space<semaphore_mem>>
    %dma_start3A_102 = arith.constant 0 : i32
    %dma_start3A_103 = tpu.memref_slice %arg12[%add3A_96, %dma_start3A_102] : memref<10240x128xf32, #tpu.memory_space<vmem_shared>> -> memref<16x128xf32, #tpu.memory_space<vmem_shared>>
    tpu.enqueue_dma source(%arg11 : memref<16x128xf32, #tpu.memory_space<vmem>>) target(%dma_start3A_103 : memref<16x128xf32, #tpu.memory_space<vmem_shared>>) target_semaphore(%dma_start3A_101 : memref<!tpu.dma_semaphore, #tpu.memory_space<semaphore_mem>>)
    %mul3A_104 = arith.constant 640 : i32
    %mul3A_105 = arith.muli %arg1, %mul3A_104 : i32
    %add3A_106 = arith.constant 128 : i32
    %add3A_107 = arith.addi %mul3A_105, %add3A_106 : i32
    %dma_start3A_108 = arith.constant 0 : i32
    %dma_start3A_109 = arith.constant 0 : i32
    %dma_start3A_110 = tpu.memref_slice %arg12[%add3A_107, %dma_start3A_109] : memref<10240x128xf32, #tpu.memory_space<vmem_shared>> -> memref<16x128xf32, #tpu.memory_space<vmem_shared>>
    %dma_start3A_111 = tpu.memref_slice %arg14[%dma_start3A_108] : memref<4x!tpu.dma_semaphore, #tpu.memory_space<semaphore_mem>> -> memref<1x!tpu.dma_semaphore, #tpu.memory_space<semaphore_mem>>
    %dma_start3A_112 = tpu.memref_squeeze %dma_start3A_111 : memref<1x!tpu.dma_semaphore, #tpu.memory_space<semaphore_mem>> -> memref<!tpu.dma_semaphore, #tpu.memory_space<semaphore_mem>>
    %dma_start3A_113 = arith.constant 0 : i32
    %dma_start3A_114 = tpu.memref_slice %arg12[%add3A_107, %dma_start3A_113] : memref<10240x128xf32, #tpu.memory_space<vmem_shared>> -> memref<16x128xf32, #tpu.memory_space<vmem_shared>>
    tpu.enqueue_dma source(%arg11 : memref<16x128xf32, #tpu.memory_space<vmem>>) target(%dma_start3A_114 : memref<16x128xf32, #tpu.memory_space<vmem_shared>>) target_semaphore(%dma_start3A_112 : memref<!tpu.dma_semaphore, #tpu.memory_space<semaphore_mem>>)
    %mul3A_115 = arith.constant 640 : i32
    %mul3A_116 = arith.muli %arg1, %mul3A_115 : i32
    %add3A_117 = arith.constant 144 : i32
    %add3A_118 = arith.addi %mul3A_116, %add3A_117 : i32
    %dma_start3A_119 = arith.constant 0 : i32
    %dma_start3A_120 = arith.constant 0 : i32
    %dma_start3A_121 = tpu.memref_slice %arg12[%add3A_118, %dma_start3A_120] : memref<10240x128xf32, #tpu.memory_space<vmem_shared>> -> memref<16x128xf32, #tpu.memory_space<vmem_shared>>
    %dma_start3A_122 = tpu.memref_slice %arg14[%dma_start3A_119] : memref<4x!tpu.dma_semaphore, #tpu.memory_space<semaphore_mem>> -> memref<1x!tpu.dma_semaphore, #tpu.memory_space<semaphore_mem>>
    %dma_start3A_123 = tpu.memref_squeeze %dma_start3A_122 : memref<1x!tpu.dma_semaphore, #tpu.memory_space<semaphore_mem>> -> memref<!tpu.dma_semaphore, #tpu.memory_space<semaphore_mem>>
    %dma_start3A_124 = arith.constant 0 : i32
    %dma_start3A_125 = tpu.memref_slice %arg12[%add3A_118, %dma_start3A_124] : memref<10240x128xf32, #tpu.memory_space<vmem_shared>> -> memref<16x128xf32, #tpu.memory_space<vmem_shared>>
    tpu.enqueue_dma source(%arg11 : memref<16x128xf32, #tpu.memory_space<vmem>>) target(%dma_start3A_125 : memref<16x128xf32, #tpu.memory_space<vmem_shared>>) target_semaphore(%dma_start3A_123 : memref<!tpu.dma_semaphore, #tpu.memory_space<semaphore_mem>>)
    %mul3A_126 = arith.constant 640 : i32
    %mul3A_127 = arith.muli %arg1, %mul3A_126 : i32
    %add3A_128 = arith.constant 160 : i32
    %add3A_129 = arith.addi %mul3A_127, %add3A_128 : i32
    %dma_start3A_130 = arith.constant 0 : i32
    %dma_start3A_131 = arith.constant 0 : i32
    %dma_start3A_132 = tpu.memref_slice %arg12[%add3A_129, %dma_start3A_131] : memref<10240x128xf32, #tpu.memory_space<vmem_shared>> -> memref<16x128xf32, #tpu.memory_space<vmem_shared>>
    %dma_start3A_133 = tpu.memref_slice %arg14[%dma_start3A_130] : memref<4x!tpu.dma_semaphore, #tpu.memory_space<semaphore_mem>> -> memref<1x!tpu.dma_semaphore, #tpu.memory_space<semaphore_mem>>
    %dma_start3A_134 = tpu.memref_squeeze %dma_start3A_133 : memref<1x!tpu.dma_semaphore, #tpu.memory_space<semaphore_mem>> -> memref<!tpu.dma_semaphore, #tpu.memory_space<semaphore_mem>>
    %dma_start3A_135 = arith.constant 0 : i32
    %dma_start3A_136 = tpu.memref_slice %arg12[%add3A_129, %dma_start3A_135] : memref<10240x128xf32, #tpu.memory_space<vmem_shared>> -> memref<16x128xf32, #tpu.memory_space<vmem_shared>>
    tpu.enqueue_dma source(%arg11 : memref<16x128xf32, #tpu.memory_space<vmem>>) target(%dma_start3A_136 : memref<16x128xf32, #tpu.memory_space<vmem_shared>>) target_semaphore(%dma_start3A_134 : memref<!tpu.dma_semaphore, #tpu.memory_space<semaphore_mem>>)
    %mul3A_137 = arith.constant 640 : i32
    %mul3A_138 = arith.muli %arg1, %mul3A_137 : i32
    %add3A_139 = arith.constant 176 : i32
    %add3A_140 = arith.addi %mul3A_138, %add3A_139 : i32
    %dma_start3A_141 = arith.constant 0 : i32
    %dma_start3A_142 = arith.constant 0 : i32
    %dma_start3A_143 = tpu.memref_slice %arg12[%add3A_140, %dma_start3A_142] : memref<10240x128xf32, #tpu.memory_space<vmem_shared>> -> memref<16x128xf32, #tpu.memory_space<vmem_shared>>
    %dma_start3A_144 = tpu.memref_slice %arg14[%dma_start3A_141] : memref<4x!tpu.dma_semaphore, #tpu.memory_space<semaphore_mem>> -> memref<1x!tpu.dma_semaphore, #tpu.memory_space<semaphore_mem>>
    %dma_start3A_145 = tpu.memref_squeeze %dma_start3A_144 : memref<1x!tpu.dma_semaphore, #tpu.memory_space<semaphore_mem>> -> memref<!tpu.dma_semaphore, #tpu.memory_space<semaphore_mem>>
    %dma_start3A_146 = arith.constant 0 : i32
    %dma_start3A_147 = tpu.memref_slice %arg12[%add3A_140, %dma_start3A_146] : memref<10240x128xf32, #tpu.memory_space<vmem_shared>> -> memref<16x128xf32, #tpu.memory_space<vmem_shared>>
    tpu.enqueue_dma source(%arg11 : memref<16x128xf32, #tpu.memory_space<vmem>>) target(%dma_start3A_147 : memref<16x128xf32, #tpu.memory_space<vmem_shared>>) target_semaphore(%dma_start3A_145 : memref<!tpu.dma_semaphore, #tpu.memory_space<semaphore_mem>>)
    %mul3A_148 = arith.constant 640 : i32
    %mul3A_149 = arith.muli %arg1, %mul3A_148 : i32
    %add3A_150 = arith.constant 192 : i32
    %add3A_151 = arith.addi %mul3A_149, %add3A_150 : i32
    %dma_start3A_152 = arith.constant 0 : i32
    %dma_start3A_153 = arith.constant 0 : i32
    %dma_start3A_154 = tpu.memref_slice %arg12[%add3A_151, %dma_start3A_153] : memref<10240x128xf32, #tpu.memory_space<vmem_shared>> -> memref<16x128xf32, #tpu.memory_space<vmem_shared>>
    %dma_start3A_155 = tpu.memref_slice %arg14[%dma_start3A_152] : memref<4x!tpu.dma_semaphore, #tpu.memory_space<semaphore_mem>> -> memref<1x!tpu.dma_semaphore, #tpu.memory_space<semaphore_mem>>
    %dma_start3A_156 = tpu.memref_squeeze %dma_start3A_155 : memref<1x!tpu.dma_semaphore, #tpu.memory_space<semaphore_mem>> -> memref<!tpu.dma_semaphore, #tpu.memory_space<semaphore_mem>>
    %dma_start3A_157 = arith.constant 0 : i32
    %dma_start3A_158 = tpu.memref_slice %arg12[%add3A_151, %dma_start3A_157] : memref<10240x128xf32, #tpu.memory_space<vmem_shared>> -> memref<16x128xf32, #tpu.memory_space<vmem_shared>>
    tpu.enqueue_dma source(%arg11 : memref<16x128xf32, #tpu.memory_space<vmem>>) target(%dma_start3A_158 : memref<16x128xf32, #tpu.memory_space<vmem_shared>>) target_semaphore(%dma_start3A_156 : memref<!tpu.dma_semaphore, #tpu.memory_space<semaphore_mem>>)
    %mul3A_159 = arith.constant 640 : i32
    %mul3A_160 = arith.muli %arg1, %mul3A_159 : i32
    %add3A_161 = arith.constant 208 : i32
    %add3A_162 = arith.addi %mul3A_160, %add3A_161 : i32
    %dma_start3A_163 = arith.constant 0 : i32
    %dma_start3A_164 = arith.constant 0 : i32
    %dma_start3A_165 = tpu.memref_slice %arg12[%add3A_162, %dma_start3A_164] : memref<10240x128xf32, #tpu.memory_space<vmem_shared>> -> memref<16x128xf32, #tpu.memory_space<vmem_shared>>
    %dma_start3A_166 = tpu.memref_slice %arg14[%dma_start3A_163] : memref<4x!tpu.dma_semaphore, #tpu.memory_space<semaphore_mem>> -> memref<1x!tpu.dma_semaphore, #tpu.memory_space<semaphore_mem>>
    %dma_start3A_167 = tpu.memref_squeeze %dma_start3A_166 : memref<1x!tpu.dma_semaphore, #tpu.memory_space<semaphore_mem>> -> memref<!tpu.dma_semaphore, #tpu.memory_space<semaphore_mem>>
    %dma_start3A_168 = arith.constant 0 : i32
    %dma_start3A_169 = tpu.memref_slice %arg12[%add3A_162, %dma_start3A_168] : memref<10240x128xf32, #tpu.memory_space<vmem_shared>> -> memref<16x128xf32, #tpu.memory_space<vmem_shared>>
    tpu.enqueue_dma source(%arg11 : memref<16x128xf32, #tpu.memory_space<vmem>>) target(%dma_start3A_169 : memref<16x128xf32, #tpu.memory_space<vmem_shared>>) target_semaphore(%dma_start3A_167 : memref<!tpu.dma_semaphore, #tpu.memory_space<semaphore_mem>>)
    %mul3A_170 = arith.constant 640 : i32
    %mul3A_171 = arith.muli %arg1, %mul3A_170 : i32
    %add3A_172 = arith.constant 224 : i32
    %add3A_173 = arith.addi %mul3A_171, %add3A_172 : i32
    %dma_start3A_174 = arith.constant 0 : i32
    %dma_start3A_175 = arith.constant 0 : i32
    %dma_start3A_176 = tpu.memref_slice %arg12[%add3A_173, %dma_start3A_175] : memref<10240x128xf32, #tpu.memory_space<vmem_shared>> -> memref<16x128xf32, #tpu.memory_space<vmem_shared>>
    %dma_start3A_177 = tpu.memref_slice %arg14[%dma_start3A_174] : memref<4x!tpu.dma_semaphore, #tpu.memory_space<semaphore_mem>> -> memref<1x!tpu.dma_semaphore, #tpu.memory_space<semaphore_mem>>
    %dma_start3A_178 = tpu.memref_squeeze %dma_start3A_177 : memref<1x!tpu.dma_semaphore, #tpu.memory_space<semaphore_mem>> -> memref<!tpu.dma_semaphore, #tpu.memory_space<semaphore_mem>>
    %dma_start3A_179 = arith.constant 0 : i32
    %dma_start3A_180 = tpu.memref_slice %arg12[%add3A_173, %dma_start3A_179] : memref<10240x128xf32, #tpu.memory_space<vmem_shared>> -> memref<16x128xf32, #tpu.memory_space<vmem_shared>>
    tpu.enqueue_dma source(%arg11 : memref<16x128xf32, #tpu.memory_space<vmem>>) target(%dma_start3A_180 : memref<16x128xf32, #tpu.memory_space<vmem_shared>>) target_semaphore(%dma_start3A_178 : memref<!tpu.dma_semaphore, #tpu.memory_space<semaphore_mem>>)
    %mul3A_181 = arith.constant 640 : i32
    %mul3A_182 = arith.muli %arg1, %mul3A_181 : i32
    %add3A_183 = arith.constant 240 : i32
    %add3A_184 = arith.addi %mul3A_182, %add3A_183 : i32
    %dma_start3A_185 = arith.constant 0 : i32
    %dma_start3A_186 = arith.constant 0 : i32
    %dma_start3A_187 = tpu.memref_slice %arg12[%add3A_184, %dma_start3A_186] : memref<10240x128xf32, #tpu.memory_space<vmem_shared>> -> memref<16x128xf32, #tpu.memory_space<vmem_shared>>
    %dma_start3A_188 = tpu.memref_slice %arg14[%dma_start3A_185] : memref<4x!tpu.dma_semaphore, #tpu.memory_space<semaphore_mem>> -> memref<1x!tpu.dma_semaphore, #tpu.memory_space<semaphore_mem>>
    %dma_start3A_189 = tpu.memref_squeeze %dma_start3A_188 : memref<1x!tpu.dma_semaphore, #tpu.memory_space<semaphore_mem>> -> memref<!tpu.dma_semaphore, #tpu.memory_space<semaphore_mem>>
    %dma_start3A_190 = arith.constant 0 : i32
    %dma_start3A_191 = tpu.memref_slice %arg12[%add3A_184, %dma_start3A_190] : memref<10240x128xf32, #tpu.memory_space<vmem_shared>> -> memref<16x128xf32, #tpu.memory_space<vmem_shared>>
    tpu.enqueue_dma source(%arg11 : memref<16x128xf32, #tpu.memory_space<vmem>>) target(%dma_start3A_191 : memref<16x128xf32, #tpu.memory_space<vmem_shared>>) target_semaphore(%dma_start3A_189 : memref<!tpu.dma_semaphore, #tpu.memory_space<semaphore_mem>>)
    %mul3A_192 = arith.constant 640 : i32
    %mul3A_193 = arith.muli %arg1, %mul3A_192 : i32
    %add3A_194 = arith.constant 256 : i32
    %add3A_195 = arith.addi %mul3A_193, %add3A_194 : i32
    %dma_start3A_196 = arith.constant 0 : i32
    %dma_start3A_197 = arith.constant 0 : i32
    %dma_start3A_198 = tpu.memref_slice %arg12[%add3A_195, %dma_start3A_197] : memref<10240x128xf32, #tpu.memory_space<vmem_shared>> -> memref<16x128xf32, #tpu.memory_space<vmem_shared>>
    %dma_start3A_199 = tpu.memref_slice %arg14[%dma_start3A_196] : memref<4x!tpu.dma_semaphore, #tpu.memory_space<semaphore_mem>> -> memref<1x!tpu.dma_semaphore, #tpu.memory_space<semaphore_mem>>
    %dma_start3A_200 = tpu.memref_squeeze %dma_start3A_199 : memref<1x!tpu.dma_semaphore, #tpu.memory_space<semaphore_mem>> -> memref<!tpu.dma_semaphore, #tpu.memory_space<semaphore_mem>>
    %dma_start3A_201 = arith.constant 0 : i32
    %dma_start3A_202 = tpu.memref_slice %arg12[%add3A_195, %dma_start3A_201] : memref<10240x128xf32, #tpu.memory_space<vmem_shared>> -> memref<16x128xf32, #tpu.memory_space<vmem_shared>>
    tpu.enqueue_dma source(%arg11 : memref<16x128xf32, #tpu.memory_space<vmem>>) target(%dma_start3A_202 : memref<16x128xf32, #tpu.memory_space<vmem_shared>>) target_semaphore(%dma_start3A_200 : memref<!tpu.dma_semaphore, #tpu.memory_space<semaphore_mem>>)
    %mul3A_203 = arith.constant 640 : i32
    %mul3A_204 = arith.muli %arg1, %mul3A_203 : i32
    %add3A_205 = arith.constant 272 : i32
    %add3A_206 = arith.addi %mul3A_204, %add3A_205 : i32
    %dma_start3A_207 = arith.constant 0 : i32
    %dma_start3A_208 = arith.constant 0 : i32
    %dma_start3A_209 = tpu.memref_slice %arg12[%add3A_206, %dma_start3A_208] : memref<10240x128xf32, #tpu.memory_space<vmem_shared>> -> memref<16x128xf32, #tpu.memory_space<vmem_shared>>
    %dma_start3A_210 = tpu.memref_slice %arg14[%dma_start3A_207] : memref<4x!tpu.dma_semaphore, #tpu.memory_space<semaphore_mem>> -> memref<1x!tpu.dma_semaphore, #tpu.memory_space<semaphore_mem>>
    %dma_start3A_211 = tpu.memref_squeeze %dma_start3A_210 : memref<1x!tpu.dma_semaphore, #tpu.memory_space<semaphore_mem>> -> memref<!tpu.dma_semaphore, #tpu.memory_space<semaphore_mem>>
    %dma_start3A_212 = arith.constant 0 : i32
    %dma_start3A_213 = tpu.memref_slice %arg12[%add3A_206, %dma_start3A_212] : memref<10240x128xf32, #tpu.memory_space<vmem_shared>> -> memref<16x128xf32, #tpu.memory_space<vmem_shared>>
    tpu.enqueue_dma source(%arg11 : memref<16x128xf32, #tpu.memory_space<vmem>>) target(%dma_start3A_213 : memref<16x128xf32, #tpu.memory_space<vmem_shared>>) target_semaphore(%dma_start3A_211 : memref<!tpu.dma_semaphore, #tpu.memory_space<semaphore_mem>>)
    %mul3A_214 = arith.constant 640 : i32
    %mul3A_215 = arith.muli %arg1, %mul3A_214 : i32
    %add3A_216 = arith.constant 288 : i32
    %add3A_217 = arith.addi %mul3A_215, %add3A_216 : i32
    %dma_start3A_218 = arith.constant 0 : i32
    %dma_start3A_219 = arith.constant 0 : i32
    %dma_start3A_220 = tpu.memref_slice %arg12[%add3A_217, %dma_start3A_219] : memref<10240x128xf32, #tpu.memory_space<vmem_shared>> -> memref<16x128xf32, #tpu.memory_space<vmem_shared>>
    %dma_start3A_221 = tpu.memref_slice %arg14[%dma_start3A_218] : memref<4x!tpu.dma_semaphore, #tpu.memory_space<semaphore_mem>> -> memref<1x!tpu.dma_semaphore, #tpu.memory_space<semaphore_mem>>
    %dma_start3A_222 = tpu.memref_squeeze %dma_start3A_221 : memref<1x!tpu.dma_semaphore, #tpu.memory_space<semaphore_mem>> -> memref<!tpu.dma_semaphore, #tpu.memory_space<semaphore_mem>>
    %dma_start3A_223 = arith.constant 0 : i32
    %dma_start3A_224 = tpu.memref_slice %arg12[%add3A_217, %dma_start3A_223] : memref<10240x128xf32, #tpu.memory_space<vmem_shared>> -> memref<16x128xf32, #tpu.memory_space<vmem_shared>>
    tpu.enqueue_dma source(%arg11 : memref<16x128xf32, #tpu.memory_space<vmem>>) target(%dma_start3A_224 : memref<16x128xf32, #tpu.memory_space<vmem_shared>>) target_semaphore(%dma_start3A_222 : memref<!tpu.dma_semaphore, #tpu.memory_space<semaphore_mem>>)
    %mul3A_225 = arith.constant 640 : i32
    %mul3A_226 = arith.muli %arg1, %mul3A_225 : i32
    %add3A_227 = arith.constant 304 : i32
    %add3A_228 = arith.addi %mul3A_226, %add3A_227 : i32
    %dma_start3A_229 = arith.constant 0 : i32
    %dma_start3A_230 = arith.constant 0 : i32
    %dma_start3A_231 = tpu.memref_slice %arg12[%add3A_228, %dma_start3A_230] : memref<10240x128xf32, #tpu.memory_space<vmem_shared>> -> memref<16x128xf32, #tpu.memory_space<vmem_shared>>
    %dma_start3A_232 = tpu.memref_slice %arg14[%dma_start3A_229] : memref<4x!tpu.dma_semaphore, #tpu.memory_space<semaphore_mem>> -> memref<1x!tpu.dma_semaphore, #tpu.memory_space<semaphore_mem>>
    %dma_start3A_233 = tpu.memref_squeeze %dma_start3A_232 : memref<1x!tpu.dma_semaphore, #tpu.memory_space<semaphore_mem>> -> memref<!tpu.dma_semaphore, #tpu.memory_space<semaphore_mem>>
    %dma_start3A_234 = arith.constant 0 : i32
    %dma_start3A_235 = tpu.memref_slice %arg12[%add3A_228, %dma_start3A_234] : memref<10240x128xf32, #tpu.memory_space<vmem_shared>> -> memref<16x128xf32, #tpu.memory_space<vmem_shared>>
    tpu.enqueue_dma source(%arg11 : memref<16x128xf32, #tpu.memory_space<vmem>>) target(%dma_start3A_235 : memref<16x128xf32, #tpu.memory_space<vmem_shared>>) target_semaphore(%dma_start3A_233 : memref<!tpu.dma_semaphore, #tpu.memory_space<semaphore_mem>>)
    %mul3A_236 = arith.constant 640 : i32
    %mul3A_237 = arith.muli %arg1, %mul3A_236 : i32
    %add3A_238 = arith.constant 320 : i32
    %add3A_239 = arith.addi %mul3A_237, %add3A_238 : i32
    %dma_start3A_240 = arith.constant 0 : i32
    %dma_start3A_241 = arith.constant 0 : i32
    %dma_start3A_242 = tpu.memref_slice %arg12[%add3A_239, %dma_start3A_241] : memref<10240x128xf32, #tpu.memory_space<vmem_shared>> -> memref<16x128xf32, #tpu.memory_space<vmem_shared>>
    %dma_start3A_243 = tpu.memref_slice %arg14[%dma_start3A_240] : memref<4x!tpu.dma_semaphore, #tpu.memory_space<semaphore_mem>> -> memref<1x!tpu.dma_semaphore, #tpu.memory_space<semaphore_mem>>
    %dma_start3A_244 = tpu.memref_squeeze %dma_start3A_243 : memref<1x!tpu.dma_semaphore, #tpu.memory_space<semaphore_mem>> -> memref<!tpu.dma_semaphore, #tpu.memory_space<semaphore_mem>>
    %dma_start3A_245 = arith.constant 0 : i32
    %dma_start3A_246 = tpu.memref_slice %arg12[%add3A_239, %dma_start3A_245] : memref<10240x128xf32, #tpu.memory_space<vmem_shared>> -> memref<16x128xf32, #tpu.memory_space<vmem_shared>>
    tpu.enqueue_dma source(%arg11 : memref<16x128xf32, #tpu.memory_space<vmem>>) target(%dma_start3A_246 : memref<16x128xf32, #tpu.memory_space<vmem_shared>>) target_semaphore(%dma_start3A_244 : memref<!tpu.dma_semaphore, #tpu.memory_space<semaphore_mem>>)
    %mul3A_247 = arith.constant 640 : i32
    %mul3A_248 = arith.muli %arg1, %mul3A_247 : i32
    %add3A_249 = arith.constant 336 : i32
    %add3A_250 = arith.addi %mul3A_248, %add3A_249 : i32
    %dma_start3A_251 = arith.constant 0 : i32
    %dma_start3A_252 = arith.constant 0 : i32
    %dma_start3A_253 = tpu.memref_slice %arg12[%add3A_250, %dma_start3A_252] : memref<10240x128xf32, #tpu.memory_space<vmem_shared>> -> memref<16x128xf32, #tpu.memory_space<vmem_shared>>
    %dma_start3A_254 = tpu.memref_slice %arg14[%dma_start3A_251] : memref<4x!tpu.dma_semaphore, #tpu.memory_space<semaphore_mem>> -> memref<1x!tpu.dma_semaphore, #tpu.memory_space<semaphore_mem>>
    %dma_start3A_255 = tpu.memref_squeeze %dma_start3A_254 : memref<1x!tpu.dma_semaphore, #tpu.memory_space<semaphore_mem>> -> memref<!tpu.dma_semaphore, #tpu.memory_space<semaphore_mem>>
    %dma_start3A_256 = arith.constant 0 : i32
    %dma_start3A_257 = tpu.memref_slice %arg12[%add3A_250, %dma_start3A_256] : memref<10240x128xf32, #tpu.memory_space<vmem_shared>> -> memref<16x128xf32, #tpu.memory_space<vmem_shared>>
    tpu.enqueue_dma source(%arg11 : memref<16x128xf32, #tpu.memory_space<vmem>>) target(%dma_start3A_257 : memref<16x128xf32, #tpu.memory_space<vmem_shared>>) target_semaphore(%dma_start3A_255 : memref<!tpu.dma_semaphore, #tpu.memory_space<semaphore_mem>>)
    %mul3A_258 = arith.constant 640 : i32
    %mul3A_259 = arith.muli %arg1, %mul3A_258 : i32
    %add3A_260 = arith.constant 352 : i32
    %add3A_261 = arith.addi %mul3A_259, %add3A_260 : i32
    %dma_start3A_262 = arith.constant 0 : i32
    %dma_start3A_263 = arith.constant 0 : i32
    %dma_start3A_264 = tpu.memref_slice %arg12[%add3A_261, %dma_start3A_263] : memref<10240x128xf32, #tpu.memory_space<vmem_shared>> -> memref<16x128xf32, #tpu.memory_space<vmem_shared>>
    %dma_start3A_265 = tpu.memref_slice %arg14[%dma_start3A_262] : memref<4x!tpu.dma_semaphore, #tpu.memory_space<semaphore_mem>> -> memref<1x!tpu.dma_semaphore, #tpu.memory_space<semaphore_mem>>
    %dma_start3A_266 = tpu.memref_squeeze %dma_start3A_265 : memref<1x!tpu.dma_semaphore, #tpu.memory_space<semaphore_mem>> -> memref<!tpu.dma_semaphore, #tpu.memory_space<semaphore_mem>>
    %dma_start3A_267 = arith.constant 0 : i32
    %dma_start3A_268 = tpu.memref_slice %arg12[%add3A_261, %dma_start3A_267] : memref<10240x128xf32, #tpu.memory_space<vmem_shared>> -> memref<16x128xf32, #tpu.memory_space<vmem_shared>>
    tpu.enqueue_dma source(%arg11 : memref<16x128xf32, #tpu.memory_space<vmem>>) target(%dma_start3A_268 : memref<16x128xf32, #tpu.memory_space<vmem_shared>>) target_semaphore(%dma_start3A_266 : memref<!tpu.dma_semaphore, #tpu.memory_space<semaphore_mem>>)
    %mul3A_269 = arith.constant 640 : i32
    %mul3A_270 = arith.muli %arg1, %mul3A_269 : i32
    %add3A_271 = arith.constant 368 : i32
    %add3A_272 = arith.addi %mul3A_270, %add3A_271 : i32
    %dma_start3A_273 = arith.constant 0 : i32
    %dma_start3A_274 = arith.constant 0 : i32
    %dma_start3A_275 = tpu.memref_slice %arg12[%add3A_272, %dma_start3A_274] : memref<10240x128xf32, #tpu.memory_space<vmem_shared>> -> memref<16x128xf32, #tpu.memory_space<vmem_shared>>
    %dma_start3A_276 = tpu.memref_slice %arg14[%dma_start3A_273] : memref<4x!tpu.dma_semaphore, #tpu.memory_space<semaphore_mem>> -> memref<1x!tpu.dma_semaphore, #tpu.memory_space<semaphore_mem>>
    %dma_start3A_277 = tpu.memref_squeeze %dma_start3A_276 : memref<1x!tpu.dma_semaphore, #tpu.memory_space<semaphore_mem>> -> memref<!tpu.dma_semaphore, #tpu.memory_space<semaphore_mem>>
    %dma_start3A_278 = arith.constant 0 : i32
    %dma_start3A_279 = tpu.memref_slice %arg12[%add3A_272, %dma_start3A_278] : memref<10240x128xf32, #tpu.memory_space<vmem_shared>> -> memref<16x128xf32, #tpu.memory_space<vmem_shared>>
    tpu.enqueue_dma source(%arg11 : memref<16x128xf32, #tpu.memory_space<vmem>>) target(%dma_start3A_279 : memref<16x128xf32, #tpu.memory_space<vmem_shared>>) target_semaphore(%dma_start3A_277 : memref<!tpu.dma_semaphore, #tpu.memory_space<semaphore_mem>>)
    %mul3A_280 = arith.constant 640 : i32
    %mul3A_281 = arith.muli %arg1, %mul3A_280 : i32
    %add3A_282 = arith.constant 384 : i32
    %add3A_283 = arith.addi %mul3A_281, %add3A_282 : i32
    %dma_start3A_284 = arith.constant 0 : i32
    %dma_start3A_285 = arith.constant 0 : i32
    %dma_start3A_286 = tpu.memref_slice %arg12[%add3A_283, %dma_start3A_285] : memref<10240x128xf32, #tpu.memory_space<vmem_shared>> -> memref<16x128xf32, #tpu.memory_space<vmem_shared>>
    %dma_start3A_287 = tpu.memref_slice %arg14[%dma_start3A_284] : memref<4x!tpu.dma_semaphore, #tpu.memory_space<semaphore_mem>> -> memref<1x!tpu.dma_semaphore, #tpu.memory_space<semaphore_mem>>
    %dma_start3A_288 = tpu.memref_squeeze %dma_start3A_287 : memref<1x!tpu.dma_semaphore, #tpu.memory_space<semaphore_mem>> -> memref<!tpu.dma_semaphore, #tpu.memory_space<semaphore_mem>>
    %dma_start3A_289 = arith.constant 0 : i32
    %dma_start3A_290 = tpu.memref_slice %arg12[%add3A_283, %dma_start3A_289] : memref<10240x128xf32, #tpu.memory_space<vmem_shared>> -> memref<16x128xf32, #tpu.memory_space<vmem_shared>>
    tpu.enqueue_dma source(%arg11 : memref<16x128xf32, #tpu.memory_space<vmem>>) target(%dma_start3A_290 : memref<16x128xf32, #tpu.memory_space<vmem_shared>>) target_semaphore(%dma_start3A_288 : memref<!tpu.dma_semaphore, #tpu.memory_space<semaphore_mem>>)
    %mul3A_291 = arith.constant 640 : i32
    %mul3A_292 = arith.muli %arg1, %mul3A_291 : i32
    %add3A_293 = arith.constant 400 : i32
    %add3A_294 = arith.addi %mul3A_292, %add3A_293 : i32
    %dma_start3A_295 = arith.constant 0 : i32
    %dma_start3A_296 = arith.constant 0 : i32
    %dma_start3A_297 = tpu.memref_slice %arg12[%add3A_294, %dma_start3A_296] : memref<10240x128xf32, #tpu.memory_space<vmem_shared>> -> memref<16x128xf32, #tpu.memory_space<vmem_shared>>
    %dma_start3A_298 = tpu.memref_slice %arg14[%dma_start3A_295] : memref<4x!tpu.dma_semaphore, #tpu.memory_space<semaphore_mem>> -> memref<1x!tpu.dma_semaphore, #tpu.memory_space<semaphore_mem>>
    %dma_start3A_299 = tpu.memref_squeeze %dma_start3A_298 : memref<1x!tpu.dma_semaphore, #tpu.memory_space<semaphore_mem>> -> memref<!tpu.dma_semaphore, #tpu.memory_space<semaphore_mem>>
    %dma_start3A_300 = arith.constant 0 : i32
    %dma_start3A_301 = tpu.memref_slice %arg12[%add3A_294, %dma_start3A_300] : memref<10240x128xf32, #tpu.memory_space<vmem_shared>> -> memref<16x128xf32, #tpu.memory_space<vmem_shared>>
    tpu.enqueue_dma source(%arg11 : memref<16x128xf32, #tpu.memory_space<vmem>>) target(%dma_start3A_301 : memref<16x128xf32, #tpu.memory_space<vmem_shared>>) target_semaphore(%dma_start3A_299 : memref<!tpu.dma_semaphore, #tpu.memory_space<semaphore_mem>>)
    %mul3A_302 = arith.constant 640 : i32
    %mul3A_303 = arith.muli %arg1, %mul3A_302 : i32
    %add3A_304 = arith.constant 416 : i32
    %add3A_305 = arith.addi %mul3A_303, %add3A_304 : i32
    %dma_start3A_306 = arith.constant 0 : i32
    %dma_start3A_307 = arith.constant 0 : i32
    %dma_start3A_308 = tpu.memref_slice %arg12[%add3A_305, %dma_start3A_307] : memref<10240x128xf32, #tpu.memory_space<vmem_shared>> -> memref<16x128xf32, #tpu.memory_space<vmem_shared>>
    %dma_start3A_309 = tpu.memref_slice %arg14[%dma_start3A_306] : memref<4x!tpu.dma_semaphore, #tpu.memory_space<semaphore_mem>> -> memref<1x!tpu.dma_semaphore, #tpu.memory_space<semaphore_mem>>
    %dma_start3A_310 = tpu.memref_squeeze %dma_start3A_309 : memref<1x!tpu.dma_semaphore, #tpu.memory_space<semaphore_mem>> -> memref<!tpu.dma_semaphore, #tpu.memory_space<semaphore_mem>>
    %dma_start3A_311 = arith.constant 0 : i32
    %dma_start3A_312 = tpu.memref_slice %arg12[%add3A_305, %dma_start3A_311] : memref<10240x128xf32, #tpu.memory_space<vmem_shared>> -> memref<16x128xf32, #tpu.memory_space<vmem_shared>>
    tpu.enqueue_dma source(%arg11 : memref<16x128xf32, #tpu.memory_space<vmem>>) target(%dma_start3A_312 : memref<16x128xf32, #tpu.memory_space<vmem_shared>>) target_semaphore(%dma_start3A_310 : memref<!tpu.dma_semaphore, #tpu.memory_space<semaphore_mem>>)
    %mul3A_313 = arith.constant 640 : i32
    %mul3A_314 = arith.muli %arg1, %mul3A_313 : i32
    %add3A_315 = arith.constant 432 : i32
    %add3A_316 = arith.addi %mul3A_314, %add3A_315 : i32
    %dma_start3A_317 = arith.constant 0 : i32
    %dma_start3A_318 = arith.constant 0 : i32
    %dma_start3A_319 = tpu.memref_slice %arg12[%add3A_316, %dma_start3A_318] : memref<10240x128xf32, #tpu.memory_space<vmem_shared>> -> memref<16x128xf32, #tpu.memory_space<vmem_shared>>
    %dma_start3A_320 = tpu.memref_slice %arg14[%dma_start3A_317] : memref<4x!tpu.dma_semaphore, #tpu.memory_space<semaphore_mem>> -> memref<1x!tpu.dma_semaphore, #tpu.memory_space<semaphore_mem>>
    %dma_start3A_321 = tpu.memref_squeeze %dma_start3A_320 : memref<1x!tpu.dma_semaphore, #tpu.memory_space<semaphore_mem>> -> memref<!tpu.dma_semaphore, #tpu.memory_space<semaphore_mem>>
    %dma_start3A_322 = arith.constant 0 : i32
    %dma_start3A_323 = tpu.memref_slice %arg12[%add3A_316, %dma_start3A_322] : memref<10240x128xf32, #tpu.memory_space<vmem_shared>> -> memref<16x128xf32, #tpu.memory_space<vmem_shared>>
    tpu.enqueue_dma source(%arg11 : memref<16x128xf32, #tpu.memory_space<vmem>>) target(%dma_start3A_323 : memref<16x128xf32, #tpu.memory_space<vmem_shared>>) target_semaphore(%dma_start3A_321 : memref<!tpu.dma_semaphore, #tpu.memory_space<semaphore_mem>>)
    %mul3A_324 = arith.constant 640 : i32
    %mul3A_325 = arith.muli %arg1, %mul3A_324 : i32
    %add3A_326 = arith.constant 448 : i32
    %add3A_327 = arith.addi %mul3A_325, %add3A_326 : i32
    %dma_start3A_328 = arith.constant 0 : i32
    %dma_start3A_329 = arith.constant 0 : i32
    %dma_start3A_330 = tpu.memref_slice %arg12[%add3A_327, %dma_start3A_329] : memref<10240x128xf32, #tpu.memory_space<vmem_shared>> -> memref<16x128xf32, #tpu.memory_space<vmem_shared>>
    %dma_start3A_331 = tpu.memref_slice %arg14[%dma_start3A_328] : memref<4x!tpu.dma_semaphore, #tpu.memory_space<semaphore_mem>> -> memref<1x!tpu.dma_semaphore, #tpu.memory_space<semaphore_mem>>
    %dma_start3A_332 = tpu.memref_squeeze %dma_start3A_331 : memref<1x!tpu.dma_semaphore, #tpu.memory_space<semaphore_mem>> -> memref<!tpu.dma_semaphore, #tpu.memory_space<semaphore_mem>>
    %dma_start3A_333 = arith.constant 0 : i32
    %dma_start3A_334 = tpu.memref_slice %arg12[%add3A_327, %dma_start3A_333] : memref<10240x128xf32, #tpu.memory_space<vmem_shared>> -> memref<16x128xf32, #tpu.memory_space<vmem_shared>>
    tpu.enqueue_dma source(%arg11 : memref<16x128xf32, #tpu.memory_space<vmem>>) target(%dma_start3A_334 : memref<16x128xf32, #tpu.memory_space<vmem_shared>>) target_semaphore(%dma_start3A_332 : memref<!tpu.dma_semaphore, #tpu.memory_space<semaphore_mem>>)
    %mul3A_335 = arith.constant 640 : i32
    %mul3A_336 = arith.muli %arg1, %mul3A_335 : i32
    %add3A_337 = arith.constant 464 : i32
    %add3A_338 = arith.addi %mul3A_336, %add3A_337 : i32
    %dma_start3A_339 = arith.constant 0 : i32
    %dma_start3A_340 = arith.constant 0 : i32
    %dma_start3A_341 = tpu.memref_slice %arg12[%add3A_338, %dma_start3A_340] : memref<10240x128xf32, #tpu.memory_space<vmem_shared>> -> memref<16x128xf32, #tpu.memory_space<vmem_shared>>
    %dma_start3A_342 = tpu.memref_slice %arg14[%dma_start3A_339] : memref<4x!tpu.dma_semaphore, #tpu.memory_space<semaphore_mem>> -> memref<1x!tpu.dma_semaphore, #tpu.memory_space<semaphore_mem>>
    %dma_start3A_343 = tpu.memref_squeeze %dma_start3A_342 : memref<1x!tpu.dma_semaphore, #tpu.memory_space<semaphore_mem>> -> memref<!tpu.dma_semaphore, #tpu.memory_space<semaphore_mem>>
    %dma_start3A_344 = arith.constant 0 : i32
    %dma_start3A_345 = tpu.memref_slice %arg12[%add3A_338, %dma_start3A_344] : memref<10240x128xf32, #tpu.memory_space<vmem_shared>> -> memref<16x128xf32, #tpu.memory_space<vmem_shared>>
    tpu.enqueue_dma source(%arg11 : memref<16x128xf32, #tpu.memory_space<vmem>>) target(%dma_start3A_345 : memref<16x128xf32, #tpu.memory_space<vmem_shared>>) target_semaphore(%dma_start3A_343 : memref<!tpu.dma_semaphore, #tpu.memory_space<semaphore_mem>>)
    %mul3A_346 = arith.constant 640 : i32
    %mul3A_347 = arith.muli %arg1, %mul3A_346 : i32
    %add3A_348 = arith.constant 480 : i32
    %add3A_349 = arith.addi %mul3A_347, %add3A_348 : i32
    %dma_start3A_350 = arith.constant 0 : i32
    %dma_start3A_351 = arith.constant 0 : i32
    %dma_start3A_352 = tpu.memref_slice %arg12[%add3A_349, %dma_start3A_351] : memref<10240x128xf32, #tpu.memory_space<vmem_shared>> -> memref<16x128xf32, #tpu.memory_space<vmem_shared>>
    %dma_start3A_353 = tpu.memref_slice %arg14[%dma_start3A_350] : memref<4x!tpu.dma_semaphore, #tpu.memory_space<semaphore_mem>> -> memref<1x!tpu.dma_semaphore, #tpu.memory_space<semaphore_mem>>
    %dma_start3A_354 = tpu.memref_squeeze %dma_start3A_353 : memref<1x!tpu.dma_semaphore, #tpu.memory_space<semaphore_mem>> -> memref<!tpu.dma_semaphore, #tpu.memory_space<semaphore_mem>>
    %dma_start3A_355 = arith.constant 0 : i32
    %dma_start3A_356 = tpu.memref_slice %arg12[%add3A_349, %dma_start3A_355] : memref<10240x128xf32, #tpu.memory_space<vmem_shared>> -> memref<16x128xf32, #tpu.memory_space<vmem_shared>>
    tpu.enqueue_dma source(%arg11 : memref<16x128xf32, #tpu.memory_space<vmem>>) target(%dma_start3A_356 : memref<16x128xf32, #tpu.memory_space<vmem_shared>>) target_semaphore(%dma_start3A_354 : memref<!tpu.dma_semaphore, #tpu.memory_space<semaphore_mem>>)
    %mul3A_357 = arith.constant 640 : i32
    %mul3A_358 = arith.muli %arg1, %mul3A_357 : i32
    %add3A_359 = arith.constant 496 : i32
    %add3A_360 = arith.addi %mul3A_358, %add3A_359 : i32
    %dma_start3A_361 = arith.constant 0 : i32
    %dma_start3A_362 = arith.constant 0 : i32
    %dma_start3A_363 = tpu.memref_slice %arg12[%add3A_360, %dma_start3A_362] : memref<10240x128xf32, #tpu.memory_space<vmem_shared>> -> memref<16x128xf32, #tpu.memory_space<vmem_shared>>
    %dma_start3A_364 = tpu.memref_slice %arg14[%dma_start3A_361] : memref<4x!tpu.dma_semaphore, #tpu.memory_space<semaphore_mem>> -> memref<1x!tpu.dma_semaphore, #tpu.memory_space<semaphore_mem>>
    %dma_start3A_365 = tpu.memref_squeeze %dma_start3A_364 : memref<1x!tpu.dma_semaphore, #tpu.memory_space<semaphore_mem>> -> memref<!tpu.dma_semaphore, #tpu.memory_space<semaphore_mem>>
    %dma_start3A_366 = arith.constant 0 : i32
    %dma_start3A_367 = tpu.memref_slice %arg12[%add3A_360, %dma_start3A_366] : memref<10240x128xf32, #tpu.memory_space<vmem_shared>> -> memref<16x128xf32, #tpu.memory_space<vmem_shared>>
    tpu.enqueue_dma source(%arg11 : memref<16x128xf32, #tpu.memory_space<vmem>>) target(%dma_start3A_367 : memref<16x128xf32, #tpu.memory_space<vmem_shared>>) target_semaphore(%dma_start3A_365 : memref<!tpu.dma_semaphore, #tpu.memory_space<semaphore_mem>>)
    %mul3A_368 = arith.constant 640 : i32
    %mul3A_369 = arith.muli %arg1, %mul3A_368 : i32
    %add3A_370 = arith.constant 512 : i32
    %add3A_371 = arith.addi %mul3A_369, %add3A_370 : i32
    %dma_start3A_372 = arith.constant 0 : i32
    %dma_start3A_373 = arith.constant 0 : i32
    %dma_start3A_374 = tpu.memref_slice %arg12[%add3A_371, %dma_start3A_373] : memref<10240x128xf32, #tpu.memory_space<vmem_shared>> -> memref<16x128xf32, #tpu.memory_space<vmem_shared>>
    %dma_start3A_375 = tpu.memref_slice %arg14[%dma_start3A_372] : memref<4x!tpu.dma_semaphore, #tpu.memory_space<semaphore_mem>> -> memref<1x!tpu.dma_semaphore, #tpu.memory_space<semaphore_mem>>
    %dma_start3A_376 = tpu.memref_squeeze %dma_start3A_375 : memref<1x!tpu.dma_semaphore, #tpu.memory_space<semaphore_mem>> -> memref<!tpu.dma_semaphore, #tpu.memory_space<semaphore_mem>>
    %dma_start3A_377 = arith.constant 0 : i32
    %dma_start3A_378 = tpu.memref_slice %arg12[%add3A_371, %dma_start3A_377] : memref<10240x128xf32, #tpu.memory_space<vmem_shared>> -> memref<16x128xf32, #tpu.memory_space<vmem_shared>>
    tpu.enqueue_dma source(%arg11 : memref<16x128xf32, #tpu.memory_space<vmem>>) target(%dma_start3A_378 : memref<16x128xf32, #tpu.memory_space<vmem_shared>>) target_semaphore(%dma_start3A_376 : memref<!tpu.dma_semaphore, #tpu.memory_space<semaphore_mem>>)
    %mul3A_379 = arith.constant 640 : i32
    %mul3A_380 = arith.muli %arg1, %mul3A_379 : i32
    %add3A_381 = arith.constant 528 : i32
    %add3A_382 = arith.addi %mul3A_380, %add3A_381 : i32
    %dma_start3A_383 = arith.constant 0 : i32
    %dma_start3A_384 = arith.constant 0 : i32
    %dma_start3A_385 = tpu.memref_slice %arg12[%add3A_382, %dma_start3A_384] : memref<10240x128xf32, #tpu.memory_space<vmem_shared>> -> memref<16x128xf32, #tpu.memory_space<vmem_shared>>
    %dma_start3A_386 = tpu.memref_slice %arg14[%dma_start3A_383] : memref<4x!tpu.dma_semaphore, #tpu.memory_space<semaphore_mem>> -> memref<1x!tpu.dma_semaphore, #tpu.memory_space<semaphore_mem>>
    %dma_start3A_387 = tpu.memref_squeeze %dma_start3A_386 : memref<1x!tpu.dma_semaphore, #tpu.memory_space<semaphore_mem>> -> memref<!tpu.dma_semaphore, #tpu.memory_space<semaphore_mem>>
    %dma_start3A_388 = arith.constant 0 : i32
    %dma_start3A_389 = tpu.memref_slice %arg12[%add3A_382, %dma_start3A_388] : memref<10240x128xf32, #tpu.memory_space<vmem_shared>> -> memref<16x128xf32, #tpu.memory_space<vmem_shared>>
    tpu.enqueue_dma source(%arg11 : memref<16x128xf32, #tpu.memory_space<vmem>>) target(%dma_start3A_389 : memref<16x128xf32, #tpu.memory_space<vmem_shared>>) target_semaphore(%dma_start3A_387 : memref<!tpu.dma_semaphore, #tpu.memory_space<semaphore_mem>>)
    %mul3A_390 = arith.constant 640 : i32
    %mul3A_391 = arith.muli %arg1, %mul3A_390 : i32
    %add3A_392 = arith.constant 544 : i32
    %add3A_393 = arith.addi %mul3A_391, %add3A_392 : i32
    %dma_start3A_394 = arith.constant 0 : i32
    %dma_start3A_395 = arith.constant 0 : i32
    %dma_start3A_396 = tpu.memref_slice %arg12[%add3A_393, %dma_start3A_395] : memref<10240x128xf32, #tpu.memory_space<vmem_shared>> -> memref<16x128xf32, #tpu.memory_space<vmem_shared>>
    %dma_start3A_397 = tpu.memref_slice %arg14[%dma_start3A_394] : memref<4x!tpu.dma_semaphore, #tpu.memory_space<semaphore_mem>> -> memref<1x!tpu.dma_semaphore, #tpu.memory_space<semaphore_mem>>
    %dma_start3A_398 = tpu.memref_squeeze %dma_start3A_397 : memref<1x!tpu.dma_semaphore, #tpu.memory_space<semaphore_mem>> -> memref<!tpu.dma_semaphore, #tpu.memory_space<semaphore_mem>>
    %dma_start3A_399 = arith.constant 0 : i32
    %dma_start3A_400 = tpu.memref_slice %arg12[%add3A_393, %dma_start3A_399] : memref<10240x128xf32, #tpu.memory_space<vmem_shared>> -> memref<16x128xf32, #tpu.memory_space<vmem_shared>>
    tpu.enqueue_dma source(%arg11 : memref<16x128xf32, #tpu.memory_space<vmem>>) target(%dma_start3A_400 : memref<16x128xf32, #tpu.memory_space<vmem_shared>>) target_semaphore(%dma_start3A_398 : memref<!tpu.dma_semaphore, #tpu.memory_space<semaphore_mem>>)
    %mul3A_401 = arith.constant 640 : i32
    %mul3A_402 = arith.muli %arg1, %mul3A_401 : i32
    %add3A_403 = arith.constant 560 : i32
    %add3A_404 = arith.addi %mul3A_402, %add3A_403 : i32
    %dma_start3A_405 = arith.constant 0 : i32
    %dma_start3A_406 = arith.constant 0 : i32
    %dma_start3A_407 = tpu.memref_slice %arg12[%add3A_404, %dma_start3A_406] : memref<10240x128xf32, #tpu.memory_space<vmem_shared>> -> memref<16x128xf32, #tpu.memory_space<vmem_shared>>
    %dma_start3A_408 = tpu.memref_slice %arg14[%dma_start3A_405] : memref<4x!tpu.dma_semaphore, #tpu.memory_space<semaphore_mem>> -> memref<1x!tpu.dma_semaphore, #tpu.memory_space<semaphore_mem>>
    %dma_start3A_409 = tpu.memref_squeeze %dma_start3A_408 : memref<1x!tpu.dma_semaphore, #tpu.memory_space<semaphore_mem>> -> memref<!tpu.dma_semaphore, #tpu.memory_space<semaphore_mem>>
    %dma_start3A_410 = arith.constant 0 : i32
    %dma_start3A_411 = tpu.memref_slice %arg12[%add3A_404, %dma_start3A_410] : memref<10240x128xf32, #tpu.memory_space<vmem_shared>> -> memref<16x128xf32, #tpu.memory_space<vmem_shared>>
    tpu.enqueue_dma source(%arg11 : memref<16x128xf32, #tpu.memory_space<vmem>>) target(%dma_start3A_411 : memref<16x128xf32, #tpu.memory_space<vmem_shared>>) target_semaphore(%dma_start3A_409 : memref<!tpu.dma_semaphore, #tpu.memory_space<semaphore_mem>>)
    %mul3A_412 = arith.constant 640 : i32
    %mul3A_413 = arith.muli %arg1, %mul3A_412 : i32
    %add3A_414 = arith.constant 576 : i32
    %add3A_415 = arith.addi %mul3A_413, %add3A_414 : i32
    %dma_start3A_416 = arith.constant 0 : i32
    %dma_start3A_417 = arith.constant 0 : i32
    %dma_start3A_418 = tpu.memref_slice %arg12[%add3A_415, %dma_start3A_417] : memref<10240x128xf32, #tpu.memory_space<vmem_shared>> -> memref<16x128xf32, #tpu.memory_space<vmem_shared>>
    %dma_start3A_419 = tpu.memref_slice %arg14[%dma_start3A_416] : memref<4x!tpu.dma_semaphore, #tpu.memory_space<semaphore_mem>> -> memref<1x!tpu.dma_semaphore, #tpu.memory_space<semaphore_mem>>
    %dma_start3A_420 = tpu.memref_squeeze %dma_start3A_419 : memref<1x!tpu.dma_semaphore, #tpu.memory_space<semaphore_mem>> -> memref<!tpu.dma_semaphore, #tpu.memory_space<semaphore_mem>>
    %dma_start3A_421 = arith.constant 0 : i32
    %dma_start3A_422 = tpu.memref_slice %arg12[%add3A_415, %dma_start3A_421] : memref<10240x128xf32, #tpu.memory_space<vmem_shared>> -> memref<16x128xf32, #tpu.memory_space<vmem_shared>>
    tpu.enqueue_dma source(%arg11 : memref<16x128xf32, #tpu.memory_space<vmem>>) target(%dma_start3A_422 : memref<16x128xf32, #tpu.memory_space<vmem_shared>>) target_semaphore(%dma_start3A_420 : memref<!tpu.dma_semaphore, #tpu.memory_space<semaphore_mem>>)
    %mul3A_423 = arith.constant 640 : i32
    %mul3A_424 = arith.muli %arg1, %mul3A_423 : i32
    %add3A_425 = arith.constant 592 : i32
    %add3A_426 = arith.addi %mul3A_424, %add3A_425 : i32
    %dma_start3A_427 = arith.constant 0 : i32
    %dma_start3A_428 = arith.constant 0 : i32
    %dma_start3A_429 = tpu.memref_slice %arg12[%add3A_426, %dma_start3A_428] : memref<10240x128xf32, #tpu.memory_space<vmem_shared>> -> memref<16x128xf32, #tpu.memory_space<vmem_shared>>
    %dma_start3A_430 = tpu.memref_slice %arg14[%dma_start3A_427] : memref<4x!tpu.dma_semaphore, #tpu.memory_space<semaphore_mem>> -> memref<1x!tpu.dma_semaphore, #tpu.memory_space<semaphore_mem>>
    %dma_start3A_431 = tpu.memref_squeeze %dma_start3A_430 : memref<1x!tpu.dma_semaphore, #tpu.memory_space<semaphore_mem>> -> memref<!tpu.dma_semaphore, #tpu.memory_space<semaphore_mem>>
    %dma_start3A_432 = arith.constant 0 : i32
    %dma_start3A_433 = tpu.memref_slice %arg12[%add3A_426, %dma_start3A_432] : memref<10240x128xf32, #tpu.memory_space<vmem_shared>> -> memref<16x128xf32, #tpu.memory_space<vmem_shared>>
    tpu.enqueue_dma source(%arg11 : memref<16x128xf32, #tpu.memory_space<vmem>>) target(%dma_start3A_433 : memref<16x128xf32, #tpu.memory_space<vmem_shared>>) target_semaphore(%dma_start3A_431 : memref<!tpu.dma_semaphore, #tpu.memory_space<semaphore_mem>>)
    %mul3A_434 = arith.constant 640 : i32
    %mul3A_435 = arith.muli %arg1, %mul3A_434 : i32
    %add3A_436 = arith.constant 608 : i32
    %add3A_437 = arith.addi %mul3A_435, %add3A_436 : i32
    %dma_start3A_438 = arith.constant 0 : i32
    %dma_start3A_439 = arith.constant 0 : i32
    %dma_start3A_440 = tpu.memref_slice %arg12[%add3A_437, %dma_start3A_439] : memref<10240x128xf32, #tpu.memory_space<vmem_shared>> -> memref<16x128xf32, #tpu.memory_space<vmem_shared>>
    %dma_start3A_441 = tpu.memref_slice %arg14[%dma_start3A_438] : memref<4x!tpu.dma_semaphore, #tpu.memory_space<semaphore_mem>> -> memref<1x!tpu.dma_semaphore, #tpu.memory_space<semaphore_mem>>
    %dma_start3A_442 = tpu.memref_squeeze %dma_start3A_441 : memref<1x!tpu.dma_semaphore, #tpu.memory_space<semaphore_mem>> -> memref<!tpu.dma_semaphore, #tpu.memory_space<semaphore_mem>>
    %dma_start3A_443 = arith.constant 0 : i32
    %dma_start3A_444 = tpu.memref_slice %arg12[%add3A_437, %dma_start3A_443] : memref<10240x128xf32, #tpu.memory_space<vmem_shared>> -> memref<16x128xf32, #tpu.memory_space<vmem_shared>>
    tpu.enqueue_dma source(%arg11 : memref<16x128xf32, #tpu.memory_space<vmem>>) target(%dma_start3A_444 : memref<16x128xf32, #tpu.memory_space<vmem_shared>>) target_semaphore(%dma_start3A_442 : memref<!tpu.dma_semaphore, #tpu.memory_space<semaphore_mem>>)
    %mul3A_445 = arith.constant 640 : i32
    %mul3A_446 = arith.muli %arg1, %mul3A_445 : i32
    %add3A_447 = arith.constant 624 : i32
    %add3A_448 = arith.addi %mul3A_446, %add3A_447 : i32
    %dma_start3A_449 = arith.constant 0 : i32
    %dma_start3A_450 = arith.constant 0 : i32
    %dma_start3A_451 = tpu.memref_slice %arg12[%add3A_448, %dma_start3A_450] : memref<10240x128xf32, #tpu.memory_space<vmem_shared>> -> memref<16x128xf32, #tpu.memory_space<vmem_shared>>
    %dma_start3A_452 = tpu.memref_slice %arg14[%dma_start3A_449] : memref<4x!tpu.dma_semaphore, #tpu.memory_space<semaphore_mem>> -> memref<1x!tpu.dma_semaphore, #tpu.memory_space<semaphore_mem>>
    %dma_start3A_453 = tpu.memref_squeeze %dma_start3A_452 : memref<1x!tpu.dma_semaphore, #tpu.memory_space<semaphore_mem>> -> memref<!tpu.dma_semaphore, #tpu.memory_space<semaphore_mem>>
    %dma_start3A_454 = arith.constant 0 : i32
    %dma_start3A_455 = tpu.memref_slice %arg12[%add3A_448, %dma_start3A_454] : memref<10240x128xf32, #tpu.memory_space<vmem_shared>> -> memref<16x128xf32, #tpu.memory_space<vmem_shared>>
    tpu.enqueue_dma source(%arg11 : memref<16x128xf32, #tpu.memory_space<vmem>>) target(%dma_start3A_455 : memref<16x128xf32, #tpu.memory_space<vmem_shared>>) target_semaphore(%dma_start3A_453 : memref<!tpu.dma_semaphore, #tpu.memory_space<semaphore_mem>>)
    %dma_wait3A = arith.constant 0 : i32
    %dma_wait3A_456 = arith.constant 0 : i32
    %dma_wait3A_457 = tpu.memref_slice %arg12[%add3A_20, %dma_wait3A_456] : memref<10240x128xf32, #tpu.memory_space<vmem_shared>> -> memref<16x128xf32, #tpu.memory_space<vmem_shared>>
    %dma_wait3A_458 = tpu.memref_slice %arg14[%dma_wait3A] : memref<4x!tpu.dma_semaphore, #tpu.memory_space<semaphore_mem>> -> memref<1x!tpu.dma_semaphore, #tpu.memory_space<semaphore_mem>>
    %dma_wait3A_459 = tpu.memref_squeeze %dma_wait3A_458 : memref<1x!tpu.dma_semaphore, #tpu.memory_space<semaphore_mem>> -> memref<!tpu.dma_semaphore, #tpu.memory_space<semaphore_mem>>
    %dma_wait3A_460 = arith.constant 0 : i32
    %dma_wait3A_461 = tpu.memref_slice %arg12[%add3A_20, %dma_wait3A_460] : memref<10240x128xf32, #tpu.memory_space<vmem_shared>> -> memref<16x128xf32, #tpu.memory_space<vmem_shared>>
    tpu.wait_dma2 semaphore(%dma_wait3A_459 : memref<!tpu.dma_semaphore, #tpu.memory_space<semaphore_mem>>) src(%arg11 : memref<16x128xf32, #tpu.memory_space<vmem>>) dst(%dma_wait3A_461 : memref<16x128xf32, #tpu.memory_space<vmem_shared>>)
    %dma_wait3A_462 = arith.constant 0 : i32
    %dma_wait3A_463 = arith.constant 0 : i32
    %dma_wait3A_464 = tpu.memref_slice %arg12[%add3A_30, %dma_wait3A_463] : memref<10240x128xf32, #tpu.memory_space<vmem_shared>> -> memref<16x128xf32, #tpu.memory_space<vmem_shared>>
    %dma_wait3A_465 = tpu.memref_slice %arg14[%dma_wait3A_462] : memref<4x!tpu.dma_semaphore, #tpu.memory_space<semaphore_mem>> -> memref<1x!tpu.dma_semaphore, #tpu.memory_space<semaphore_mem>>
    %dma_wait3A_466 = tpu.memref_squeeze %dma_wait3A_465 : memref<1x!tpu.dma_semaphore, #tpu.memory_space<semaphore_mem>> -> memref<!tpu.dma_semaphore, #tpu.memory_space<semaphore_mem>>
    %dma_wait3A_467 = arith.constant 0 : i32
    %dma_wait3A_468 = tpu.memref_slice %arg12[%add3A_30, %dma_wait3A_467] : memref<10240x128xf32, #tpu.memory_space<vmem_shared>> -> memref<16x128xf32, #tpu.memory_space<vmem_shared>>
    tpu.wait_dma2 semaphore(%dma_wait3A_466 : memref<!tpu.dma_semaphore, #tpu.memory_space<semaphore_mem>>) src(%arg11 : memref<16x128xf32, #tpu.memory_space<vmem>>) dst(%dma_wait3A_468 : memref<16x128xf32, #tpu.memory_space<vmem_shared>>)
    %dma_wait3A_469 = arith.constant 0 : i32
    %dma_wait3A_470 = arith.constant 0 : i32
    %dma_wait3A_471 = tpu.memref_slice %arg12[%add3A_41, %dma_wait3A_470] : memref<10240x128xf32, #tpu.memory_space<vmem_shared>> -> memref<16x128xf32, #tpu.memory_space<vmem_shared>>
    %dma_wait3A_472 = tpu.memref_slice %arg14[%dma_wait3A_469] : memref<4x!tpu.dma_semaphore, #tpu.memory_space<semaphore_mem>> -> memref<1x!tpu.dma_semaphore, #tpu.memory_space<semaphore_mem>>
    %dma_wait3A_473 = tpu.memref_squeeze %dma_wait3A_472 : memref<1x!tpu.dma_semaphore, #tpu.memory_space<semaphore_mem>> -> memref<!tpu.dma_semaphore, #tpu.memory_space<semaphore_mem>>
    %dma_wait3A_474 = arith.constant 0 : i32
    %dma_wait3A_475 = tpu.memref_slice %arg12[%add3A_41, %dma_wait3A_474] : memref<10240x128xf32, #tpu.memory_space<vmem_shared>> -> memref<16x128xf32, #tpu.memory_space<vmem_shared>>
    tpu.wait_dma2 semaphore(%dma_wait3A_473 : memref<!tpu.dma_semaphore, #tpu.memory_space<semaphore_mem>>) src(%arg11 : memref<16x128xf32, #tpu.memory_space<vmem>>) dst(%dma_wait3A_475 : memref<16x128xf32, #tpu.memory_space<vmem_shared>>)
    %dma_wait3A_476 = arith.constant 0 : i32
    %dma_wait3A_477 = arith.constant 0 : i32
    %dma_wait3A_478 = tpu.memref_slice %arg12[%add3A_52, %dma_wait3A_477] : memref<10240x128xf32, #tpu.memory_space<vmem_shared>> -> memref<16x128xf32, #tpu.memory_space<vmem_shared>>
    %dma_wait3A_479 = tpu.memref_slice %arg14[%dma_wait3A_476] : memref<4x!tpu.dma_semaphore, #tpu.memory_space<semaphore_mem>> -> memref<1x!tpu.dma_semaphore, #tpu.memory_space<semaphore_mem>>
    %dma_wait3A_480 = tpu.memref_squeeze %dma_wait3A_479 : memref<1x!tpu.dma_semaphore, #tpu.memory_space<semaphore_mem>> -> memref<!tpu.dma_semaphore, #tpu.memory_space<semaphore_mem>>
    %dma_wait3A_481 = arith.constant 0 : i32
    %dma_wait3A_482 = tpu.memref_slice %arg12[%add3A_52, %dma_wait3A_481] : memref<10240x128xf32, #tpu.memory_space<vmem_shared>> -> memref<16x128xf32, #tpu.memory_space<vmem_shared>>
    tpu.wait_dma2 semaphore(%dma_wait3A_480 : memref<!tpu.dma_semaphore, #tpu.memory_space<semaphore_mem>>) src(%arg11 : memref<16x128xf32, #tpu.memory_space<vmem>>) dst(%dma_wait3A_482 : memref<16x128xf32, #tpu.memory_space<vmem_shared>>)
    %dma_wait3A_483 = arith.constant 0 : i32
    %dma_wait3A_484 = arith.constant 0 : i32
    %dma_wait3A_485 = tpu.memref_slice %arg12[%add3A_63, %dma_wait3A_484] : memref<10240x128xf32, #tpu.memory_space<vmem_shared>> -> memref<16x128xf32, #tpu.memory_space<vmem_shared>>
    %dma_wait3A_486 = tpu.memref_slice %arg14[%dma_wait3A_483] : memref<4x!tpu.dma_semaphore, #tpu.memory_space<semaphore_mem>> -> memref<1x!tpu.dma_semaphore, #tpu.memory_space<semaphore_mem>>
    %dma_wait3A_487 = tpu.memref_squeeze %dma_wait3A_486 : memref<1x!tpu.dma_semaphore, #tpu.memory_space<semaphore_mem>> -> memref<!tpu.dma_semaphore, #tpu.memory_space<semaphore_mem>>
    %dma_wait3A_488 = arith.constant 0 : i32
    %dma_wait3A_489 = tpu.memref_slice %arg12[%add3A_63, %dma_wait3A_488] : memref<10240x128xf32, #tpu.memory_space<vmem_shared>> -> memref<16x128xf32, #tpu.memory_space<vmem_shared>>
    tpu.wait_dma2 semaphore(%dma_wait3A_487 : memref<!tpu.dma_semaphore, #tpu.memory_space<semaphore_mem>>) src(%arg11 : memref<16x128xf32, #tpu.memory_space<vmem>>) dst(%dma_wait3A_489 : memref<16x128xf32, #tpu.memory_space<vmem_shared>>)
    %dma_wait3A_490 = arith.constant 0 : i32
    %dma_wait3A_491 = arith.constant 0 : i32
    %dma_wait3A_492 = tpu.memref_slice %arg12[%add3A_74, %dma_wait3A_491] : memref<10240x128xf32, #tpu.memory_space<vmem_shared>> -> memref<16x128xf32, #tpu.memory_space<vmem_shared>>
    %dma_wait3A_493 = tpu.memref_slice %arg14[%dma_wait3A_490] : memref<4x!tpu.dma_semaphore, #tpu.memory_space<semaphore_mem>> -> memref<1x!tpu.dma_semaphore, #tpu.memory_space<semaphore_mem>>
    %dma_wait3A_494 = tpu.memref_squeeze %dma_wait3A_493 : memref<1x!tpu.dma_semaphore, #tpu.memory_space<semaphore_mem>> -> memref<!tpu.dma_semaphore, #tpu.memory_space<semaphore_mem>>
    %dma_wait3A_495 = arith.constant 0 : i32
    %dma_wait3A_496 = tpu.memref_slice %arg12[%add3A_74, %dma_wait3A_495] : memref<10240x128xf32, #tpu.memory_space<vmem_shared>> -> memref<16x128xf32, #tpu.memory_space<vmem_shared>>
    tpu.wait_dma2 semaphore(%dma_wait3A_494 : memref<!tpu.dma_semaphore, #tpu.memory_space<semaphore_mem>>) src(%arg11 : memref<16x128xf32, #tpu.memory_space<vmem>>) dst(%dma_wait3A_496 : memref<16x128xf32, #tpu.memory_space<vmem_shared>>)
    %dma_wait3A_497 = arith.constant 0 : i32
    %dma_wait3A_498 = arith.constant 0 : i32
    %dma_wait3A_499 = tpu.memref_slice %arg12[%add3A_85, %dma_wait3A_498] : memref<10240x128xf32, #tpu.memory_space<vmem_shared>> -> memref<16x128xf32, #tpu.memory_space<vmem_shared>>
    %dma_wait3A_500 = tpu.memref_slice %arg14[%dma_wait3A_497] : memref<4x!tpu.dma_semaphore, #tpu.memory_space<semaphore_mem>> -> memref<1x!tpu.dma_semaphore, #tpu.memory_space<semaphore_mem>>
    %dma_wait3A_501 = tpu.memref_squeeze %dma_wait3A_500 : memref<1x!tpu.dma_semaphore, #tpu.memory_space<semaphore_mem>> -> memref<!tpu.dma_semaphore, #tpu.memory_space<semaphore_mem>>
    %dma_wait3A_502 = arith.constant 0 : i32
    %dma_wait3A_503 = tpu.memref_slice %arg12[%add3A_85, %dma_wait3A_502] : memref<10240x128xf32, #tpu.memory_space<vmem_shared>> -> memref<16x128xf32, #tpu.memory_space<vmem_shared>>
    tpu.wait_dma2 semaphore(%dma_wait3A_501 : memref<!tpu.dma_semaphore, #tpu.memory_space<semaphore_mem>>) src(%arg11 : memref<16x128xf32, #tpu.memory_space<vmem>>) dst(%dma_wait3A_503 : memref<16x128xf32, #tpu.memory_space<vmem_shared>>)
    %dma_wait3A_504 = arith.constant 0 : i32
    %dma_wait3A_505 = arith.constant 0 : i32
    %dma_wait3A_506 = tpu.memref_slice %arg12[%add3A_96, %dma_wait3A_505] : memref<10240x128xf32, #tpu.memory_space<vmem_shared>> -> memref<16x128xf32, #tpu.memory_space<vmem_shared>>
    %dma_wait3A_507 = tpu.memref_slice %arg14[%dma_wait3A_504] : memref<4x!tpu.dma_semaphore, #tpu.memory_space<semaphore_mem>> -> memref<1x!tpu.dma_semaphore, #tpu.memory_space<semaphore_mem>>
    %dma_wait3A_508 = tpu.memref_squeeze %dma_wait3A_507 : memref<1x!tpu.dma_semaphore, #tpu.memory_space<semaphore_mem>> -> memref<!tpu.dma_semaphore, #tpu.memory_space<semaphore_mem>>
    %dma_wait3A_509 = arith.constant 0 : i32
    %dma_wait3A_510 = tpu.memref_slice %arg12[%add3A_96, %dma_wait3A_509] : memref<10240x128xf32, #tpu.memory_space<vmem_shared>> -> memref<16x128xf32, #tpu.memory_space<vmem_shared>>
    tpu.wait_dma2 semaphore(%dma_wait3A_508 : memref<!tpu.dma_semaphore, #tpu.memory_space<semaphore_mem>>) src(%arg11 : memref<16x128xf32, #tpu.memory_space<vmem>>) dst(%dma_wait3A_510 : memref<16x128xf32, #tpu.memory_space<vmem_shared>>)
    %dma_wait3A_511 = arith.constant 0 : i32
    %dma_wait3A_512 = arith.constant 0 : i32
    %dma_wait3A_513 = tpu.memref_slice %arg12[%add3A_107, %dma_wait3A_512] : memref<10240x128xf32, #tpu.memory_space<vmem_shared>> -> memref<16x128xf32, #tpu.memory_space<vmem_shared>>
    %dma_wait3A_514 = tpu.memref_slice %arg14[%dma_wait3A_511] : memref<4x!tpu.dma_semaphore, #tpu.memory_space<semaphore_mem>> -> memref<1x!tpu.dma_semaphore, #tpu.memory_space<semaphore_mem>>
    %dma_wait3A_515 = tpu.memref_squeeze %dma_wait3A_514 : memref<1x!tpu.dma_semaphore, #tpu.memory_space<semaphore_mem>> -> memref<!tpu.dma_semaphore, #tpu.memory_space<semaphore_mem>>
    %dma_wait3A_516 = arith.constant 0 : i32
    %dma_wait3A_517 = tpu.memref_slice %arg12[%add3A_107, %dma_wait3A_516] : memref<10240x128xf32, #tpu.memory_space<vmem_shared>> -> memref<16x128xf32, #tpu.memory_space<vmem_shared>>
    tpu.wait_dma2 semaphore(%dma_wait3A_515 : memref<!tpu.dma_semaphore, #tpu.memory_space<semaphore_mem>>) src(%arg11 : memref<16x128xf32, #tpu.memory_space<vmem>>) dst(%dma_wait3A_517 : memref<16x128xf32, #tpu.memory_space<vmem_shared>>)
    %dma_wait3A_518 = arith.constant 0 : i32
    %dma_wait3A_519 = arith.constant 0 : i32
    %dma_wait3A_520 = tpu.memref_slice %arg12[%add3A_118, %dma_wait3A_519] : memref<10240x128xf32, #tpu.memory_space<vmem_shared>> -> memref<16x128xf32, #tpu.memory_space<vmem_shared>>
    %dma_wait3A_521 = tpu.memref_slice %arg14[%dma_wait3A_518] : memref<4x!tpu.dma_semaphore, #tpu.memory_space<semaphore_mem>> -> memref<1x!tpu.dma_semaphore, #tpu.memory_space<semaphore_mem>>
    %dma_wait3A_522 = tpu.memref_squeeze %dma_wait3A_521 : memref<1x!tpu.dma_semaphore, #tpu.memory_space<semaphore_mem>> -> memref<!tpu.dma_semaphore, #tpu.memory_space<semaphore_mem>>
    %dma_wait3A_523 = arith.constant 0 : i32
    %dma_wait3A_524 = tpu.memref_slice %arg12[%add3A_118, %dma_wait3A_523] : memref<10240x128xf32, #tpu.memory_space<vmem_shared>> -> memref<16x128xf32, #tpu.memory_space<vmem_shared>>
    tpu.wait_dma2 semaphore(%dma_wait3A_522 : memref<!tpu.dma_semaphore, #tpu.memory_space<semaphore_mem>>) src(%arg11 : memref<16x128xf32, #tpu.memory_space<vmem>>) dst(%dma_wait3A_524 : memref<16x128xf32, #tpu.memory_space<vmem_shared>>)
    %dma_wait3A_525 = arith.constant 0 : i32
    %dma_wait3A_526 = arith.constant 0 : i32
    %dma_wait3A_527 = tpu.memref_slice %arg12[%add3A_129, %dma_wait3A_526] : memref<10240x128xf32, #tpu.memory_space<vmem_shared>> -> memref<16x128xf32, #tpu.memory_space<vmem_shared>>
    %dma_wait3A_528 = tpu.memref_slice %arg14[%dma_wait3A_525] : memref<4x!tpu.dma_semaphore, #tpu.memory_space<semaphore_mem>> -> memref<1x!tpu.dma_semaphore, #tpu.memory_space<semaphore_mem>>
    %dma_wait3A_529 = tpu.memref_squeeze %dma_wait3A_528 : memref<1x!tpu.dma_semaphore, #tpu.memory_space<semaphore_mem>> -> memref<!tpu.dma_semaphore, #tpu.memory_space<semaphore_mem>>
    %dma_wait3A_530 = arith.constant 0 : i32
    %dma_wait3A_531 = tpu.memref_slice %arg12[%add3A_129, %dma_wait3A_530] : memref<10240x128xf32, #tpu.memory_space<vmem_shared>> -> memref<16x128xf32, #tpu.memory_space<vmem_shared>>
    tpu.wait_dma2 semaphore(%dma_wait3A_529 : memref<!tpu.dma_semaphore, #tpu.memory_space<semaphore_mem>>) src(%arg11 : memref<16x128xf32, #tpu.memory_space<vmem>>) dst(%dma_wait3A_531 : memref<16x128xf32, #tpu.memory_space<vmem_shared>>)
    %dma_wait3A_532 = arith.constant 0 : i32
    %dma_wait3A_533 = arith.constant 0 : i32
    %dma_wait3A_534 = tpu.memref_slice %arg12[%add3A_140, %dma_wait3A_533] : memref<10240x128xf32, #tpu.memory_space<vmem_shared>> -> memref<16x128xf32, #tpu.memory_space<vmem_shared>>
    %dma_wait3A_535 = tpu.memref_slice %arg14[%dma_wait3A_532] : memref<4x!tpu.dma_semaphore, #tpu.memory_space<semaphore_mem>> -> memref<1x!tpu.dma_semaphore, #tpu.memory_space<semaphore_mem>>
    %dma_wait3A_536 = tpu.memref_squeeze %dma_wait3A_535 : memref<1x!tpu.dma_semaphore, #tpu.memory_space<semaphore_mem>> -> memref<!tpu.dma_semaphore, #tpu.memory_space<semaphore_mem>>
    %dma_wait3A_537 = arith.constant 0 : i32
    %dma_wait3A_538 = tpu.memref_slice %arg12[%add3A_140, %dma_wait3A_537] : memref<10240x128xf32, #tpu.memory_space<vmem_shared>> -> memref<16x128xf32, #tpu.memory_space<vmem_shared>>
    tpu.wait_dma2 semaphore(%dma_wait3A_536 : memref<!tpu.dma_semaphore, #tpu.memory_space<semaphore_mem>>) src(%arg11 : memref<16x128xf32, #tpu.memory_space<vmem>>) dst(%dma_wait3A_538 : memref<16x128xf32, #tpu.memory_space<vmem_shared>>)
    %dma_wait3A_539 = arith.constant 0 : i32
    %dma_wait3A_540 = arith.constant 0 : i32
    %dma_wait3A_541 = tpu.memref_slice %arg12[%add3A_151, %dma_wait3A_540] : memref<10240x128xf32, #tpu.memory_space<vmem_shared>> -> memref<16x128xf32, #tpu.memory_space<vmem_shared>>
    %dma_wait3A_542 = tpu.memref_slice %arg14[%dma_wait3A_539] : memref<4x!tpu.dma_semaphore, #tpu.memory_space<semaphore_mem>> -> memref<1x!tpu.dma_semaphore, #tpu.memory_space<semaphore_mem>>
    %dma_wait3A_543 = tpu.memref_squeeze %dma_wait3A_542 : memref<1x!tpu.dma_semaphore, #tpu.memory_space<semaphore_mem>> -> memref<!tpu.dma_semaphore, #tpu.memory_space<semaphore_mem>>
    %dma_wait3A_544 = arith.constant 0 : i32
    %dma_wait3A_545 = tpu.memref_slice %arg12[%add3A_151, %dma_wait3A_544] : memref<10240x128xf32, #tpu.memory_space<vmem_shared>> -> memref<16x128xf32, #tpu.memory_space<vmem_shared>>
    tpu.wait_dma2 semaphore(%dma_wait3A_543 : memref<!tpu.dma_semaphore, #tpu.memory_space<semaphore_mem>>) src(%arg11 : memref<16x128xf32, #tpu.memory_space<vmem>>) dst(%dma_wait3A_545 : memref<16x128xf32, #tpu.memory_space<vmem_shared>>)
    %dma_wait3A_546 = arith.constant 0 : i32
    %dma_wait3A_547 = arith.constant 0 : i32
    %dma_wait3A_548 = tpu.memref_slice %arg12[%add3A_162, %dma_wait3A_547] : memref<10240x128xf32, #tpu.memory_space<vmem_shared>> -> memref<16x128xf32, #tpu.memory_space<vmem_shared>>
    %dma_wait3A_549 = tpu.memref_slice %arg14[%dma_wait3A_546] : memref<4x!tpu.dma_semaphore, #tpu.memory_space<semaphore_mem>> -> memref<1x!tpu.dma_semaphore, #tpu.memory_space<semaphore_mem>>
    %dma_wait3A_550 = tpu.memref_squeeze %dma_wait3A_549 : memref<1x!tpu.dma_semaphore, #tpu.memory_space<semaphore_mem>> -> memref<!tpu.dma_semaphore, #tpu.memory_space<semaphore_mem>>
    %dma_wait3A_551 = arith.constant 0 : i32
    %dma_wait3A_552 = tpu.memref_slice %arg12[%add3A_162, %dma_wait3A_551] : memref<10240x128xf32, #tpu.memory_space<vmem_shared>> -> memref<16x128xf32, #tpu.memory_space<vmem_shared>>
    tpu.wait_dma2 semaphore(%dma_wait3A_550 : memref<!tpu.dma_semaphore, #tpu.memory_space<semaphore_mem>>) src(%arg11 : memref<16x128xf32, #tpu.memory_space<vmem>>) dst(%dma_wait3A_552 : memref<16x128xf32, #tpu.memory_space<vmem_shared>>)
    %dma_wait3A_553 = arith.constant 0 : i32
    %dma_wait3A_554 = arith.constant 0 : i32
    %dma_wait3A_555 = tpu.memref_slice %arg12[%add3A_173, %dma_wait3A_554] : memref<10240x128xf32, #tpu.memory_space<vmem_shared>> -> memref<16x128xf32, #tpu.memory_space<vmem_shared>>
    %dma_wait3A_556 = tpu.memref_slice %arg14[%dma_wait3A_553] : memref<4x!tpu.dma_semaphore, #tpu.memory_space<semaphore_mem>> -> memref<1x!tpu.dma_semaphore, #tpu.memory_space<semaphore_mem>>
    %dma_wait3A_557 = tpu.memref_squeeze %dma_wait3A_556 : memref<1x!tpu.dma_semaphore, #tpu.memory_space<semaphore_mem>> -> memref<!tpu.dma_semaphore, #tpu.memory_space<semaphore_mem>>
    %dma_wait3A_558 = arith.constant 0 : i32
    %dma_wait3A_559 = tpu.memref_slice %arg12[%add3A_173, %dma_wait3A_558] : memref<10240x128xf32, #tpu.memory_space<vmem_shared>> -> memref<16x128xf32, #tpu.memory_space<vmem_shared>>
    tpu.wait_dma2 semaphore(%dma_wait3A_557 : memref<!tpu.dma_semaphore, #tpu.memory_space<semaphore_mem>>) src(%arg11 : memref<16x128xf32, #tpu.memory_space<vmem>>) dst(%dma_wait3A_559 : memref<16x128xf32, #tpu.memory_space<vmem_shared>>)
    %dma_wait3A_560 = arith.constant 0 : i32
    %dma_wait3A_561 = arith.constant 0 : i32
    %dma_wait3A_562 = tpu.memref_slice %arg12[%add3A_184, %dma_wait3A_561] : memref<10240x128xf32, #tpu.memory_space<vmem_shared>> -> memref<16x128xf32, #tpu.memory_space<vmem_shared>>
    %dma_wait3A_563 = tpu.memref_slice %arg14[%dma_wait3A_560] : memref<4x!tpu.dma_semaphore, #tpu.memory_space<semaphore_mem>> -> memref<1x!tpu.dma_semaphore, #tpu.memory_space<semaphore_mem>>
    %dma_wait3A_564 = tpu.memref_squeeze %dma_wait3A_563 : memref<1x!tpu.dma_semaphore, #tpu.memory_space<semaphore_mem>> -> memref<!tpu.dma_semaphore, #tpu.memory_space<semaphore_mem>>
    %dma_wait3A_565 = arith.constant 0 : i32
    %dma_wait3A_566 = tpu.memref_slice %arg12[%add3A_184, %dma_wait3A_565] : memref<10240x128xf32, #tpu.memory_space<vmem_shared>> -> memref<16x128xf32, #tpu.memory_space<vmem_shared>>
    tpu.wait_dma2 semaphore(%dma_wait3A_564 : memref<!tpu.dma_semaphore, #tpu.memory_space<semaphore_mem>>) src(%arg11 : memref<16x128xf32, #tpu.memory_space<vmem>>) dst(%dma_wait3A_566 : memref<16x128xf32, #tpu.memory_space<vmem_shared>>)
    %dma_wait3A_567 = arith.constant 0 : i32
    %dma_wait3A_568 = arith.constant 0 : i32
    %dma_wait3A_569 = tpu.memref_slice %arg12[%add3A_195, %dma_wait3A_568] : memref<10240x128xf32, #tpu.memory_space<vmem_shared>> -> memref<16x128xf32, #tpu.memory_space<vmem_shared>>
    %dma_wait3A_570 = tpu.memref_slice %arg14[%dma_wait3A_567] : memref<4x!tpu.dma_semaphore, #tpu.memory_space<semaphore_mem>> -> memref<1x!tpu.dma_semaphore, #tpu.memory_space<semaphore_mem>>
    %dma_wait3A_571 = tpu.memref_squeeze %dma_wait3A_570 : memref<1x!tpu.dma_semaphore, #tpu.memory_space<semaphore_mem>> -> memref<!tpu.dma_semaphore, #tpu.memory_space<semaphore_mem>>
    %dma_wait3A_572 = arith.constant 0 : i32
    %dma_wait3A_573 = tpu.memref_slice %arg12[%add3A_195, %dma_wait3A_572] : memref<10240x128xf32, #tpu.memory_space<vmem_shared>> -> memref<16x128xf32, #tpu.memory_space<vmem_shared>>
    tpu.wait_dma2 semaphore(%dma_wait3A_571 : memref<!tpu.dma_semaphore, #tpu.memory_space<semaphore_mem>>) src(%arg11 : memref<16x128xf32, #tpu.memory_space<vmem>>) dst(%dma_wait3A_573 : memref<16x128xf32, #tpu.memory_space<vmem_shared>>)
    %dma_wait3A_574 = arith.constant 0 : i32
    %dma_wait3A_575 = arith.constant 0 : i32
    %dma_wait3A_576 = tpu.memref_slice %arg12[%add3A_206, %dma_wait3A_575] : memref<10240x128xf32, #tpu.memory_space<vmem_shared>> -> memref<16x128xf32, #tpu.memory_space<vmem_shared>>
    %dma_wait3A_577 = tpu.memref_slice %arg14[%dma_wait3A_574] : memref<4x!tpu.dma_semaphore, #tpu.memory_space<semaphore_mem>> -> memref<1x!tpu.dma_semaphore, #tpu.memory_space<semaphore_mem>>
    %dma_wait3A_578 = tpu.memref_squeeze %dma_wait3A_577 : memref<1x!tpu.dma_semaphore, #tpu.memory_space<semaphore_mem>> -> memref<!tpu.dma_semaphore, #tpu.memory_space<semaphore_mem>>
    %dma_wait3A_579 = arith.constant 0 : i32
    %dma_wait3A_580 = tpu.memref_slice %arg12[%add3A_206, %dma_wait3A_579] : memref<10240x128xf32, #tpu.memory_space<vmem_shared>> -> memref<16x128xf32, #tpu.memory_space<vmem_shared>>
    tpu.wait_dma2 semaphore(%dma_wait3A_578 : memref<!tpu.dma_semaphore, #tpu.memory_space<semaphore_mem>>) src(%arg11 : memref<16x128xf32, #tpu.memory_space<vmem>>) dst(%dma_wait3A_580 : memref<16x128xf32, #tpu.memory_space<vmem_shared>>)
    %dma_wait3A_581 = arith.constant 0 : i32
    %dma_wait3A_582 = arith.constant 0 : i32
    %dma_wait3A_583 = tpu.memref_slice %arg12[%add3A_217, %dma_wait3A_582] : memref<10240x128xf32, #tpu.memory_space<vmem_shared>> -> memref<16x128xf32, #tpu.memory_space<vmem_shared>>
    %dma_wait3A_584 = tpu.memref_slice %arg14[%dma_wait3A_581] : memref<4x!tpu.dma_semaphore, #tpu.memory_space<semaphore_mem>> -> memref<1x!tpu.dma_semaphore, #tpu.memory_space<semaphore_mem>>
    %dma_wait3A_585 = tpu.memref_squeeze %dma_wait3A_584 : memref<1x!tpu.dma_semaphore, #tpu.memory_space<semaphore_mem>> -> memref<!tpu.dma_semaphore, #tpu.memory_space<semaphore_mem>>
    %dma_wait3A_586 = arith.constant 0 : i32
    %dma_wait3A_587 = tpu.memref_slice %arg12[%add3A_217, %dma_wait3A_586] : memref<10240x128xf32, #tpu.memory_space<vmem_shared>> -> memref<16x128xf32, #tpu.memory_space<vmem_shared>>
    tpu.wait_dma2 semaphore(%dma_wait3A_585 : memref<!tpu.dma_semaphore, #tpu.memory_space<semaphore_mem>>) src(%arg11 : memref<16x128xf32, #tpu.memory_space<vmem>>) dst(%dma_wait3A_587 : memref<16x128xf32, #tpu.memory_space<vmem_shared>>)
    %dma_wait3A_588 = arith.constant 0 : i32
    %dma_wait3A_589 = arith.constant 0 : i32
    %dma_wait3A_590 = tpu.memref_slice %arg12[%add3A_228, %dma_wait3A_589] : memref<10240x128xf32, #tpu.memory_space<vmem_shared>> -> memref<16x128xf32, #tpu.memory_space<vmem_shared>>
    %dma_wait3A_591 = tpu.memref_slice %arg14[%dma_wait3A_588] : memref<4x!tpu.dma_semaphore, #tpu.memory_space<semaphore_mem>> -> memref<1x!tpu.dma_semaphore, #tpu.memory_space<semaphore_mem>>
    %dma_wait3A_592 = tpu.memref_squeeze %dma_wait3A_591 : memref<1x!tpu.dma_semaphore, #tpu.memory_space<semaphore_mem>> -> memref<!tpu.dma_semaphore, #tpu.memory_space<semaphore_mem>>
    %dma_wait3A_593 = arith.constant 0 : i32
    %dma_wait3A_594 = tpu.memref_slice %arg12[%add3A_228, %dma_wait3A_593] : memref<10240x128xf32, #tpu.memory_space<vmem_shared>> -> memref<16x128xf32, #tpu.memory_space<vmem_shared>>
    tpu.wait_dma2 semaphore(%dma_wait3A_592 : memref<!tpu.dma_semaphore, #tpu.memory_space<semaphore_mem>>) src(%arg11 : memref<16x128xf32, #tpu.memory_space<vmem>>) dst(%dma_wait3A_594 : memref<16x128xf32, #tpu.memory_space<vmem_shared>>)
    %dma_wait3A_595 = arith.constant 0 : i32
    %dma_wait3A_596 = arith.constant 0 : i32
    %dma_wait3A_597 = tpu.memref_slice %arg12[%add3A_239, %dma_wait3A_596] : memref<10240x128xf32, #tpu.memory_space<vmem_shared>> -> memref<16x128xf32, #tpu.memory_space<vmem_shared>>
    %dma_wait3A_598 = tpu.memref_slice %arg14[%dma_wait3A_595] : memref<4x!tpu.dma_semaphore, #tpu.memory_space<semaphore_mem>> -> memref<1x!tpu.dma_semaphore, #tpu.memory_space<semaphore_mem>>
    %dma_wait3A_599 = tpu.memref_squeeze %dma_wait3A_598 : memref<1x!tpu.dma_semaphore, #tpu.memory_space<semaphore_mem>> -> memref<!tpu.dma_semaphore, #tpu.memory_space<semaphore_mem>>
    %dma_wait3A_600 = arith.constant 0 : i32
    %dma_wait3A_601 = tpu.memref_slice %arg12[%add3A_239, %dma_wait3A_600] : memref<10240x128xf32, #tpu.memory_space<vmem_shared>> -> memref<16x128xf32, #tpu.memory_space<vmem_shared>>
    tpu.wait_dma2 semaphore(%dma_wait3A_599 : memref<!tpu.dma_semaphore, #tpu.memory_space<semaphore_mem>>) src(%arg11 : memref<16x128xf32, #tpu.memory_space<vmem>>) dst(%dma_wait3A_601 : memref<16x128xf32, #tpu.memory_space<vmem_shared>>)
    %dma_wait3A_602 = arith.constant 0 : i32
    %dma_wait3A_603 = arith.constant 0 : i32
    %dma_wait3A_604 = tpu.memref_slice %arg12[%add3A_250, %dma_wait3A_603] : memref<10240x128xf32, #tpu.memory_space<vmem_shared>> -> memref<16x128xf32, #tpu.memory_space<vmem_shared>>
    %dma_wait3A_605 = tpu.memref_slice %arg14[%dma_wait3A_602] : memref<4x!tpu.dma_semaphore, #tpu.memory_space<semaphore_mem>> -> memref<1x!tpu.dma_semaphore, #tpu.memory_space<semaphore_mem>>
    %dma_wait3A_606 = tpu.memref_squeeze %dma_wait3A_605 : memref<1x!tpu.dma_semaphore, #tpu.memory_space<semaphore_mem>> -> memref<!tpu.dma_semaphore, #tpu.memory_space<semaphore_mem>>
    %dma_wait3A_607 = arith.constant 0 : i32
    %dma_wait3A_608 = tpu.memref_slice %arg12[%add3A_250, %dma_wait3A_607] : memref<10240x128xf32, #tpu.memory_space<vmem_shared>> -> memref<16x128xf32, #tpu.memory_space<vmem_shared>>
    tpu.wait_dma2 semaphore(%dma_wait3A_606 : memref<!tpu.dma_semaphore, #tpu.memory_space<semaphore_mem>>) src(%arg11 : memref<16x128xf32, #tpu.memory_space<vmem>>) dst(%dma_wait3A_608 : memref<16x128xf32, #tpu.memory_space<vmem_shared>>)
    %dma_wait3A_609 = arith.constant 0 : i32
    %dma_wait3A_610 = arith.constant 0 : i32
    %dma_wait3A_611 = tpu.memref_slice %arg12[%add3A_261, %dma_wait3A_610] : memref<10240x128xf32, #tpu.memory_space<vmem_shared>> -> memref<16x128xf32, #tpu.memory_space<vmem_shared>>
    %dma_wait3A_612 = tpu.memref_slice %arg14[%dma_wait3A_609] : memref<4x!tpu.dma_semaphore, #tpu.memory_space<semaphore_mem>> -> memref<1x!tpu.dma_semaphore, #tpu.memory_space<semaphore_mem>>
    %dma_wait3A_613 = tpu.memref_squeeze %dma_wait3A_612 : memref<1x!tpu.dma_semaphore, #tpu.memory_space<semaphore_mem>> -> memref<!tpu.dma_semaphore, #tpu.memory_space<semaphore_mem>>
    %dma_wait3A_614 = arith.constant 0 : i32
    %dma_wait3A_615 = tpu.memref_slice %arg12[%add3A_261, %dma_wait3A_614] : memref<10240x128xf32, #tpu.memory_space<vmem_shared>> -> memref<16x128xf32, #tpu.memory_space<vmem_shared>>
    tpu.wait_dma2 semaphore(%dma_wait3A_613 : memref<!tpu.dma_semaphore, #tpu.memory_space<semaphore_mem>>) src(%arg11 : memref<16x128xf32, #tpu.memory_space<vmem>>) dst(%dma_wait3A_615 : memref<16x128xf32, #tpu.memory_space<vmem_shared>>)
    %dma_wait3A_616 = arith.constant 0 : i32
    %dma_wait3A_617 = arith.constant 0 : i32
    %dma_wait3A_618 = tpu.memref_slice %arg12[%add3A_272, %dma_wait3A_617] : memref<10240x128xf32, #tpu.memory_space<vmem_shared>> -> memref<16x128xf32, #tpu.memory_space<vmem_shared>>
    %dma_wait3A_619 = tpu.memref_slice %arg14[%dma_wait3A_616] : memref<4x!tpu.dma_semaphore, #tpu.memory_space<semaphore_mem>> -> memref<1x!tpu.dma_semaphore, #tpu.memory_space<semaphore_mem>>
    %dma_wait3A_620 = tpu.memref_squeeze %dma_wait3A_619 : memref<1x!tpu.dma_semaphore, #tpu.memory_space<semaphore_mem>> -> memref<!tpu.dma_semaphore, #tpu.memory_space<semaphore_mem>>
    %dma_wait3A_621 = arith.constant 0 : i32
    %dma_wait3A_622 = tpu.memref_slice %arg12[%add3A_272, %dma_wait3A_621] : memref<10240x128xf32, #tpu.memory_space<vmem_shared>> -> memref<16x128xf32, #tpu.memory_space<vmem_shared>>
    tpu.wait_dma2 semaphore(%dma_wait3A_620 : memref<!tpu.dma_semaphore, #tpu.memory_space<semaphore_mem>>) src(%arg11 : memref<16x128xf32, #tpu.memory_space<vmem>>) dst(%dma_wait3A_622 : memref<16x128xf32, #tpu.memory_space<vmem_shared>>)
    %dma_wait3A_623 = arith.constant 0 : i32
    %dma_wait3A_624 = arith.constant 0 : i32
    %dma_wait3A_625 = tpu.memref_slice %arg12[%add3A_283, %dma_wait3A_624] : memref<10240x128xf32, #tpu.memory_space<vmem_shared>> -> memref<16x128xf32, #tpu.memory_space<vmem_shared>>
    %dma_wait3A_626 = tpu.memref_slice %arg14[%dma_wait3A_623] : memref<4x!tpu.dma_semaphore, #tpu.memory_space<semaphore_mem>> -> memref<1x!tpu.dma_semaphore, #tpu.memory_space<semaphore_mem>>
    %dma_wait3A_627 = tpu.memref_squeeze %dma_wait3A_626 : memref<1x!tpu.dma_semaphore, #tpu.memory_space<semaphore_mem>> -> memref<!tpu.dma_semaphore, #tpu.memory_space<semaphore_mem>>
    %dma_wait3A_628 = arith.constant 0 : i32
    %dma_wait3A_629 = tpu.memref_slice %arg12[%add3A_283, %dma_wait3A_628] : memref<10240x128xf32, #tpu.memory_space<vmem_shared>> -> memref<16x128xf32, #tpu.memory_space<vmem_shared>>
    tpu.wait_dma2 semaphore(%dma_wait3A_627 : memref<!tpu.dma_semaphore, #tpu.memory_space<semaphore_mem>>) src(%arg11 : memref<16x128xf32, #tpu.memory_space<vmem>>) dst(%dma_wait3A_629 : memref<16x128xf32, #tpu.memory_space<vmem_shared>>)
    %dma_wait3A_630 = arith.constant 0 : i32
    %dma_wait3A_631 = arith.constant 0 : i32
    %dma_wait3A_632 = tpu.memref_slice %arg12[%add3A_294, %dma_wait3A_631] : memref<10240x128xf32, #tpu.memory_space<vmem_shared>> -> memref<16x128xf32, #tpu.memory_space<vmem_shared>>
    %dma_wait3A_633 = tpu.memref_slice %arg14[%dma_wait3A_630] : memref<4x!tpu.dma_semaphore, #tpu.memory_space<semaphore_mem>> -> memref<1x!tpu.dma_semaphore, #tpu.memory_space<semaphore_mem>>
    %dma_wait3A_634 = tpu.memref_squeeze %dma_wait3A_633 : memref<1x!tpu.dma_semaphore, #tpu.memory_space<semaphore_mem>> -> memref<!tpu.dma_semaphore, #tpu.memory_space<semaphore_mem>>
    %dma_wait3A_635 = arith.constant 0 : i32
    %dma_wait3A_636 = tpu.memref_slice %arg12[%add3A_294, %dma_wait3A_635] : memref<10240x128xf32, #tpu.memory_space<vmem_shared>> -> memref<16x128xf32, #tpu.memory_space<vmem_shared>>
    tpu.wait_dma2 semaphore(%dma_wait3A_634 : memref<!tpu.dma_semaphore, #tpu.memory_space<semaphore_mem>>) src(%arg11 : memref<16x128xf32, #tpu.memory_space<vmem>>) dst(%dma_wait3A_636 : memref<16x128xf32, #tpu.memory_space<vmem_shared>>)
    %dma_wait3A_637 = arith.constant 0 : i32
    %dma_wait3A_638 = arith.constant 0 : i32
    %dma_wait3A_639 = tpu.memref_slice %arg12[%add3A_305, %dma_wait3A_638] : memref<10240x128xf32, #tpu.memory_space<vmem_shared>> -> memref<16x128xf32, #tpu.memory_space<vmem_shared>>
    %dma_wait3A_640 = tpu.memref_slice %arg14[%dma_wait3A_637] : memref<4x!tpu.dma_semaphore, #tpu.memory_space<semaphore_mem>> -> memref<1x!tpu.dma_semaphore, #tpu.memory_space<semaphore_mem>>
    %dma_wait3A_641 = tpu.memref_squeeze %dma_wait3A_640 : memref<1x!tpu.dma_semaphore, #tpu.memory_space<semaphore_mem>> -> memref<!tpu.dma_semaphore, #tpu.memory_space<semaphore_mem>>
    %dma_wait3A_642 = arith.constant 0 : i32
    %dma_wait3A_643 = tpu.memref_slice %arg12[%add3A_305, %dma_wait3A_642] : memref<10240x128xf32, #tpu.memory_space<vmem_shared>> -> memref<16x128xf32, #tpu.memory_space<vmem_shared>>
    tpu.wait_dma2 semaphore(%dma_wait3A_641 : memref<!tpu.dma_semaphore, #tpu.memory_space<semaphore_mem>>) src(%arg11 : memref<16x128xf32, #tpu.memory_space<vmem>>) dst(%dma_wait3A_643 : memref<16x128xf32, #tpu.memory_space<vmem_shared>>)
    %dma_wait3A_644 = arith.constant 0 : i32
    %dma_wait3A_645 = arith.constant 0 : i32
    %dma_wait3A_646 = tpu.memref_slice %arg12[%add3A_316, %dma_wait3A_645] : memref<10240x128xf32, #tpu.memory_space<vmem_shared>> -> memref<16x128xf32, #tpu.memory_space<vmem_shared>>
    %dma_wait3A_647 = tpu.memref_slice %arg14[%dma_wait3A_644] : memref<4x!tpu.dma_semaphore, #tpu.memory_space<semaphore_mem>> -> memref<1x!tpu.dma_semaphore, #tpu.memory_space<semaphore_mem>>
    %dma_wait3A_648 = tpu.memref_squeeze %dma_wait3A_647 : memref<1x!tpu.dma_semaphore, #tpu.memory_space<semaphore_mem>> -> memref<!tpu.dma_semaphore, #tpu.memory_space<semaphore_mem>>
    %dma_wait3A_649 = arith.constant 0 : i32
    %dma_wait3A_650 = tpu.memref_slice %arg12[%add3A_316, %dma_wait3A_649] : memref<10240x128xf32, #tpu.memory_space<vmem_shared>> -> memref<16x128xf32, #tpu.memory_space<vmem_shared>>
    tpu.wait_dma2 semaphore(%dma_wait3A_648 : memref<!tpu.dma_semaphore, #tpu.memory_space<semaphore_mem>>) src(%arg11 : memref<16x128xf32, #tpu.memory_space<vmem>>) dst(%dma_wait3A_650 : memref<16x128xf32, #tpu.memory_space<vmem_shared>>)
    %dma_wait3A_651 = arith.constant 0 : i32
    %dma_wait3A_652 = arith.constant 0 : i32
    %dma_wait3A_653 = tpu.memref_slice %arg12[%add3A_327, %dma_wait3A_652] : memref<10240x128xf32, #tpu.memory_space<vmem_shared>> -> memref<16x128xf32, #tpu.memory_space<vmem_shared>>
    %dma_wait3A_654 = tpu.memref_slice %arg14[%dma_wait3A_651] : memref<4x!tpu.dma_semaphore, #tpu.memory_space<semaphore_mem>> -> memref<1x!tpu.dma_semaphore, #tpu.memory_space<semaphore_mem>>
    %dma_wait3A_655 = tpu.memref_squeeze %dma_wait3A_654 : memref<1x!tpu.dma_semaphore, #tpu.memory_space<semaphore_mem>> -> memref<!tpu.dma_semaphore, #tpu.memory_space<semaphore_mem>>
    %dma_wait3A_656 = arith.constant 0 : i32
    %dma_wait3A_657 = tpu.memref_slice %arg12[%add3A_327, %dma_wait3A_656] : memref<10240x128xf32, #tpu.memory_space<vmem_shared>> -> memref<16x128xf32, #tpu.memory_space<vmem_shared>>
    tpu.wait_dma2 semaphore(%dma_wait3A_655 : memref<!tpu.dma_semaphore, #tpu.memory_space<semaphore_mem>>) src(%arg11 : memref<16x128xf32, #tpu.memory_space<vmem>>) dst(%dma_wait3A_657 : memref<16x128xf32, #tpu.memory_space<vmem_shared>>)
    %dma_wait3A_658 = arith.constant 0 : i32
    %dma_wait3A_659 = arith.constant 0 : i32
    %dma_wait3A_660 = tpu.memref_slice %arg12[%add3A_338, %dma_wait3A_659] : memref<10240x128xf32, #tpu.memory_space<vmem_shared>> -> memref<16x128xf32, #tpu.memory_space<vmem_shared>>
    %dma_wait3A_661 = tpu.memref_slice %arg14[%dma_wait3A_658] : memref<4x!tpu.dma_semaphore, #tpu.memory_space<semaphore_mem>> -> memref<1x!tpu.dma_semaphore, #tpu.memory_space<semaphore_mem>>
    %dma_wait3A_662 = tpu.memref_squeeze %dma_wait3A_661 : memref<1x!tpu.dma_semaphore, #tpu.memory_space<semaphore_mem>> -> memref<!tpu.dma_semaphore, #tpu.memory_space<semaphore_mem>>
    %dma_wait3A_663 = arith.constant 0 : i32
    %dma_wait3A_664 = tpu.memref_slice %arg12[%add3A_338, %dma_wait3A_663] : memref<10240x128xf32, #tpu.memory_space<vmem_shared>> -> memref<16x128xf32, #tpu.memory_space<vmem_shared>>
    tpu.wait_dma2 semaphore(%dma_wait3A_662 : memref<!tpu.dma_semaphore, #tpu.memory_space<semaphore_mem>>) src(%arg11 : memref<16x128xf32, #tpu.memory_space<vmem>>) dst(%dma_wait3A_664 : memref<16x128xf32, #tpu.memory_space<vmem_shared>>)
    %dma_wait3A_665 = arith.constant 0 : i32
    %dma_wait3A_666 = arith.constant 0 : i32
    %dma_wait3A_667 = tpu.memref_slice %arg12[%add3A_349, %dma_wait3A_666] : memref<10240x128xf32, #tpu.memory_space<vmem_shared>> -> memref<16x128xf32, #tpu.memory_space<vmem_shared>>
    %dma_wait3A_668 = tpu.memref_slice %arg14[%dma_wait3A_665] : memref<4x!tpu.dma_semaphore, #tpu.memory_space<semaphore_mem>> -> memref<1x!tpu.dma_semaphore, #tpu.memory_space<semaphore_mem>>
    %dma_wait3A_669 = tpu.memref_squeeze %dma_wait3A_668 : memref<1x!tpu.dma_semaphore, #tpu.memory_space<semaphore_mem>> -> memref<!tpu.dma_semaphore, #tpu.memory_space<semaphore_mem>>
    %dma_wait3A_670 = arith.constant 0 : i32
    %dma_wait3A_671 = tpu.memref_slice %arg12[%add3A_349, %dma_wait3A_670] : memref<10240x128xf32, #tpu.memory_space<vmem_shared>> -> memref<16x128xf32, #tpu.memory_space<vmem_shared>>
    tpu.wait_dma2 semaphore(%dma_wait3A_669 : memref<!tpu.dma_semaphore, #tpu.memory_space<semaphore_mem>>) src(%arg11 : memref<16x128xf32, #tpu.memory_space<vmem>>) dst(%dma_wait3A_671 : memref<16x128xf32, #tpu.memory_space<vmem_shared>>)
    %dma_wait3A_672 = arith.constant 0 : i32
    %dma_wait3A_673 = arith.constant 0 : i32
    %dma_wait3A_674 = tpu.memref_slice %arg12[%add3A_360, %dma_wait3A_673] : memref<10240x128xf32, #tpu.memory_space<vmem_shared>> -> memref<16x128xf32, #tpu.memory_space<vmem_shared>>
    %dma_wait3A_675 = tpu.memref_slice %arg14[%dma_wait3A_672] : memref<4x!tpu.dma_semaphore, #tpu.memory_space<semaphore_mem>> -> memref<1x!tpu.dma_semaphore, #tpu.memory_space<semaphore_mem>>
    %dma_wait3A_676 = tpu.memref_squeeze %dma_wait3A_675 : memref<1x!tpu.dma_semaphore, #tpu.memory_space<semaphore_mem>> -> memref<!tpu.dma_semaphore, #tpu.memory_space<semaphore_mem>>
    %dma_wait3A_677 = arith.constant 0 : i32
    %dma_wait3A_678 = tpu.memref_slice %arg12[%add3A_360, %dma_wait3A_677] : memref<10240x128xf32, #tpu.memory_space<vmem_shared>> -> memref<16x128xf32, #tpu.memory_space<vmem_shared>>
    tpu.wait_dma2 semaphore(%dma_wait3A_676 : memref<!tpu.dma_semaphore, #tpu.memory_space<semaphore_mem>>) src(%arg11 : memref<16x128xf32, #tpu.memory_space<vmem>>) dst(%dma_wait3A_678 : memref<16x128xf32, #tpu.memory_space<vmem_shared>>)
    %dma_wait3A_679 = arith.constant 0 : i32
    %dma_wait3A_680 = arith.constant 0 : i32
    %dma_wait3A_681 = tpu.memref_slice %arg12[%add3A_371, %dma_wait3A_680] : memref<10240x128xf32, #tpu.memory_space<vmem_shared>> -> memref<16x128xf32, #tpu.memory_space<vmem_shared>>
    %dma_wait3A_682 = tpu.memref_slice %arg14[%dma_wait3A_679] : memref<4x!tpu.dma_semaphore, #tpu.memory_space<semaphore_mem>> -> memref<1x!tpu.dma_semaphore, #tpu.memory_space<semaphore_mem>>
    %dma_wait3A_683 = tpu.memref_squeeze %dma_wait3A_682 : memref<1x!tpu.dma_semaphore, #tpu.memory_space<semaphore_mem>> -> memref<!tpu.dma_semaphore, #tpu.memory_space<semaphore_mem>>
    %dma_wait3A_684 = arith.constant 0 : i32
    %dma_wait3A_685 = tpu.memref_slice %arg12[%add3A_371, %dma_wait3A_684] : memref<10240x128xf32, #tpu.memory_space<vmem_shared>> -> memref<16x128xf32, #tpu.memory_space<vmem_shared>>
    tpu.wait_dma2 semaphore(%dma_wait3A_683 : memref<!tpu.dma_semaphore, #tpu.memory_space<semaphore_mem>>) src(%arg11 : memref<16x128xf32, #tpu.memory_space<vmem>>) dst(%dma_wait3A_685 : memref<16x128xf32, #tpu.memory_space<vmem_shared>>)
    %dma_wait3A_686 = arith.constant 0 : i32
    %dma_wait3A_687 = arith.constant 0 : i32
    %dma_wait3A_688 = tpu.memref_slice %arg12[%add3A_382, %dma_wait3A_687] : memref<10240x128xf32, #tpu.memory_space<vmem_shared>> -> memref<16x128xf32, #tpu.memory_space<vmem_shared>>
    %dma_wait3A_689 = tpu.memref_slice %arg14[%dma_wait3A_686] : memref<4x!tpu.dma_semaphore, #tpu.memory_space<semaphore_mem>> -> memref<1x!tpu.dma_semaphore, #tpu.memory_space<semaphore_mem>>
    %dma_wait3A_690 = tpu.memref_squeeze %dma_wait3A_689 : memref<1x!tpu.dma_semaphore, #tpu.memory_space<semaphore_mem>> -> memref<!tpu.dma_semaphore, #tpu.memory_space<semaphore_mem>>
    %dma_wait3A_691 = arith.constant 0 : i32
    %dma_wait3A_692 = tpu.memref_slice %arg12[%add3A_382, %dma_wait3A_691] : memref<10240x128xf32, #tpu.memory_space<vmem_shared>> -> memref<16x128xf32, #tpu.memory_space<vmem_shared>>
    tpu.wait_dma2 semaphore(%dma_wait3A_690 : memref<!tpu.dma_semaphore, #tpu.memory_space<semaphore_mem>>) src(%arg11 : memref<16x128xf32, #tpu.memory_space<vmem>>) dst(%dma_wait3A_692 : memref<16x128xf32, #tpu.memory_space<vmem_shared>>)
    %dma_wait3A_693 = arith.constant 0 : i32
    %dma_wait3A_694 = arith.constant 0 : i32
    %dma_wait3A_695 = tpu.memref_slice %arg12[%add3A_393, %dma_wait3A_694] : memref<10240x128xf32, #tpu.memory_space<vmem_shared>> -> memref<16x128xf32, #tpu.memory_space<vmem_shared>>
    %dma_wait3A_696 = tpu.memref_slice %arg14[%dma_wait3A_693] : memref<4x!tpu.dma_semaphore, #tpu.memory_space<semaphore_mem>> -> memref<1x!tpu.dma_semaphore, #tpu.memory_space<semaphore_mem>>
    %dma_wait3A_697 = tpu.memref_squeeze %dma_wait3A_696 : memref<1x!tpu.dma_semaphore, #tpu.memory_space<semaphore_mem>> -> memref<!tpu.dma_semaphore, #tpu.memory_space<semaphore_mem>>
    %dma_wait3A_698 = arith.constant 0 : i32
    %dma_wait3A_699 = tpu.memref_slice %arg12[%add3A_393, %dma_wait3A_698] : memref<10240x128xf32, #tpu.memory_space<vmem_shared>> -> memref<16x128xf32, #tpu.memory_space<vmem_shared>>
    tpu.wait_dma2 semaphore(%dma_wait3A_697 : memref<!tpu.dma_semaphore, #tpu.memory_space<semaphore_mem>>) src(%arg11 : memref<16x128xf32, #tpu.memory_space<vmem>>) dst(%dma_wait3A_699 : memref<16x128xf32, #tpu.memory_space<vmem_shared>>)
    %dma_wait3A_700 = arith.constant 0 : i32
    %dma_wait3A_701 = arith.constant 0 : i32
    %dma_wait3A_702 = tpu.memref_slice %arg12[%add3A_404, %dma_wait3A_701] : memref<10240x128xf32, #tpu.memory_space<vmem_shared>> -> memref<16x128xf32, #tpu.memory_space<vmem_shared>>
    %dma_wait3A_703 = tpu.memref_slice %arg14[%dma_wait3A_700] : memref<4x!tpu.dma_semaphore, #tpu.memory_space<semaphore_mem>> -> memref<1x!tpu.dma_semaphore, #tpu.memory_space<semaphore_mem>>
    %dma_wait3A_704 = tpu.memref_squeeze %dma_wait3A_703 : memref<1x!tpu.dma_semaphore, #tpu.memory_space<semaphore_mem>> -> memref<!tpu.dma_semaphore, #tpu.memory_space<semaphore_mem>>
    %dma_wait3A_705 = arith.constant 0 : i32
    %dma_wait3A_706 = tpu.memref_slice %arg12[%add3A_404, %dma_wait3A_705] : memref<10240x128xf32, #tpu.memory_space<vmem_shared>> -> memref<16x128xf32, #tpu.memory_space<vmem_shared>>
    tpu.wait_dma2 semaphore(%dma_wait3A_704 : memref<!tpu.dma_semaphore, #tpu.memory_space<semaphore_mem>>) src(%arg11 : memref<16x128xf32, #tpu.memory_space<vmem>>) dst(%dma_wait3A_706 : memref<16x128xf32, #tpu.memory_space<vmem_shared>>)
    %dma_wait3A_707 = arith.constant 0 : i32
    %dma_wait3A_708 = arith.constant 0 : i32
    %dma_wait3A_709 = tpu.memref_slice %arg12[%add3A_415, %dma_wait3A_708] : memref<10240x128xf32, #tpu.memory_space<vmem_shared>> -> memref<16x128xf32, #tpu.memory_space<vmem_shared>>
    %dma_wait3A_710 = tpu.memref_slice %arg14[%dma_wait3A_707] : memref<4x!tpu.dma_semaphore, #tpu.memory_space<semaphore_mem>> -> memref<1x!tpu.dma_semaphore, #tpu.memory_space<semaphore_mem>>
    %dma_wait3A_711 = tpu.memref_squeeze %dma_wait3A_710 : memref<1x!tpu.dma_semaphore, #tpu.memory_space<semaphore_mem>> -> memref<!tpu.dma_semaphore, #tpu.memory_space<semaphore_mem>>
    %dma_wait3A_712 = arith.constant 0 : i32
    %dma_wait3A_713 = tpu.memref_slice %arg12[%add3A_415, %dma_wait3A_712] : memref<10240x128xf32, #tpu.memory_space<vmem_shared>> -> memref<16x128xf32, #tpu.memory_space<vmem_shared>>
    tpu.wait_dma2 semaphore(%dma_wait3A_711 : memref<!tpu.dma_semaphore, #tpu.memory_space<semaphore_mem>>) src(%arg11 : memref<16x128xf32, #tpu.memory_space<vmem>>) dst(%dma_wait3A_713 : memref<16x128xf32, #tpu.memory_space<vmem_shared>>)
    %dma_wait3A_714 = arith.constant 0 : i32
    %dma_wait3A_715 = arith.constant 0 : i32
    %dma_wait3A_716 = tpu.memref_slice %arg12[%add3A_426, %dma_wait3A_715] : memref<10240x128xf32, #tpu.memory_space<vmem_shared>> -> memref<16x128xf32, #tpu.memory_space<vmem_shared>>
    %dma_wait3A_717 = tpu.memref_slice %arg14[%dma_wait3A_714] : memref<4x!tpu.dma_semaphore, #tpu.memory_space<semaphore_mem>> -> memref<1x!tpu.dma_semaphore, #tpu.memory_space<semaphore_mem>>
    %dma_wait3A_718 = tpu.memref_squeeze %dma_wait3A_717 : memref<1x!tpu.dma_semaphore, #tpu.memory_space<semaphore_mem>> -> memref<!tpu.dma_semaphore, #tpu.memory_space<semaphore_mem>>
    %dma_wait3A_719 = arith.constant 0 : i32
    %dma_wait3A_720 = tpu.memref_slice %arg12[%add3A_426, %dma_wait3A_719] : memref<10240x128xf32, #tpu.memory_space<vmem_shared>> -> memref<16x128xf32, #tpu.memory_space<vmem_shared>>
    tpu.wait_dma2 semaphore(%dma_wait3A_718 : memref<!tpu.dma_semaphore, #tpu.memory_space<semaphore_mem>>) src(%arg11 : memref<16x128xf32, #tpu.memory_space<vmem>>) dst(%dma_wait3A_720 : memref<16x128xf32, #tpu.memory_space<vmem_shared>>)
    %dma_wait3A_721 = arith.constant 0 : i32
    %dma_wait3A_722 = arith.constant 0 : i32
    %dma_wait3A_723 = tpu.memref_slice %arg12[%add3A_437, %dma_wait3A_722] : memref<10240x128xf32, #tpu.memory_space<vmem_shared>> -> memref<16x128xf32, #tpu.memory_space<vmem_shared>>
    %dma_wait3A_724 = tpu.memref_slice %arg14[%dma_wait3A_721] : memref<4x!tpu.dma_semaphore, #tpu.memory_space<semaphore_mem>> -> memref<1x!tpu.dma_semaphore, #tpu.memory_space<semaphore_mem>>
    %dma_wait3A_725 = tpu.memref_squeeze %dma_wait3A_724 : memref<1x!tpu.dma_semaphore, #tpu.memory_space<semaphore_mem>> -> memref<!tpu.dma_semaphore, #tpu.memory_space<semaphore_mem>>
    %dma_wait3A_726 = arith.constant 0 : i32
    %dma_wait3A_727 = tpu.memref_slice %arg12[%add3A_437, %dma_wait3A_726] : memref<10240x128xf32, #tpu.memory_space<vmem_shared>> -> memref<16x128xf32, #tpu.memory_space<vmem_shared>>
    tpu.wait_dma2 semaphore(%dma_wait3A_725 : memref<!tpu.dma_semaphore, #tpu.memory_space<semaphore_mem>>) src(%arg11 : memref<16x128xf32, #tpu.memory_space<vmem>>) dst(%dma_wait3A_727 : memref<16x128xf32, #tpu.memory_space<vmem_shared>>)
    %dma_wait3A_728 = arith.constant 0 : i32
    %dma_wait3A_729 = arith.constant 0 : i32
    %dma_wait3A_730 = tpu.memref_slice %arg12[%add3A_448, %dma_wait3A_729] : memref<10240x128xf32, #tpu.memory_space<vmem_shared>> -> memref<16x128xf32, #tpu.memory_space<vmem_shared>>
    %dma_wait3A_731 = tpu.memref_slice %arg14[%dma_wait3A_728] : memref<4x!tpu.dma_semaphore, #tpu.memory_space<semaphore_mem>> -> memref<1x!tpu.dma_semaphore, #tpu.memory_space<semaphore_mem>>
    %dma_wait3A_732 = tpu.memref_squeeze %dma_wait3A_731 : memref<1x!tpu.dma_semaphore, #tpu.memory_space<semaphore_mem>> -> memref<!tpu.dma_semaphore, #tpu.memory_space<semaphore_mem>>
    %dma_wait3A_733 = arith.constant 0 : i32
    %dma_wait3A_734 = tpu.memref_slice %arg12[%add3A_448, %dma_wait3A_733] : memref<10240x128xf32, #tpu.memory_space<vmem_shared>> -> memref<16x128xf32, #tpu.memory_space<vmem_shared>>
    tpu.wait_dma2 semaphore(%dma_wait3A_732 : memref<!tpu.dma_semaphore, #tpu.memory_space<semaphore_mem>>) src(%arg11 : memref<16x128xf32, #tpu.memory_space<vmem>>) dst(%dma_wait3A_734 : memref<16x128xf32, #tpu.memory_space<vmem_shared>>)
    %barrier3A = arith.constant 0 : index
    tpu.barrier barrier_id(%barrier3A)
    %eq3A = arith.constant 0 : i32
    %eq3A_735 = arith.cmpi eq, %arg0, %eq3A : i32
    %mul3A_736 = arith.constant 216 : i32
    %mul3A_737 = arith.muli %arg1, %mul3A_736 : i32
    %mul3A_738 = arith.constant 100 : i32
    %mul3A_739 = arith.muli %arg1, %mul3A_738 : i32
    %add3A_740 = arith.constant 3456 : i32
    %add3A_741 = arith.addi %add3A_740, %mul3A_739 : i32
    %select_n3A = arith.select %eq3A_735, %mul3A_737, %add3A_741 : i32
    %eq3A_742 = arith.constant 0 : i32
    %eq3A_743 = arith.cmpi eq, %arg0, %eq3A_742 : i32
    %jit3A = arith.constant 54 : i32
    %jit3A_744 = arith.constant 25 : i32
    %select_n3A_745 = arith.select %eq3A_743, %jit3A, %jit3A_744 : i32
    %while3A = arith.constant 0 : i32
    %while3A_746 = arith.constant 0 : i32
    %while3A_747 = arith.subi %select_n3A_745, %while3A : i32
    %while3A_748 = arith.addi %while3A, %while3A_747 : i32
    %while3A_749 = arith.constant 1 : i32
    %while3A_750 = arith.divsi %while3A_747, %while3A_749 : i32
    %while3A_751 = arith.muli %while3A_750, %while3A_749 : i32
    %while3A_752 = arith.addi %while3A, %while3A_751 : i32
    %while3A_753 = arith.constant 1 : i32
    %while3A_754 = scf.for %while3A_767 = %while3A to %while3A_752 step %while3A_753 iter_args(%while3A_768 = %while3A_746) -> (i32)  : i32 {
      %mul3A_769 = arith.constant 4 : i32
      %mul3A_770 = arith.muli %while3A_767, %mul3A_769 : i32
      %add3A_771 = arith.addi %select_n3A, %mul3A_770 : i32
      %add3A_772 = arith.constant 0 : i32
      %add3A_773 = arith.addi %add3A_771, %add3A_772 : i32
      %dma_start3A_774 = arith.constant 0 : i32
      %dma_start3A_775 = arith.constant 0 : i32
      %dma_start3A_776 = arith.constant 0 : i32
      %dma_start3A_777 = tpu.memref_slice %arg7[%dma_start3A_774, %dma_start3A_776] : memref<4x64xi32, #tpu.memory_space<vmem>> -> memref<1x64xi32, #tpu.memory_space<vmem>>
      %dma_start3A_778 = tpu.memref_squeeze %dma_start3A_777 : memref<1x64xi32, #tpu.memory_space<vmem>> -> memref<64xi32, #tpu.memory_space<vmem>>
      %dma_start3A_779 = arith.constant 0 : i32
      %dma_start3A_780 = tpu.memref_slice %arg3[%add3A_773, %dma_start3A_779] : memref<5056x64xi32, #tpu.memory_space<hbm>> -> memref<1x64xi32, #tpu.memory_space<hbm>>
      %dma_start3A_781 = tpu.memref_squeeze %dma_start3A_780 : memref<1x64xi32, #tpu.memory_space<hbm>> -> memref<64xi32, #tpu.memory_space<hbm>>
      %dma_start3A_782 = tpu.memref_slice %arg13[%dma_start3A_775] : memref<4x!tpu.dma_semaphore, #tpu.memory_space<semaphore_mem>> -> memref<1x!tpu.dma_semaphore, #tpu.memory_space<semaphore_mem>>
      %dma_start3A_783 = tpu.memref_squeeze %dma_start3A_782 : memref<1x!tpu.dma_semaphore, #tpu.memory_space<semaphore_mem>> -> memref<!tpu.dma_semaphore, #tpu.memory_space<semaphore_mem>>
      %dma_start3A_784 = arith.constant 0 : i32
      %dma_start3A_785 = tpu.memref_slice %arg7[%dma_start3A_774, %dma_start3A_784] : memref<4x64xi32, #tpu.memory_space<vmem>> -> memref<1x64xi32, #tpu.memory_space<vmem>>
      %dma_start3A_786 = tpu.memref_squeeze %dma_start3A_785 : memref<1x64xi32, #tpu.memory_space<vmem>> -> memref<64xi32, #tpu.memory_space<vmem>>
      %dma_start3A_787 = arith.constant 0 : i32
      %dma_start3A_788 = tpu.memref_slice %arg3[%add3A_773, %dma_start3A_787] : memref<5056x64xi32, #tpu.memory_space<hbm>> -> memref<1x64xi32, #tpu.memory_space<hbm>>
      %dma_start3A_789 = tpu.memref_squeeze %dma_start3A_788 : memref<1x64xi32, #tpu.memory_space<hbm>> -> memref<64xi32, #tpu.memory_space<hbm>>
      tpu.enqueue_dma source(%dma_start3A_789 : memref<64xi32, #tpu.memory_space<hbm>>) target(%dma_start3A_786 : memref<64xi32, #tpu.memory_space<vmem>>) target_semaphore(%dma_start3A_783 : memref<!tpu.dma_semaphore, #tpu.memory_space<semaphore_mem>>)
      %add3A_790 = arith.constant 0 : i32
      %add3A_791 = arith.addi %add3A_771, %add3A_790 : i32
      %dma_start3A_792 = arith.constant 0 : i32
      %dma_start3A_793 = arith.constant 0 : i32
      %dma_start3A_794 = arith.constant 0 : i32
      %dma_start3A_795 = tpu.memref_slice %arg8[%dma_start3A_792, %dma_start3A_794] : memref<4x64xi32, #tpu.memory_space<vmem>> -> memref<1x64xi32, #tpu.memory_space<vmem>>
      %dma_start3A_796 = tpu.memref_squeeze %dma_start3A_795 : memref<1x64xi32, #tpu.memory_space<vmem>> -> memref<64xi32, #tpu.memory_space<vmem>>
      %dma_start3A_797 = arith.constant 0 : i32
      %dma_start3A_798 = tpu.memref_slice %arg4[%add3A_791, %dma_start3A_797] : memref<5056x64xi32, #tpu.memory_space<hbm>> -> memref<1x64xi32, #tpu.memory_space<hbm>>
      %dma_start3A_799 = tpu.memref_squeeze %dma_start3A_798 : memref<1x64xi32, #tpu.memory_space<hbm>> -> memref<64xi32, #tpu.memory_space<hbm>>
      %dma_start3A_800 = tpu.memref_slice %arg13[%dma_start3A_793] : memref<4x!tpu.dma_semaphore, #tpu.memory_space<semaphore_mem>> -> memref<1x!tpu.dma_semaphore, #tpu.memory_space<semaphore_mem>>
      %dma_start3A_801 = tpu.memref_squeeze %dma_start3A_800 : memref<1x!tpu.dma_semaphore, #tpu.memory_space<semaphore_mem>> -> memref<!tpu.dma_semaphore, #tpu.memory_space<semaphore_mem>>
      %dma_start3A_802 = arith.constant 0 : i32
      %dma_start3A_803 = tpu.memref_slice %arg8[%dma_start3A_792, %dma_start3A_802] : memref<4x64xi32, #tpu.memory_space<vmem>> -> memref<1x64xi32, #tpu.memory_space<vmem>>
      %dma_start3A_804 = tpu.memref_squeeze %dma_start3A_803 : memref<1x64xi32, #tpu.memory_space<vmem>> -> memref<64xi32, #tpu.memory_space<vmem>>
      %dma_start3A_805 = arith.constant 0 : i32
      %dma_start3A_806 = tpu.memref_slice %arg4[%add3A_791, %dma_start3A_805] : memref<5056x64xi32, #tpu.memory_space<hbm>> -> memref<1x64xi32, #tpu.memory_space<hbm>>
      %dma_start3A_807 = tpu.memref_squeeze %dma_start3A_806 : memref<1x64xi32, #tpu.memory_space<hbm>> -> memref<64xi32, #tpu.memory_space<hbm>>
      tpu.enqueue_dma source(%dma_start3A_807 : memref<64xi32, #tpu.memory_space<hbm>>) target(%dma_start3A_804 : memref<64xi32, #tpu.memory_space<vmem>>) target_semaphore(%dma_start3A_801 : memref<!tpu.dma_semaphore, #tpu.memory_space<semaphore_mem>>)
      %add3A_808 = arith.constant 1 : i32
      %add3A_809 = arith.addi %add3A_771, %add3A_808 : i32
      %dma_start3A_810 = arith.constant 1 : i32
      %dma_start3A_811 = arith.constant 1 : i32
      %dma_start3A_812 = arith.constant 0 : i32
      %dma_start3A_813 = tpu.memref_slice %arg7[%dma_start3A_810, %dma_start3A_812] : memref<4x64xi32, #tpu.memory_space<vmem>> -> memref<1x64xi32, #tpu.memory_space<vmem>>
      %dma_start3A_814 = tpu.memref_squeeze %dma_start3A_813 : memref<1x64xi32, #tpu.memory_space<vmem>> -> memref<64xi32, #tpu.memory_space<vmem>>
      %dma_start3A_815 = arith.constant 0 : i32
      %dma_start3A_816 = tpu.memref_slice %arg3[%add3A_809, %dma_start3A_815] : memref<5056x64xi32, #tpu.memory_space<hbm>> -> memref<1x64xi32, #tpu.memory_space<hbm>>
      %dma_start3A_817 = tpu.memref_squeeze %dma_start3A_816 : memref<1x64xi32, #tpu.memory_space<hbm>> -> memref<64xi32, #tpu.memory_space<hbm>>
      %dma_start3A_818 = tpu.memref_slice %arg13[%dma_start3A_811] : memref<4x!tpu.dma_semaphore, #tpu.memory_space<semaphore_mem>> -> memref<1x!tpu.dma_semaphore, #tpu.memory_space<semaphore_mem>>
      %dma_start3A_819 = tpu.memref_squeeze %dma_start3A_818 : memref<1x!tpu.dma_semaphore, #tpu.memory_space<semaphore_mem>> -> memref<!tpu.dma_semaphore, #tpu.memory_space<semaphore_mem>>
      %dma_start3A_820 = arith.constant 0 : i32
      %dma_start3A_821 = tpu.memref_slice %arg7[%dma_start3A_810, %dma_start3A_820] : memref<4x64xi32, #tpu.memory_space<vmem>> -> memref<1x64xi32, #tpu.memory_space<vmem>>
      %dma_start3A_822 = tpu.memref_squeeze %dma_start3A_821 : memref<1x64xi32, #tpu.memory_space<vmem>> -> memref<64xi32, #tpu.memory_space<vmem>>
      %dma_start3A_823 = arith.constant 0 : i32
      %dma_start3A_824 = tpu.memref_slice %arg3[%add3A_809, %dma_start3A_823] : memref<5056x64xi32, #tpu.memory_space<hbm>> -> memref<1x64xi32, #tpu.memory_space<hbm>>
      %dma_start3A_825 = tpu.memref_squeeze %dma_start3A_824 : memref<1x64xi32, #tpu.memory_space<hbm>> -> memref<64xi32, #tpu.memory_space<hbm>>
      tpu.enqueue_dma source(%dma_start3A_825 : memref<64xi32, #tpu.memory_space<hbm>>) target(%dma_start3A_822 : memref<64xi32, #tpu.memory_space<vmem>>) target_semaphore(%dma_start3A_819 : memref<!tpu.dma_semaphore, #tpu.memory_space<semaphore_mem>>)
      %add3A_826 = arith.constant 1 : i32
      %add3A_827 = arith.addi %add3A_771, %add3A_826 : i32
      %dma_start3A_828 = arith.constant 1 : i32
      %dma_start3A_829 = arith.constant 1 : i32
      %dma_start3A_830 = arith.constant 0 : i32
      %dma_start3A_831 = tpu.memref_slice %arg8[%dma_start3A_828, %dma_start3A_830] : memref<4x64xi32, #tpu.memory_space<vmem>> -> memref<1x64xi32, #tpu.memory_space<vmem>>
      %dma_start3A_832 = tpu.memref_squeeze %dma_start3A_831 : memref<1x64xi32, #tpu.memory_space<vmem>> -> memref<64xi32, #tpu.memory_space<vmem>>
      %dma_start3A_833 = arith.constant 0 : i32
      %dma_start3A_834 = tpu.memref_slice %arg4[%add3A_827, %dma_start3A_833] : memref<5056x64xi32, #tpu.memory_space<hbm>> -> memref<1x64xi32, #tpu.memory_space<hbm>>
      %dma_start3A_835 = tpu.memref_squeeze %dma_start3A_834 : memref<1x64xi32, #tpu.memory_space<hbm>> -> memref<64xi32, #tpu.memory_space<hbm>>
      %dma_start3A_836 = tpu.memref_slice %arg13[%dma_start3A_829] : memref<4x!tpu.dma_semaphore, #tpu.memory_space<semaphore_mem>> -> memref<1x!tpu.dma_semaphore, #tpu.memory_space<semaphore_mem>>
      %dma_start3A_837 = tpu.memref_squeeze %dma_start3A_836 : memref<1x!tpu.dma_semaphore, #tpu.memory_space<semaphore_mem>> -> memref<!tpu.dma_semaphore, #tpu.memory_space<semaphore_mem>>
      %dma_start3A_838 = arith.constant 0 : i32
      %dma_start3A_839 = tpu.memref_slice %arg8[%dma_start3A_828, %dma_start3A_838] : memref<4x64xi32, #tpu.memory_space<vmem>> -> memref<1x64xi32, #tpu.memory_space<vmem>>
      %dma_start3A_840 = tpu.memref_squeeze %dma_start3A_839 : memref<1x64xi32, #tpu.memory_space<vmem>> -> memref<64xi32, #tpu.memory_space<vmem>>
      %dma_start3A_841 = arith.constant 0 : i32
      %dma_start3A_842 = tpu.memref_slice %arg4[%add3A_827, %dma_start3A_841] : memref<5056x64xi32, #tpu.memory_space<hbm>> -> memref<1x64xi32, #tpu.memory_space<hbm>>
      %dma_start3A_843 = tpu.memref_squeeze %dma_start3A_842 : memref<1x64xi32, #tpu.memory_space<hbm>> -> memref<64xi32, #tpu.memory_space<hbm>>
      tpu.enqueue_dma source(%dma_start3A_843 : memref<64xi32, #tpu.memory_space<hbm>>) target(%dma_start3A_840 : memref<64xi32, #tpu.memory_space<vmem>>) target_semaphore(%dma_start3A_837 : memref<!tpu.dma_semaphore, #tpu.memory_space<semaphore_mem>>)
      %add3A_844 = arith.constant 2 : i32
      %add3A_845 = arith.addi %add3A_771, %add3A_844 : i32
      %dma_start3A_846 = arith.constant 2 : i32
      %dma_start3A_847 = arith.constant 2 : i32
      %dma_start3A_848 = arith.constant 0 : i32
      %dma_start3A_849 = tpu.memref_slice %arg7[%dma_start3A_846, %dma_start3A_848] : memref<4x64xi32, #tpu.memory_space<vmem>> -> memref<1x64xi32, #tpu.memory_space<vmem>>
      %dma_start3A_850 = tpu.memref_squeeze %dma_start3A_849 : memref<1x64xi32, #tpu.memory_space<vmem>> -> memref<64xi32, #tpu.memory_space<vmem>>
      %dma_start3A_851 = arith.constant 0 : i32
      %dma_start3A_852 = tpu.memref_slice %arg3[%add3A_845, %dma_start3A_851] : memref<5056x64xi32, #tpu.memory_space<hbm>> -> memref<1x64xi32, #tpu.memory_space<hbm>>
      %dma_start3A_853 = tpu.memref_squeeze %dma_start3A_852 : memref<1x64xi32, #tpu.memory_space<hbm>> -> memref<64xi32, #tpu.memory_space<hbm>>
      %dma_start3A_854 = tpu.memref_slice %arg13[%dma_start3A_847] : memref<4x!tpu.dma_semaphore, #tpu.memory_space<semaphore_mem>> -> memref<1x!tpu.dma_semaphore, #tpu.memory_space<semaphore_mem>>
      %dma_start3A_855 = tpu.memref_squeeze %dma_start3A_854 : memref<1x!tpu.dma_semaphore, #tpu.memory_space<semaphore_mem>> -> memref<!tpu.dma_semaphore, #tpu.memory_space<semaphore_mem>>
      %dma_start3A_856 = arith.constant 0 : i32
      %dma_start3A_857 = tpu.memref_slice %arg7[%dma_start3A_846, %dma_start3A_856] : memref<4x64xi32, #tpu.memory_space<vmem>> -> memref<1x64xi32, #tpu.memory_space<vmem>>
      %dma_start3A_858 = tpu.memref_squeeze %dma_start3A_857 : memref<1x64xi32, #tpu.memory_space<vmem>> -> memref<64xi32, #tpu.memory_space<vmem>>
      %dma_start3A_859 = arith.constant 0 : i32
      %dma_start3A_860 = tpu.memref_slice %arg3[%add3A_845, %dma_start3A_859] : memref<5056x64xi32, #tpu.memory_space<hbm>> -> memref<1x64xi32, #tpu.memory_space<hbm>>
      %dma_start3A_861 = tpu.memref_squeeze %dma_start3A_860 : memref<1x64xi32, #tpu.memory_space<hbm>> -> memref<64xi32, #tpu.memory_space<hbm>>
      tpu.enqueue_dma source(%dma_start3A_861 : memref<64xi32, #tpu.memory_space<hbm>>) target(%dma_start3A_858 : memref<64xi32, #tpu.memory_space<vmem>>) target_semaphore(%dma_start3A_855 : memref<!tpu.dma_semaphore, #tpu.memory_space<semaphore_mem>>)
      %add3A_862 = arith.constant 2 : i32
      %add3A_863 = arith.addi %add3A_771, %add3A_862 : i32
      %dma_start3A_864 = arith.constant 2 : i32
      %dma_start3A_865 = arith.constant 2 : i32
      %dma_start3A_866 = arith.constant 0 : i32
      %dma_start3A_867 = tpu.memref_slice %arg8[%dma_start3A_864, %dma_start3A_866] : memref<4x64xi32, #tpu.memory_space<vmem>> -> memref<1x64xi32, #tpu.memory_space<vmem>>
      %dma_start3A_868 = tpu.memref_squeeze %dma_start3A_867 : memref<1x64xi32, #tpu.memory_space<vmem>> -> memref<64xi32, #tpu.memory_space<vmem>>
      %dma_start3A_869 = arith.constant 0 : i32
      %dma_start3A_870 = tpu.memref_slice %arg4[%add3A_863, %dma_start3A_869] : memref<5056x64xi32, #tpu.memory_space<hbm>> -> memref<1x64xi32, #tpu.memory_space<hbm>>
      %dma_start3A_871 = tpu.memref_squeeze %dma_start3A_870 : memref<1x64xi32, #tpu.memory_space<hbm>> -> memref<64xi32, #tpu.memory_space<hbm>>
      %dma_start3A_872 = tpu.memref_slice %arg13[%dma_start3A_865] : memref<4x!tpu.dma_semaphore, #tpu.memory_space<semaphore_mem>> -> memref<1x!tpu.dma_semaphore, #tpu.memory_space<semaphore_mem>>
      %dma_start3A_873 = tpu.memref_squeeze %dma_start3A_872 : memref<1x!tpu.dma_semaphore, #tpu.memory_space<semaphore_mem>> -> memref<!tpu.dma_semaphore, #tpu.memory_space<semaphore_mem>>
      %dma_start3A_874 = arith.constant 0 : i32
      %dma_start3A_875 = tpu.memref_slice %arg8[%dma_start3A_864, %dma_start3A_874] : memref<4x64xi32, #tpu.memory_space<vmem>> -> memref<1x64xi32, #tpu.memory_space<vmem>>
      %dma_start3A_876 = tpu.memref_squeeze %dma_start3A_875 : memref<1x64xi32, #tpu.memory_space<vmem>> -> memref<64xi32, #tpu.memory_space<vmem>>
      %dma_start3A_877 = arith.constant 0 : i32
      %dma_start3A_878 = tpu.memref_slice %arg4[%add3A_863, %dma_start3A_877] : memref<5056x64xi32, #tpu.memory_space<hbm>> -> memref<1x64xi32, #tpu.memory_space<hbm>>
      %dma_start3A_879 = tpu.memref_squeeze %dma_start3A_878 : memref<1x64xi32, #tpu.memory_space<hbm>> -> memref<64xi32, #tpu.memory_space<hbm>>
      tpu.enqueue_dma source(%dma_start3A_879 : memref<64xi32, #tpu.memory_space<hbm>>) target(%dma_start3A_876 : memref<64xi32, #tpu.memory_space<vmem>>) target_semaphore(%dma_start3A_873 : memref<!tpu.dma_semaphore, #tpu.memory_space<semaphore_mem>>)
      %add3A_880 = arith.constant 3 : i32
      %add3A_881 = arith.addi %add3A_771, %add3A_880 : i32
      %dma_start3A_882 = arith.constant 3 : i32
      %dma_start3A_883 = arith.constant 3 : i32
      %dma_start3A_884 = arith.constant 0 : i32
      %dma_start3A_885 = tpu.memref_slice %arg7[%dma_start3A_882, %dma_start3A_884] : memref<4x64xi32, #tpu.memory_space<vmem>> -> memref<1x64xi32, #tpu.memory_space<vmem>>
      %dma_start3A_886 = tpu.memref_squeeze %dma_start3A_885 : memref<1x64xi32, #tpu.memory_space<vmem>> -> memref<64xi32, #tpu.memory_space<vmem>>
      %dma_start3A_887 = arith.constant 0 : i32
      %dma_start3A_888 = tpu.memref_slice %arg3[%add3A_881, %dma_start3A_887] : memref<5056x64xi32, #tpu.memory_space<hbm>> -> memref<1x64xi32, #tpu.memory_space<hbm>>
      %dma_start3A_889 = tpu.memref_squeeze %dma_start3A_888 : memref<1x64xi32, #tpu.memory_space<hbm>> -> memref<64xi32, #tpu.memory_space<hbm>>
      %dma_start3A_890 = tpu.memref_slice %arg13[%dma_start3A_883] : memref<4x!tpu.dma_semaphore, #tpu.memory_space<semaphore_mem>> -> memref<1x!tpu.dma_semaphore, #tpu.memory_space<semaphore_mem>>
      %dma_start3A_891 = tpu.memref_squeeze %dma_start3A_890 : memref<1x!tpu.dma_semaphore, #tpu.memory_space<semaphore_mem>> -> memref<!tpu.dma_semaphore, #tpu.memory_space<semaphore_mem>>
      %dma_start3A_892 = arith.constant 0 : i32
      %dma_start3A_893 = tpu.memref_slice %arg7[%dma_start3A_882, %dma_start3A_892] : memref<4x64xi32, #tpu.memory_space<vmem>> -> memref<1x64xi32, #tpu.memory_space<vmem>>
      %dma_start3A_894 = tpu.memref_squeeze %dma_start3A_893 : memref<1x64xi32, #tpu.memory_space<vmem>> -> memref<64xi32, #tpu.memory_space<vmem>>
      %dma_start3A_895 = arith.constant 0 : i32
      %dma_start3A_896 = tpu.memref_slice %arg3[%add3A_881, %dma_start3A_895] : memref<5056x64xi32, #tpu.memory_space<hbm>> -> memref<1x64xi32, #tpu.memory_space<hbm>>
      %dma_start3A_897 = tpu.memref_squeeze %dma_start3A_896 : memref<1x64xi32, #tpu.memory_space<hbm>> -> memref<64xi32, #tpu.memory_space<hbm>>
      tpu.enqueue_dma source(%dma_start3A_897 : memref<64xi32, #tpu.memory_space<hbm>>) target(%dma_start3A_894 : memref<64xi32, #tpu.memory_space<vmem>>) target_semaphore(%dma_start3A_891 : memref<!tpu.dma_semaphore, #tpu.memory_space<semaphore_mem>>)
      %add3A_898 = arith.constant 3 : i32
      %add3A_899 = arith.addi %add3A_771, %add3A_898 : i32
      %dma_start3A_900 = arith.constant 3 : i32
      %dma_start3A_901 = arith.constant 3 : i32
      %dma_start3A_902 = arith.constant 0 : i32
      %dma_start3A_903 = tpu.memref_slice %arg8[%dma_start3A_900, %dma_start3A_902] : memref<4x64xi32, #tpu.memory_space<vmem>> -> memref<1x64xi32, #tpu.memory_space<vmem>>
      %dma_start3A_904 = tpu.memref_squeeze %dma_start3A_903 : memref<1x64xi32, #tpu.memory_space<vmem>> -> memref<64xi32, #tpu.memory_space<vmem>>
      %dma_start3A_905 = arith.constant 0 : i32
      %dma_start3A_906 = tpu.memref_slice %arg4[%add3A_899, %dma_start3A_905] : memref<5056x64xi32, #tpu.memory_space<hbm>> -> memref<1x64xi32, #tpu.memory_space<hbm>>
      %dma_start3A_907 = tpu.memref_squeeze %dma_start3A_906 : memref<1x64xi32, #tpu.memory_space<hbm>> -> memref<64xi32, #tpu.memory_space<hbm>>
      %dma_start3A_908 = tpu.memref_slice %arg13[%dma_start3A_901] : memref<4x!tpu.dma_semaphore, #tpu.memory_space<semaphore_mem>> -> memref<1x!tpu.dma_semaphore, #tpu.memory_space<semaphore_mem>>
      %dma_start3A_909 = tpu.memref_squeeze %dma_start3A_908 : memref<1x!tpu.dma_semaphore, #tpu.memory_space<semaphore_mem>> -> memref<!tpu.dma_semaphore, #tpu.memory_space<semaphore_mem>>
      %dma_start3A_910 = arith.constant 0 : i32
      %dma_start3A_911 = tpu.memref_slice %arg8[%dma_start3A_900, %dma_start3A_910] : memref<4x64xi32, #tpu.memory_space<vmem>> -> memref<1x64xi32, #tpu.memory_space<vmem>>
      %dma_start3A_912 = tpu.memref_squeeze %dma_start3A_911 : memref<1x64xi32, #tpu.memory_space<vmem>> -> memref<64xi32, #tpu.memory_space<vmem>>
      %dma_start3A_913 = arith.constant 0 : i32
      %dma_start3A_914 = tpu.memref_slice %arg4[%add3A_899, %dma_start3A_913] : memref<5056x64xi32, #tpu.memory_space<hbm>> -> memref<1x64xi32, #tpu.memory_space<hbm>>
      %dma_start3A_915 = tpu.memref_squeeze %dma_start3A_914 : memref<1x64xi32, #tpu.memory_space<hbm>> -> memref<64xi32, #tpu.memory_space<hbm>>
      tpu.enqueue_dma source(%dma_start3A_915 : memref<64xi32, #tpu.memory_space<hbm>>) target(%dma_start3A_912 : memref<64xi32, #tpu.memory_space<vmem>>) target_semaphore(%dma_start3A_909 : memref<!tpu.dma_semaphore, #tpu.memory_space<semaphore_mem>>)
      %dma_wait3A_916 = arith.constant 0 : i32
      %dma_wait3A_917 = arith.constant 0 : i32
      %dma_wait3A_918 = arith.constant 0 : i32
      %dma_wait3A_919 = tpu.memref_slice %arg7[%dma_wait3A_916, %dma_wait3A_918] : memref<4x64xi32, #tpu.memory_space<vmem>> -> memref<1x64xi32, #tpu.memory_space<vmem>>
      %dma_wait3A_920 = tpu.memref_squeeze %dma_wait3A_919 : memref<1x64xi32, #tpu.memory_space<vmem>> -> memref<64xi32, #tpu.memory_space<vmem>>
      %dma_wait3A_921 = arith.constant 0 : i32
      %dma_wait3A_922 = tpu.memref_slice %arg3[%add3A_773, %dma_wait3A_921] : memref<5056x64xi32, #tpu.memory_space<hbm>> -> memref<1x64xi32, #tpu.memory_space<hbm>>
      %dma_wait3A_923 = tpu.memref_squeeze %dma_wait3A_922 : memref<1x64xi32, #tpu.memory_space<hbm>> -> memref<64xi32, #tpu.memory_space<hbm>>
      %dma_wait3A_924 = tpu.memref_slice %arg13[%dma_wait3A_917] : memref<4x!tpu.dma_semaphore, #tpu.memory_space<semaphore_mem>> -> memref<1x!tpu.dma_semaphore, #tpu.memory_space<semaphore_mem>>
      %dma_wait3A_925 = tpu.memref_squeeze %dma_wait3A_924 : memref<1x!tpu.dma_semaphore, #tpu.memory_space<semaphore_mem>> -> memref<!tpu.dma_semaphore, #tpu.memory_space<semaphore_mem>>
      %dma_wait3A_926 = arith.constant 0 : i32
      %dma_wait3A_927 = tpu.memref_slice %arg7[%dma_wait3A_916, %dma_wait3A_926] : memref<4x64xi32, #tpu.memory_space<vmem>> -> memref<1x64xi32, #tpu.memory_space<vmem>>
      %dma_wait3A_928 = tpu.memref_squeeze %dma_wait3A_927 : memref<1x64xi32, #tpu.memory_space<vmem>> -> memref<64xi32, #tpu.memory_space<vmem>>
      %dma_wait3A_929 = arith.constant 0 : i32
      %dma_wait3A_930 = tpu.memref_slice %arg3[%add3A_773, %dma_wait3A_929] : memref<5056x64xi32, #tpu.memory_space<hbm>> -> memref<1x64xi32, #tpu.memory_space<hbm>>
      %dma_wait3A_931 = tpu.memref_squeeze %dma_wait3A_930 : memref<1x64xi32, #tpu.memory_space<hbm>> -> memref<64xi32, #tpu.memory_space<hbm>>
      tpu.wait_dma2 semaphore(%dma_wait3A_925 : memref<!tpu.dma_semaphore, #tpu.memory_space<semaphore_mem>>) src(%dma_wait3A_931 : memref<64xi32, #tpu.memory_space<hbm>>) dst(%dma_wait3A_928 : memref<64xi32, #tpu.memory_space<vmem>>)
      %dma_start3A_932 = arith.constant 0 : i32
      %dma_start3A_933 = arith.constant 0 : i32
      %dma_start3A_934 = arith.constant 0 : i32
      %dma_start3A_935 = arith.constant 0 : i32
      %dma_start3A_936 = tpu.memref_slice %arg9[%dma_start3A_934, %dma_start3A_935] : memref<256x128xf32, #tpu.memory_space<vmem>> -> memref<64x128xf32, #tpu.memory_space<vmem>>
      %dma_start3A_937 = arith.constant 0 : i32
      %dma_start3A_938 = tpu.memref_slice %arg7[%dma_start3A_932, %dma_start3A_937] : memref<4x64xi32, #tpu.memory_space<vmem>> -> memref<1x64xi32, #tpu.memory_space<vmem>>
      %dma_start3A_939 = tpu.memref_squeeze %dma_start3A_938 : memref<1x64xi32, #tpu.memory_space<vmem>> -> memref<64xi32, #tpu.memory_space<vmem>>
      %dma_start3A_940 = arith.constant 0 : i32
      %dma_start3A_941 = arith.constant 0 : i32
      %dma_start3A_942 = tpu.memref_slice %arg2[%dma_start3A_940, %dma_start3A_941] : memref<10000x128xf32, #tpu.memory_space<hbm>> -> memref<10000x128xf32, #tpu.memory_space<hbm>>
      %dma_start3A_943 = tpu.memref_slice %arg14[%dma_start3A_933] : memref<4x!tpu.dma_semaphore, #tpu.memory_space<semaphore_mem>> -> memref<1x!tpu.dma_semaphore, #tpu.memory_space<semaphore_mem>>
      %dma_start3A_944 = tpu.memref_squeeze %dma_start3A_943 : memref<1x!tpu.dma_semaphore, #tpu.memory_space<semaphore_mem>> -> memref<!tpu.dma_semaphore, #tpu.memory_space<semaphore_mem>>
      tpu.enqueue_indirect_dma source(%dma_start3A_942 : memref<10000x128xf32, #tpu.memory_space<hbm>>) target(%dma_start3A_936 : memref<64x128xf32, #tpu.memory_space<vmem>>) offsets(%dma_start3A_939 : memref<64xi32, #tpu.memory_space<vmem>>) semaphore(%dma_start3A_944 : memref<!tpu.dma_semaphore, #tpu.memory_space<semaphore_mem>>)
      %dma_wait3A_945 = arith.constant 1 : i32
      %dma_wait3A_946 = arith.constant 1 : i32
      %dma_wait3A_947 = arith.constant 0 : i32
      %dma_wait3A_948 = tpu.memref_slice %arg7[%dma_wait3A_945, %dma_wait3A_947] : memref<4x64xi32, #tpu.memory_space<vmem>> -> memref<1x64xi32, #tpu.memory_space<vmem>>
      %dma_wait3A_949 = tpu.memref_squeeze %dma_wait3A_948 : memref<1x64xi32, #tpu.memory_space<vmem>> -> memref<64xi32, #tpu.memory_space<vmem>>
      %dma_wait3A_950 = arith.constant 0 : i32
      %dma_wait3A_951 = tpu.memref_slice %arg3[%add3A_809, %dma_wait3A_950] : memref<5056x64xi32, #tpu.memory_space<hbm>> -> memref<1x64xi32, #tpu.memory_space<hbm>>
      %dma_wait3A_952 = tpu.memref_squeeze %dma_wait3A_951 : memref<1x64xi32, #tpu.memory_space<hbm>> -> memref<64xi32, #tpu.memory_space<hbm>>
      %dma_wait3A_953 = tpu.memref_slice %arg13[%dma_wait3A_946] : memref<4x!tpu.dma_semaphore, #tpu.memory_space<semaphore_mem>> -> memref<1x!tpu.dma_semaphore, #tpu.memory_space<semaphore_mem>>
      %dma_wait3A_954 = tpu.memref_squeeze %dma_wait3A_953 : memref<1x!tpu.dma_semaphore, #tpu.memory_space<semaphore_mem>> -> memref<!tpu.dma_semaphore, #tpu.memory_space<semaphore_mem>>
      %dma_wait3A_955 = arith.constant 0 : i32
      %dma_wait3A_956 = tpu.memref_slice %arg7[%dma_wait3A_945, %dma_wait3A_955] : memref<4x64xi32, #tpu.memory_space<vmem>> -> memref<1x64xi32, #tpu.memory_space<vmem>>
      %dma_wait3A_957 = tpu.memref_squeeze %dma_wait3A_956 : memref<1x64xi32, #tpu.memory_space<vmem>> -> memref<64xi32, #tpu.memory_space<vmem>>
      %dma_wait3A_958 = arith.constant 0 : i32
      %dma_wait3A_959 = tpu.memref_slice %arg3[%add3A_809, %dma_wait3A_958] : memref<5056x64xi32, #tpu.memory_space<hbm>> -> memref<1x64xi32, #tpu.memory_space<hbm>>
      %dma_wait3A_960 = tpu.memref_squeeze %dma_wait3A_959 : memref<1x64xi32, #tpu.memory_space<hbm>> -> memref<64xi32, #tpu.memory_space<hbm>>
      tpu.wait_dma2 semaphore(%dma_wait3A_954 : memref<!tpu.dma_semaphore, #tpu.memory_space<semaphore_mem>>) src(%dma_wait3A_960 : memref<64xi32, #tpu.memory_space<hbm>>) dst(%dma_wait3A_957 : memref<64xi32, #tpu.memory_space<vmem>>)
      %dma_start3A_961 = arith.constant 1 : i32
      %dma_start3A_962 = arith.constant 1 : i32
      %dma_start3A_963 = arith.constant 64 : i32
      %dma_start3A_964 = arith.constant 0 : i32
      %dma_start3A_965 = tpu.memref_slice %arg9[%dma_start3A_963, %dma_start3A_964] : memref<256x128xf32, #tpu.memory_space<vmem>> -> memref<64x128xf32, #tpu.memory_space<vmem>>
      %dma_start3A_966 = arith.constant 0 : i32
      %dma_start3A_967 = tpu.memref_slice %arg7[%dma_start3A_961, %dma_start3A_966] : memref<4x64xi32, #tpu.memory_space<vmem>> -> memref<1x64xi32, #tpu.memory_space<vmem>>
      %dma_start3A_968 = tpu.memref_squeeze %dma_start3A_967 : memref<1x64xi32, #tpu.memory_space<vmem>> -> memref<64xi32, #tpu.memory_space<vmem>>
      %dma_start3A_969 = arith.constant 0 : i32
      %dma_start3A_970 = arith.constant 0 : i32
      %dma_start3A_971 = tpu.memref_slice %arg2[%dma_start3A_969, %dma_start3A_970] : memref<10000x128xf32, #tpu.memory_space<hbm>> -> memref<10000x128xf32, #tpu.memory_space<hbm>>
      %dma_start3A_972 = tpu.memref_slice %arg14[%dma_start3A_962] : memref<4x!tpu.dma_semaphore, #tpu.memory_space<semaphore_mem>> -> memref<1x!tpu.dma_semaphore, #tpu.memory_space<semaphore_mem>>
      %dma_start3A_973 = tpu.memref_squeeze %dma_start3A_972 : memref<1x!tpu.dma_semaphore, #tpu.memory_space<semaphore_mem>> -> memref<!tpu.dma_semaphore, #tpu.memory_space<semaphore_mem>>
      tpu.enqueue_indirect_dma source(%dma_start3A_971 : memref<10000x128xf32, #tpu.memory_space<hbm>>) target(%dma_start3A_965 : memref<64x128xf32, #tpu.memory_space<vmem>>) offsets(%dma_start3A_968 : memref<64xi32, #tpu.memory_space<vmem>>) semaphore(%dma_start3A_973 : memref<!tpu.dma_semaphore, #tpu.memory_space<semaphore_mem>>)
      %dma_wait3A_974 = arith.constant 2 : i32
      %dma_wait3A_975 = arith.constant 2 : i32
      %dma_wait3A_976 = arith.constant 0 : i32
      %dma_wait3A_977 = tpu.memref_slice %arg7[%dma_wait3A_974, %dma_wait3A_976] : memref<4x64xi32, #tpu.memory_space<vmem>> -> memref<1x64xi32, #tpu.memory_space<vmem>>
      %dma_wait3A_978 = tpu.memref_squeeze %dma_wait3A_977 : memref<1x64xi32, #tpu.memory_space<vmem>> -> memref<64xi32, #tpu.memory_space<vmem>>
      %dma_wait3A_979 = arith.constant 0 : i32
      %dma_wait3A_980 = tpu.memref_slice %arg3[%add3A_845, %dma_wait3A_979] : memref<5056x64xi32, #tpu.memory_space<hbm>> -> memref<1x64xi32, #tpu.memory_space<hbm>>
      %dma_wait3A_981 = tpu.memref_squeeze %dma_wait3A_980 : memref<1x64xi32, #tpu.memory_space<hbm>> -> memref<64xi32, #tpu.memory_space<hbm>>
      %dma_wait3A_982 = tpu.memref_slice %arg13[%dma_wait3A_975] : memref<4x!tpu.dma_semaphore, #tpu.memory_space<semaphore_mem>> -> memref<1x!tpu.dma_semaphore, #tpu.memory_space<semaphore_mem>>
      %dma_wait3A_983 = tpu.memref_squeeze %dma_wait3A_982 : memref<1x!tpu.dma_semaphore, #tpu.memory_space<semaphore_mem>> -> memref<!tpu.dma_semaphore, #tpu.memory_space<semaphore_mem>>
      %dma_wait3A_984 = arith.constant 0 : i32
      %dma_wait3A_985 = tpu.memref_slice %arg7[%dma_wait3A_974, %dma_wait3A_984] : memref<4x64xi32, #tpu.memory_space<vmem>> -> memref<1x64xi32, #tpu.memory_space<vmem>>
      %dma_wait3A_986 = tpu.memref_squeeze %dma_wait3A_985 : memref<1x64xi32, #tpu.memory_space<vmem>> -> memref<64xi32, #tpu.memory_space<vmem>>
      %dma_wait3A_987 = arith.constant 0 : i32
      %dma_wait3A_988 = tpu.memref_slice %arg3[%add3A_845, %dma_wait3A_987] : memref<5056x64xi32, #tpu.memory_space<hbm>> -> memref<1x64xi32, #tpu.memory_space<hbm>>
      %dma_wait3A_989 = tpu.memref_squeeze %dma_wait3A_988 : memref<1x64xi32, #tpu.memory_space<hbm>> -> memref<64xi32, #tpu.memory_space<hbm>>
      tpu.wait_dma2 semaphore(%dma_wait3A_983 : memref<!tpu.dma_semaphore, #tpu.memory_space<semaphore_mem>>) src(%dma_wait3A_989 : memref<64xi32, #tpu.memory_space<hbm>>) dst(%dma_wait3A_986 : memref<64xi32, #tpu.memory_space<vmem>>)
      %dma_start3A_990 = arith.constant 2 : i32
      %dma_start3A_991 = arith.constant 2 : i32
      %dma_start3A_992 = arith.constant 128 : i32
      %dma_start3A_993 = arith.constant 0 : i32
      %dma_start3A_994 = tpu.memref_slice %arg9[%dma_start3A_992, %dma_start3A_993] : memref<256x128xf32, #tpu.memory_space<vmem>> -> memref<64x128xf32, #tpu.memory_space<vmem>>
      %dma_start3A_995 = arith.constant 0 : i32
      %dma_start3A_996 = tpu.memref_slice %arg7[%dma_start3A_990, %dma_start3A_995] : memref<4x64xi32, #tpu.memory_space<vmem>> -> memref<1x64xi32, #tpu.memory_space<vmem>>
      %dma_start3A_997 = tpu.memref_squeeze %dma_start3A_996 : memref<1x64xi32, #tpu.memory_space<vmem>> -> memref<64xi32, #tpu.memory_space<vmem>>
      %dma_start3A_998 = arith.constant 0 : i32
      %dma_start3A_999 = arith.constant 0 : i32
      %dma_start3A_1000 = tpu.memref_slice %arg2[%dma_start3A_998, %dma_start3A_999] : memref<10000x128xf32, #tpu.memory_space<hbm>> -> memref<10000x128xf32, #tpu.memory_space<hbm>>
      %dma_start3A_1001 = tpu.memref_slice %arg14[%dma_start3A_991] : memref<4x!tpu.dma_semaphore, #tpu.memory_space<semaphore_mem>> -> memref<1x!tpu.dma_semaphore, #tpu.memory_space<semaphore_mem>>
      %dma_start3A_1002 = tpu.memref_squeeze %dma_start3A_1001 : memref<1x!tpu.dma_semaphore, #tpu.memory_space<semaphore_mem>> -> memref<!tpu.dma_semaphore, #tpu.memory_space<semaphore_mem>>
      tpu.enqueue_indirect_dma source(%dma_start3A_1000 : memref<10000x128xf32, #tpu.memory_space<hbm>>) target(%dma_start3A_994 : memref<64x128xf32, #tpu.memory_space<vmem>>) offsets(%dma_start3A_997 : memref<64xi32, #tpu.memory_space<vmem>>) semaphore(%dma_start3A_1002 : memref<!tpu.dma_semaphore, #tpu.memory_space<semaphore_mem>>)
      %dma_wait3A_1003 = arith.constant 3 : i32
      %dma_wait3A_1004 = arith.constant 3 : i32
      %dma_wait3A_1005 = arith.constant 0 : i32
      %dma_wait3A_1006 = tpu.memref_slice %arg7[%dma_wait3A_1003, %dma_wait3A_1005] : memref<4x64xi32, #tpu.memory_space<vmem>> -> memref<1x64xi32, #tpu.memory_space<vmem>>
      %dma_wait3A_1007 = tpu.memref_squeeze %dma_wait3A_1006 : memref<1x64xi32, #tpu.memory_space<vmem>> -> memref<64xi32, #tpu.memory_space<vmem>>
      %dma_wait3A_1008 = arith.constant 0 : i32
      %dma_wait3A_1009 = tpu.memref_slice %arg3[%add3A_881, %dma_wait3A_1008] : memref<5056x64xi32, #tpu.memory_space<hbm>> -> memref<1x64xi32, #tpu.memory_space<hbm>>
      %dma_wait3A_1010 = tpu.memref_squeeze %dma_wait3A_1009 : memref<1x64xi32, #tpu.memory_space<hbm>> -> memref<64xi32, #tpu.memory_space<hbm>>
      %dma_wait3A_1011 = tpu.memref_slice %arg13[%dma_wait3A_1004] : memref<4x!tpu.dma_semaphore, #tpu.memory_space<semaphore_mem>> -> memref<1x!tpu.dma_semaphore, #tpu.memory_space<semaphore_mem>>
      %dma_wait3A_1012 = tpu.memref_squeeze %dma_wait3A_1011 : memref<1x!tpu.dma_semaphore, #tpu.memory_space<semaphore_mem>> -> memref<!tpu.dma_semaphore, #tpu.memory_space<semaphore_mem>>
      %dma_wait3A_1013 = arith.constant 0 : i32
      %dma_wait3A_1014 = tpu.memref_slice %arg7[%dma_wait3A_1003, %dma_wait3A_1013] : memref<4x64xi32, #tpu.memory_space<vmem>> -> memref<1x64xi32, #tpu.memory_space<vmem>>
      %dma_wait3A_1015 = tpu.memref_squeeze %dma_wait3A_1014 : memref<1x64xi32, #tpu.memory_space<vmem>> -> memref<64xi32, #tpu.memory_space<vmem>>
      %dma_wait3A_1016 = arith.constant 0 : i32
      %dma_wait3A_1017 = tpu.memref_slice %arg3[%add3A_881, %dma_wait3A_1016] : memref<5056x64xi32, #tpu.memory_space<hbm>> -> memref<1x64xi32, #tpu.memory_space<hbm>>
      %dma_wait3A_1018 = tpu.memref_squeeze %dma_wait3A_1017 : memref<1x64xi32, #tpu.memory_space<hbm>> -> memref<64xi32, #tpu.memory_space<hbm>>
      tpu.wait_dma2 semaphore(%dma_wait3A_1012 : memref<!tpu.dma_semaphore, #tpu.memory_space<semaphore_mem>>) src(%dma_wait3A_1018 : memref<64xi32, #tpu.memory_space<hbm>>) dst(%dma_wait3A_1015 : memref<64xi32, #tpu.memory_space<vmem>>)
      %dma_start3A_1019 = arith.constant 3 : i32
      %dma_start3A_1020 = arith.constant 3 : i32
      %dma_start3A_1021 = arith.constant 192 : i32
      %dma_start3A_1022 = arith.constant 0 : i32
      %dma_start3A_1023 = tpu.memref_slice %arg9[%dma_start3A_1021, %dma_start3A_1022] : memref<256x128xf32, #tpu.memory_space<vmem>> -> memref<64x128xf32, #tpu.memory_space<vmem>>
      %dma_start3A_1024 = arith.constant 0 : i32
      %dma_start3A_1025 = tpu.memref_slice %arg7[%dma_start3A_1019, %dma_start3A_1024] : memref<4x64xi32, #tpu.memory_space<vmem>> -> memref<1x64xi32, #tpu.memory_space<vmem>>
      %dma_start3A_1026 = tpu.memref_squeeze %dma_start3A_1025 : memref<1x64xi32, #tpu.memory_space<vmem>> -> memref<64xi32, #tpu.memory_space<vmem>>
      %dma_start3A_1027 = arith.constant 0 : i32
      %dma_start3A_1028 = arith.constant 0 : i32
      %dma_start3A_1029 = tpu.memref_slice %arg2[%dma_start3A_1027, %dma_start3A_1028] : memref<10000x128xf32, #tpu.memory_space<hbm>> -> memref<10000x128xf32, #tpu.memory_space<hbm>>
      %dma_start3A_1030 = tpu.memref_slice %arg14[%dma_start3A_1020] : memref<4x!tpu.dma_semaphore, #tpu.memory_space<semaphore_mem>> -> memref<1x!tpu.dma_semaphore, #tpu.memory_space<semaphore_mem>>
      %dma_start3A_1031 = tpu.memref_squeeze %dma_start3A_1030 : memref<1x!tpu.dma_semaphore, #tpu.memory_space<semaphore_mem>> -> memref<!tpu.dma_semaphore, #tpu.memory_space<semaphore_mem>>
      tpu.enqueue_indirect_dma source(%dma_start3A_1029 : memref<10000x128xf32, #tpu.memory_space<hbm>>) target(%dma_start3A_1023 : memref<64x128xf32, #tpu.memory_space<vmem>>) offsets(%dma_start3A_1026 : memref<64xi32, #tpu.memory_space<vmem>>) semaphore(%dma_start3A_1031 : memref<!tpu.dma_semaphore, #tpu.memory_space<semaphore_mem>>)
      %dma_wait3A_1032 = arith.constant 0 : i32
      %dma_wait3A_1033 = arith.constant 0 : i32
      %dma_wait3A_1034 = arith.constant 0 : i32
      %dma_wait3A_1035 = tpu.memref_slice %arg8[%dma_wait3A_1032, %dma_wait3A_1034] : memref<4x64xi32, #tpu.memory_space<vmem>> -> memref<1x64xi32, #tpu.memory_space<vmem>>
      %dma_wait3A_1036 = tpu.memref_squeeze %dma_wait3A_1035 : memref<1x64xi32, #tpu.memory_space<vmem>> -> memref<64xi32, #tpu.memory_space<vmem>>
      %dma_wait3A_1037 = arith.constant 0 : i32
      %dma_wait3A_1038 = tpu.memref_slice %arg4[%add3A_791, %dma_wait3A_1037] : memref<5056x64xi32, #tpu.memory_space<hbm>> -> memref<1x64xi32, #tpu.memory_space<hbm>>
      %dma_wait3A_1039 = tpu.memref_squeeze %dma_wait3A_1038 : memref<1x64xi32, #tpu.memory_space<hbm>> -> memref<64xi32, #tpu.memory_space<hbm>>
      %dma_wait3A_1040 = tpu.memref_slice %arg13[%dma_wait3A_1033] : memref<4x!tpu.dma_semaphore, #tpu.memory_space<semaphore_mem>> -> memref<1x!tpu.dma_semaphore, #tpu.memory_space<semaphore_mem>>
      %dma_wait3A_1041 = tpu.memref_squeeze %dma_wait3A_1040 : memref<1x!tpu.dma_semaphore, #tpu.memory_space<semaphore_mem>> -> memref<!tpu.dma_semaphore, #tpu.memory_space<semaphore_mem>>
      %dma_wait3A_1042 = arith.constant 0 : i32
      %dma_wait3A_1043 = tpu.memref_slice %arg8[%dma_wait3A_1032, %dma_wait3A_1042] : memref<4x64xi32, #tpu.memory_space<vmem>> -> memref<1x64xi32, #tpu.memory_space<vmem>>
      %dma_wait3A_1044 = tpu.memref_squeeze %dma_wait3A_1043 : memref<1x64xi32, #tpu.memory_space<vmem>> -> memref<64xi32, #tpu.memory_space<vmem>>
      %dma_wait3A_1045 = arith.constant 0 : i32
      %dma_wait3A_1046 = tpu.memref_slice %arg4[%add3A_791, %dma_wait3A_1045] : memref<5056x64xi32, #tpu.memory_space<hbm>> -> memref<1x64xi32, #tpu.memory_space<hbm>>
      %dma_wait3A_1047 = tpu.memref_squeeze %dma_wait3A_1046 : memref<1x64xi32, #tpu.memory_space<hbm>> -> memref<64xi32, #tpu.memory_space<hbm>>
      tpu.wait_dma2 semaphore(%dma_wait3A_1041 : memref<!tpu.dma_semaphore, #tpu.memory_space<semaphore_mem>>) src(%dma_wait3A_1047 : memref<64xi32, #tpu.memory_space<hbm>>) dst(%dma_wait3A_1044 : memref<64xi32, #tpu.memory_space<vmem>>)
      %dma_wait3A_1048 = arith.constant 0 : i32
      %dma_wait3A_1049 = arith.constant 0 : i32
      %dma_wait3A_1050 = arith.constant 0 : i32
      %dma_wait3A_1051 = arith.constant 0 : i32
      %dma_wait3A_1052 = tpu.memref_slice %arg9[%dma_wait3A_1050, %dma_wait3A_1051] : memref<256x128xf32, #tpu.memory_space<vmem>> -> memref<64x128xf32, #tpu.memory_space<vmem>>
      %dma_wait3A_1053 = arith.constant 0 : i32
      %dma_wait3A_1054 = tpu.memref_slice %arg7[%dma_wait3A_1048, %dma_wait3A_1053] : memref<4x64xi32, #tpu.memory_space<vmem>> -> memref<1x64xi32, #tpu.memory_space<vmem>>
      %dma_wait3A_1055 = tpu.memref_squeeze %dma_wait3A_1054 : memref<1x64xi32, #tpu.memory_space<vmem>> -> memref<64xi32, #tpu.memory_space<vmem>>
      %dma_wait3A_1056 = arith.constant 0 : i32
      %dma_wait3A_1057 = arith.constant 0 : i32
      %dma_wait3A_1058 = tpu.memref_slice %arg2[%dma_wait3A_1056, %dma_wait3A_1057] : memref<10000x128xf32, #tpu.memory_space<hbm>> -> memref<10000x128xf32, #tpu.memory_space<hbm>>
      %dma_wait3A_1059 = tpu.memref_slice %arg14[%dma_wait3A_1049] : memref<4x!tpu.dma_semaphore, #tpu.memory_space<semaphore_mem>> -> memref<1x!tpu.dma_semaphore, #tpu.memory_space<semaphore_mem>>
      %dma_wait3A_1060 = tpu.memref_squeeze %dma_wait3A_1059 : memref<1x!tpu.dma_semaphore, #tpu.memory_space<semaphore_mem>> -> memref<!tpu.dma_semaphore, #tpu.memory_space<semaphore_mem>>
      tpu.wait_indirect_dma semaphore(%dma_wait3A_1060 : memref<!tpu.dma_semaphore, #tpu.memory_space<semaphore_mem>>) src(%dma_wait3A_1058 : memref<10000x128xf32, #tpu.memory_space<hbm>>) dst(%dma_wait3A_1052 : memref<64x128xf32, #tpu.memory_space<vmem>>)
      %dma_start3A_1061 = arith.constant 0 : i32
      %dma_start3A_1062 = arith.constant 0 : i32
      %dma_start3A_1063 = arith.constant 0 : i32
      %dma_start3A_1064 = arith.constant 0 : i32
      %dma_start3A_1065 = tpu.memref_slice %arg9[%dma_start3A_1063, %dma_start3A_1064] : memref<256x128xf32, #tpu.memory_space<vmem>> -> memref<64x128xf32, #tpu.memory_space<vmem>>
      %dma_start3A_1066 = arith.constant 0 : i32
      %dma_start3A_1067 = tpu.memref_slice %arg8[%dma_start3A_1061, %dma_start3A_1066] : memref<4x64xi32, #tpu.memory_space<vmem>> -> memref<1x64xi32, #tpu.memory_space<vmem>>
      %dma_start3A_1068 = tpu.memref_squeeze %dma_start3A_1067 : memref<1x64xi32, #tpu.memory_space<vmem>> -> memref<64xi32, #tpu.memory_space<vmem>>
      %dma_start3A_1069 = arith.constant 0 : i32
      %dma_start3A_1070 = arith.constant 0 : i32
      %dma_start3A_1071 = tpu.memref_slice %arg12[%dma_start3A_1069, %dma_start3A_1070] : memref<10240x128xf32, #tpu.memory_space<vmem_shared>> -> memref<10240x128xf32, #tpu.memory_space<vmem_shared>>
      %dma_start3A_1072 = tpu.memref_slice %arg15[%dma_start3A_1062] : memref<4x!tpu.dma_semaphore, #tpu.memory_space<semaphore_mem>> -> memref<1x!tpu.dma_semaphore, #tpu.memory_space<semaphore_mem>>
      %dma_start3A_1073 = tpu.memref_squeeze %dma_start3A_1072 : memref<1x!tpu.dma_semaphore, #tpu.memory_space<semaphore_mem>> -> memref<!tpu.dma_semaphore, #tpu.memory_space<semaphore_mem>>
      tpu.enqueue_indirect_dma source(%dma_start3A_1065 : memref<64x128xf32, #tpu.memory_space<vmem>>) target(%dma_start3A_1071 : memref<10240x128xf32, #tpu.memory_space<vmem_shared>>) offsets(%dma_start3A_1068 : memref<64xi32, #tpu.memory_space<vmem>>) semaphore(%dma_start3A_1073 : memref<!tpu.dma_semaphore, #tpu.memory_space<semaphore_mem>>) {add = true}
      %get3A = arith.constant 0 : i32
      %get3A_1074 = arith.index_cast %get3A : i32 to index
      %get3A_1075 = arith.constant 0 : index
      %get3A_1076 = tpu.vector_load %arg8[%get3A_1074, %get3A_1075] {strides = array<i32>} : memref<4x64xi32, #tpu.memory_space<vmem>>, vector<16xi32>,
      tpu.vector_store_idx %arg10[%get3A_1076], %broadcast_in_dim3A_3 {add = true} : memref<10240xf32, #tpu.memory_space<vmem>>[vector<16xi32>], vector<16xf32>,
      %get3A_1077 = arith.constant 0 : i32
      %get3A_1078 = arith.index_cast %get3A_1077 : i32 to index
      %get3A_1079 = arith.constant 16 : index
      %get3A_1080 = tpu.vector_load %arg8[%get3A_1078, %get3A_1079] {strides = array<i32>} : memref<4x64xi32, #tpu.memory_space<vmem>>, vector<16xi32>,
      tpu.vector_store_idx %arg10[%get3A_1080], %broadcast_in_dim3A_3 {add = true} : memref<10240xf32, #tpu.memory_space<vmem>>[vector<16xi32>], vector<16xf32>,
      %get3A_1081 = arith.constant 0 : i32
      %get3A_1082 = arith.index_cast %get3A_1081 : i32 to index
      %get3A_1083 = arith.constant 32 : index
      %get3A_1084 = tpu.vector_load %arg8[%get3A_1082, %get3A_1083] {strides = array<i32>} : memref<4x64xi32, #tpu.memory_space<vmem>>, vector<16xi32>,
      tpu.vector_store_idx %arg10[%get3A_1084], %broadcast_in_dim3A_3 {add = true} : memref<10240xf32, #tpu.memory_space<vmem>>[vector<16xi32>], vector<16xf32>,
      %get3A_1085 = arith.constant 0 : i32
      %get3A_1086 = arith.index_cast %get3A_1085 : i32 to index
      %get3A_1087 = arith.constant 48 : index
      %get3A_1088 = tpu.vector_load %arg8[%get3A_1086, %get3A_1087] {strides = array<i32>} : memref<4x64xi32, #tpu.memory_space<vmem>>, vector<16xi32>,
      tpu.vector_store_idx %arg10[%get3A_1088], %broadcast_in_dim3A_3 {add = true} : memref<10240xf32, #tpu.memory_space<vmem>>[vector<16xi32>], vector<16xf32>,
      %dma_wait3A_1089 = arith.constant 1 : i32
      %dma_wait3A_1090 = arith.constant 1 : i32
      %dma_wait3A_1091 = arith.constant 0 : i32
      %dma_wait3A_1092 = tpu.memref_slice %arg8[%dma_wait3A_1089, %dma_wait3A_1091] : memref<4x64xi32, #tpu.memory_space<vmem>> -> memref<1x64xi32, #tpu.memory_space<vmem>>
      %dma_wait3A_1093 = tpu.memref_squeeze %dma_wait3A_1092 : memref<1x64xi32, #tpu.memory_space<vmem>> -> memref<64xi32, #tpu.memory_space<vmem>>
      %dma_wait3A_1094 = arith.constant 0 : i32
      %dma_wait3A_1095 = tpu.memref_slice %arg4[%add3A_827, %dma_wait3A_1094] : memref<5056x64xi32, #tpu.memory_space<hbm>> -> memref<1x64xi32, #tpu.memory_space<hbm>>
      %dma_wait3A_1096 = tpu.memref_squeeze %dma_wait3A_1095 : memref<1x64xi32, #tpu.memory_space<hbm>> -> memref<64xi32, #tpu.memory_space<hbm>>
      %dma_wait3A_1097 = tpu.memref_slice %arg13[%dma_wait3A_1090] : memref<4x!tpu.dma_semaphore, #tpu.memory_space<semaphore_mem>> -> memref<1x!tpu.dma_semaphore, #tpu.memory_space<semaphore_mem>>
      %dma_wait3A_1098 = tpu.memref_squeeze %dma_wait3A_1097 : memref<1x!tpu.dma_semaphore, #tpu.memory_space<semaphore_mem>> -> memref<!tpu.dma_semaphore, #tpu.memory_space<semaphore_mem>>
      %dma_wait3A_1099 = arith.constant 0 : i32
      %dma_wait3A_1100 = tpu.memref_slice %arg8[%dma_wait3A_1089, %dma_wait3A_1099] : memref<4x64xi32, #tpu.memory_space<vmem>> -> memref<1x64xi32, #tpu.memory_space<vmem>>
      %dma_wait3A_1101 = tpu.memref_squeeze %dma_wait3A_1100 : memref<1x64xi32, #tpu.memory_space<vmem>> -> memref<64xi32, #tpu.memory_space<vmem>>
      %dma_wait3A_1102 = arith.constant 0 : i32
      %dma_wait3A_1103 = tpu.memref_slice %arg4[%add3A_827, %dma_wait3A_1102] : memref<5056x64xi32, #tpu.memory_space<hbm>> -> memref<1x64xi32, #tpu.memory_space<hbm>>
      %dma_wait3A_1104 = tpu.memref_squeeze %dma_wait3A_1103 : memref<1x64xi32, #tpu.memory_space<hbm>> -> memref<64xi32, #tpu.memory_space<hbm>>
      tpu.wait_dma2 semaphore(%dma_wait3A_1098 : memref<!tpu.dma_semaphore, #tpu.memory_space<semaphore_mem>>) src(%dma_wait3A_1104 : memref<64xi32, #tpu.memory_space<hbm>>) dst(%dma_wait3A_1101 : memref<64xi32, #tpu.memory_space<vmem>>)
      %dma_wait3A_1105 = arith.constant 1 : i32
      %dma_wait3A_1106 = arith.constant 1 : i32
      %dma_wait3A_1107 = arith.constant 64 : i32
      %dma_wait3A_1108 = arith.constant 0 : i32
      %dma_wait3A_1109 = tpu.memref_slice %arg9[%dma_wait3A_1107, %dma_wait3A_1108] : memref<256x128xf32, #tpu.memory_space<vmem>> -> memref<64x128xf32, #tpu.memory_space<vmem>>
      %dma_wait3A_1110 = arith.constant 0 : i32
      %dma_wait3A_1111 = tpu.memref_slice %arg7[%dma_wait3A_1105, %dma_wait3A_1110] : memref<4x64xi32, #tpu.memory_space<vmem>> -> memref<1x64xi32, #tpu.memory_space<vmem>>
      %dma_wait3A_1112 = tpu.memref_squeeze %dma_wait3A_1111 : memref<1x64xi32, #tpu.memory_space<vmem>> -> memref<64xi32, #tpu.memory_space<vmem>>
      %dma_wait3A_1113 = arith.constant 0 : i32
      %dma_wait3A_1114 = arith.constant 0 : i32
      %dma_wait3A_1115 = tpu.memref_slice %arg2[%dma_wait3A_1113, %dma_wait3A_1114] : memref<10000x128xf32, #tpu.memory_space<hbm>> -> memref<10000x128xf32, #tpu.memory_space<hbm>>
      %dma_wait3A_1116 = tpu.memref_slice %arg14[%dma_wait3A_1106] : memref<4x!tpu.dma_semaphore, #tpu.memory_space<semaphore_mem>> -> memref<1x!tpu.dma_semaphore, #tpu.memory_space<semaphore_mem>>
      %dma_wait3A_1117 = tpu.memref_squeeze %dma_wait3A_1116 : memref<1x!tpu.dma_semaphore, #tpu.memory_space<semaphore_mem>> -> memref<!tpu.dma_semaphore, #tpu.memory_space<semaphore_mem>>
      tpu.wait_indirect_dma semaphore(%dma_wait3A_1117 : memref<!tpu.dma_semaphore, #tpu.memory_space<semaphore_mem>>) src(%dma_wait3A_1115 : memref<10000x128xf32, #tpu.memory_space<hbm>>) dst(%dma_wait3A_1109 : memref<64x128xf32, #tpu.memory_space<vmem>>)
      %dma_start3A_1118 = arith.constant 1 : i32
      %dma_start3A_1119 = arith.constant 1 : i32
      %dma_start3A_1120 = arith.constant 64 : i32
      %dma_start3A_1121 = arith.constant 0 : i32
      %dma_start3A_1122 = tpu.memref_slice %arg9[%dma_start3A_1120, %dma_start3A_1121] : memref<256x128xf32, #tpu.memory_space<vmem>> -> memref<64x128xf32, #tpu.memory_space<vmem>>
      %dma_start3A_1123 = arith.constant 0 : i32
      %dma_start3A_1124 = tpu.memref_slice %arg8[%dma_start3A_1118, %dma_start3A_1123] : memref<4x64xi32, #tpu.memory_space<vmem>> -> memref<1x64xi32, #tpu.memory_space<vmem>>
      %dma_start3A_1125 = tpu.memref_squeeze %dma_start3A_1124 : memref<1x64xi32, #tpu.memory_space<vmem>> -> memref<64xi32, #tpu.memory_space<vmem>>
      %dma_start3A_1126 = arith.constant 0 : i32
      %dma_start3A_1127 = arith.constant 0 : i32
      %dma_start3A_1128 = tpu.memref_slice %arg12[%dma_start3A_1126, %dma_start3A_1127] : memref<10240x128xf32, #tpu.memory_space<vmem_shared>> -> memref<10240x128xf32, #tpu.memory_space<vmem_shared>>
      %dma_start3A_1129 = tpu.memref_slice %arg15[%dma_start3A_1119] : memref<4x!tpu.dma_semaphore, #tpu.memory_space<semaphore_mem>> -> memref<1x!tpu.dma_semaphore, #tpu.memory_space<semaphore_mem>>
      %dma_start3A_1130 = tpu.memref_squeeze %dma_start3A_1129 : memref<1x!tpu.dma_semaphore, #tpu.memory_space<semaphore_mem>> -> memref<!tpu.dma_semaphore, #tpu.memory_space<semaphore_mem>>
      tpu.enqueue_indirect_dma source(%dma_start3A_1122 : memref<64x128xf32, #tpu.memory_space<vmem>>) target(%dma_start3A_1128 : memref<10240x128xf32, #tpu.memory_space<vmem_shared>>) offsets(%dma_start3A_1125 : memref<64xi32, #tpu.memory_space<vmem>>) semaphore(%dma_start3A_1130 : memref<!tpu.dma_semaphore, #tpu.memory_space<semaphore_mem>>) {add = true}
      %get3A_1131 = arith.constant 1 : i32
      %get3A_1132 = arith.index_cast %get3A_1131 : i32 to index
      %get3A_1133 = arith.constant 0 : index
      %get3A_1134 = tpu.vector_load %arg8[%get3A_1132, %get3A_1133] {strides = array<i32>} : memref<4x64xi32, #tpu.memory_space<vmem>>, vector<16xi32>,
      tpu.vector_store_idx %arg10[%get3A_1134], %broadcast_in_dim3A_3 {add = true} : memref<10240xf32, #tpu.memory_space<vmem>>[vector<16xi32>], vector<16xf32>,
      %get3A_1135 = arith.constant 1 : i32
      %get3A_1136 = arith.index_cast %get3A_1135 : i32 to index
      %get3A_1137 = arith.constant 16 : index
      %get3A_1138 = tpu.vector_load %arg8[%get3A_1136, %get3A_1137] {strides = array<i32>} : memref<4x64xi32, #tpu.memory_space<vmem>>, vector<16xi32>,
      tpu.vector_store_idx %arg10[%get3A_1138], %broadcast_in_dim3A_3 {add = true} : memref<10240xf32, #tpu.memory_space<vmem>>[vector<16xi32>], vector<16xf32>,
      %get3A_1139 = arith.constant 1 : i32
      %get3A_1140 = arith.index_cast %get3A_1139 : i32 to index
      %get3A_1141 = arith.constant 32 : index
      %get3A_1142 = tpu.vector_load %arg8[%get3A_1140, %get3A_1141] {strides = array<i32>} : memref<4x64xi32, #tpu.memory_space<vmem>>, vector<16xi32>,
      tpu.vector_store_idx %arg10[%get3A_1142], %broadcast_in_dim3A_3 {add = true} : memref<10240xf32, #tpu.memory_space<vmem>>[vector<16xi32>], vector<16xf32>,
      %get3A_1143 = arith.constant 1 : i32
      %get3A_1144 = arith.index_cast %get3A_1143 : i32 to index
      %get3A_1145 = arith.constant 48 : index
      %get3A_1146 = tpu.vector_load %arg8[%get3A_1144, %get3A_1145] {strides = array<i32>} : memref<4x64xi32, #tpu.memory_space<vmem>>, vector<16xi32>,
      tpu.vector_store_idx %arg10[%get3A_1146], %broadcast_in_dim3A_3 {add = true} : memref<10240xf32, #tpu.memory_space<vmem>>[vector<16xi32>], vector<16xf32>,
      %dma_wait3A_1147 = arith.constant 2 : i32
      %dma_wait3A_1148 = arith.constant 2 : i32
      %dma_wait3A_1149 = arith.constant 0 : i32
      %dma_wait3A_1150 = tpu.memref_slice %arg8[%dma_wait3A_1147, %dma_wait3A_1149] : memref<4x64xi32, #tpu.memory_space<vmem>> -> memref<1x64xi32, #tpu.memory_space<vmem>>
      %dma_wait3A_1151 = tpu.memref_squeeze %dma_wait3A_1150 : memref<1x64xi32, #tpu.memory_space<vmem>> -> memref<64xi32, #tpu.memory_space<vmem>>
      %dma_wait3A_1152 = arith.constant 0 : i32
      %dma_wait3A_1153 = tpu.memref_slice %arg4[%add3A_863, %dma_wait3A_1152] : memref<5056x64xi32, #tpu.memory_space<hbm>> -> memref<1x64xi32, #tpu.memory_space<hbm>>
      %dma_wait3A_1154 = tpu.memref_squeeze %dma_wait3A_1153 : memref<1x64xi32, #tpu.memory_space<hbm>> -> memref<64xi32, #tpu.memory_space<hbm>>
      %dma_wait3A_1155 = tpu.memref_slice %arg13[%dma_wait3A_1148] : memref<4x!tpu.dma_semaphore, #tpu.memory_space<semaphore_mem>> -> memref<1x!tpu.dma_semaphore, #tpu.memory_space<semaphore_mem>>
      %dma_wait3A_1156 = tpu.memref_squeeze %dma_wait3A_1155 : memref<1x!tpu.dma_semaphore, #tpu.memory_space<semaphore_mem>> -> memref<!tpu.dma_semaphore, #tpu.memory_space<semaphore_mem>>
      %dma_wait3A_1157 = arith.constant 0 : i32
      %dma_wait3A_1158 = tpu.memref_slice %arg8[%dma_wait3A_1147, %dma_wait3A_1157] : memref<4x64xi32, #tpu.memory_space<vmem>> -> memref<1x64xi32, #tpu.memory_space<vmem>>
      %dma_wait3A_1159 = tpu.memref_squeeze %dma_wait3A_1158 : memref<1x64xi32, #tpu.memory_space<vmem>> -> memref<64xi32, #tpu.memory_space<vmem>>
      %dma_wait3A_1160 = arith.constant 0 : i32
      %dma_wait3A_1161 = tpu.memref_slice %arg4[%add3A_863, %dma_wait3A_1160] : memref<5056x64xi32, #tpu.memory_space<hbm>> -> memref<1x64xi32, #tpu.memory_space<hbm>>
      %dma_wait3A_1162 = tpu.memref_squeeze %dma_wait3A_1161 : memref<1x64xi32, #tpu.memory_space<hbm>> -> memref<64xi32, #tpu.memory_space<hbm>>
      tpu.wait_dma2 semaphore(%dma_wait3A_1156 : memref<!tpu.dma_semaphore, #tpu.memory_space<semaphore_mem>>) src(%dma_wait3A_1162 : memref<64xi32, #tpu.memory_space<hbm>>) dst(%dma_wait3A_1159 : memref<64xi32, #tpu.memory_space<vmem>>)
      %dma_wait3A_1163 = arith.constant 2 : i32
      %dma_wait3A_1164 = arith.constant 2 : i32
      %dma_wait3A_1165 = arith.constant 128 : i32
      %dma_wait3A_1166 = arith.constant 0 : i32
      %dma_wait3A_1167 = tpu.memref_slice %arg9[%dma_wait3A_1165, %dma_wait3A_1166] : memref<256x128xf32, #tpu.memory_space<vmem>> -> memref<64x128xf32, #tpu.memory_space<vmem>>
      %dma_wait3A_1168 = arith.constant 0 : i32
      %dma_wait3A_1169 = tpu.memref_slice %arg7[%dma_wait3A_1163, %dma_wait3A_1168] : memref<4x64xi32, #tpu.memory_space<vmem>> -> memref<1x64xi32, #tpu.memory_space<vmem>>
      %dma_wait3A_1170 = tpu.memref_squeeze %dma_wait3A_1169 : memref<1x64xi32, #tpu.memory_space<vmem>> -> memref<64xi32, #tpu.memory_space<vmem>>
      %dma_wait3A_1171 = arith.constant 0 : i32
      %dma_wait3A_1172 = arith.constant 0 : i32
      %dma_wait3A_1173 = tpu.memref_slice %arg2[%dma_wait3A_1171, %dma_wait3A_1172] : memref<10000x128xf32, #tpu.memory_space<hbm>> -> memref<10000x128xf32, #tpu.memory_space<hbm>>
      %dma_wait3A_1174 = tpu.memref_slice %arg14[%dma_wait3A_1164] : memref<4x!tpu.dma_semaphore, #tpu.memory_space<semaphore_mem>> -> memref<1x!tpu.dma_semaphore, #tpu.memory_space<semaphore_mem>>
      %dma_wait3A_1175 = tpu.memref_squeeze %dma_wait3A_1174 : memref<1x!tpu.dma_semaphore, #tpu.memory_space<semaphore_mem>> -> memref<!tpu.dma_semaphore, #tpu.memory_space<semaphore_mem>>
      tpu.wait_indirect_dma semaphore(%dma_wait3A_1175 : memref<!tpu.dma_semaphore, #tpu.memory_space<semaphore_mem>>) src(%dma_wait3A_1173 : memref<10000x128xf32, #tpu.memory_space<hbm>>) dst(%dma_wait3A_1167 : memref<64x128xf32, #tpu.memory_space<vmem>>)
      %dma_start3A_1176 = arith.constant 2 : i32
      %dma_start3A_1177 = arith.constant 2 : i32
      %dma_start3A_1178 = arith.constant 128 : i32
      %dma_start3A_1179 = arith.constant 0 : i32
      %dma_start3A_1180 = tpu.memref_slice %arg9[%dma_start3A_1178, %dma_start3A_1179] : memref<256x128xf32, #tpu.memory_space<vmem>> -> memref<64x128xf32, #tpu.memory_space<vmem>>
      %dma_start3A_1181 = arith.constant 0 : i32
      %dma_start3A_1182 = tpu.memref_slice %arg8[%dma_start3A_1176, %dma_start3A_1181] : memref<4x64xi32, #tpu.memory_space<vmem>> -> memref<1x64xi32, #tpu.memory_space<vmem>>
      %dma_start3A_1183 = tpu.memref_squeeze %dma_start3A_1182 : memref<1x64xi32, #tpu.memory_space<vmem>> -> memref<64xi32, #tpu.memory_space<vmem>>
      %dma_start3A_1184 = arith.constant 0 : i32
      %dma_start3A_1185 = arith.constant 0 : i32
      %dma_start3A_1186 = tpu.memref_slice %arg12[%dma_start3A_1184, %dma_start3A_1185] : memref<10240x128xf32, #tpu.memory_space<vmem_shared>> -> memref<10240x128xf32, #tpu.memory_space<vmem_shared>>
      %dma_start3A_1187 = tpu.memref_slice %arg15[%dma_start3A_1177] : memref<4x!tpu.dma_semaphore, #tpu.memory_space<semaphore_mem>> -> memref<1x!tpu.dma_semaphore, #tpu.memory_space<semaphore_mem>>
      %dma_start3A_1188 = tpu.memref_squeeze %dma_start3A_1187 : memref<1x!tpu.dma_semaphore, #tpu.memory_space<semaphore_mem>> -> memref<!tpu.dma_semaphore, #tpu.memory_space<semaphore_mem>>
      tpu.enqueue_indirect_dma source(%dma_start3A_1180 : memref<64x128xf32, #tpu.memory_space<vmem>>) target(%dma_start3A_1186 : memref<10240x128xf32, #tpu.memory_space<vmem_shared>>) offsets(%dma_start3A_1183 : memref<64xi32, #tpu.memory_space<vmem>>) semaphore(%dma_start3A_1188 : memref<!tpu.dma_semaphore, #tpu.memory_space<semaphore_mem>>) {add = true}
      %get3A_1189 = arith.constant 2 : i32
      %get3A_1190 = arith.index_cast %get3A_1189 : i32 to index
      %get3A_1191 = arith.constant 0 : index
      %get3A_1192 = tpu.vector_load %arg8[%get3A_1190, %get3A_1191] {strides = array<i32>} : memref<4x64xi32, #tpu.memory_space<vmem>>, vector<16xi32>,
      tpu.vector_store_idx %arg10[%get3A_1192], %broadcast_in_dim3A_3 {add = true} : memref<10240xf32, #tpu.memory_space<vmem>>[vector<16xi32>], vector<16xf32>,
      %get3A_1193 = arith.constant 2 : i32
      %get3A_1194 = arith.index_cast %get3A_1193 : i32 to index
      %get3A_1195 = arith.constant 16 : index
      %get3A_1196 = tpu.vector_load %arg8[%get3A_1194, %get3A_1195] {strides = array<i32>} : memref<4x64xi32, #tpu.memory_space<vmem>>, vector<16xi32>,
      tpu.vector_store_idx %arg10[%get3A_1196], %broadcast_in_dim3A_3 {add = true} : memref<10240xf32, #tpu.memory_space<vmem>>[vector<16xi32>], vector<16xf32>,
      %get3A_1197 = arith.constant 2 : i32
      %get3A_1198 = arith.index_cast %get3A_1197 : i32 to index
      %get3A_1199 = arith.constant 32 : index
      %get3A_1200 = tpu.vector_load %arg8[%get3A_1198, %get3A_1199] {strides = array<i32>} : memref<4x64xi32, #tpu.memory_space<vmem>>, vector<16xi32>,
      tpu.vector_store_idx %arg10[%get3A_1200], %broadcast_in_dim3A_3 {add = true} : memref<10240xf32, #tpu.memory_space<vmem>>[vector<16xi32>], vector<16xf32>,
      %get3A_1201 = arith.constant 2 : i32
      %get3A_1202 = arith.index_cast %get3A_1201 : i32 to index
      %get3A_1203 = arith.constant 48 : index
      %get3A_1204 = tpu.vector_load %arg8[%get3A_1202, %get3A_1203] {strides = array<i32>} : memref<4x64xi32, #tpu.memory_space<vmem>>, vector<16xi32>,
      tpu.vector_store_idx %arg10[%get3A_1204], %broadcast_in_dim3A_3 {add = true} : memref<10240xf32, #tpu.memory_space<vmem>>[vector<16xi32>], vector<16xf32>,
      %dma_wait3A_1205 = arith.constant 3 : i32
      %dma_wait3A_1206 = arith.constant 3 : i32
      %dma_wait3A_1207 = arith.constant 0 : i32
      %dma_wait3A_1208 = tpu.memref_slice %arg8[%dma_wait3A_1205, %dma_wait3A_1207] : memref<4x64xi32, #tpu.memory_space<vmem>> -> memref<1x64xi32, #tpu.memory_space<vmem>>
      %dma_wait3A_1209 = tpu.memref_squeeze %dma_wait3A_1208 : memref<1x64xi32, #tpu.memory_space<vmem>> -> memref<64xi32, #tpu.memory_space<vmem>>
      %dma_wait3A_1210 = arith.constant 0 : i32
      %dma_wait3A_1211 = tpu.memref_slice %arg4[%add3A_899, %dma_wait3A_1210] : memref<5056x64xi32, #tpu.memory_space<hbm>> -> memref<1x64xi32, #tpu.memory_space<hbm>>
      %dma_wait3A_1212 = tpu.memref_squeeze %dma_wait3A_1211 : memref<1x64xi32, #tpu.memory_space<hbm>> -> memref<64xi32, #tpu.memory_space<hbm>>
      %dma_wait3A_1213 = tpu.memref_slice %arg13[%dma_wait3A_1206] : memref<4x!tpu.dma_semaphore, #tpu.memory_space<semaphore_mem>> -> memref<1x!tpu.dma_semaphore, #tpu.memory_space<semaphore_mem>>
      %dma_wait3A_1214 = tpu.memref_squeeze %dma_wait3A_1213 : memref<1x!tpu.dma_semaphore, #tpu.memory_space<semaphore_mem>> -> memref<!tpu.dma_semaphore, #tpu.memory_space<semaphore_mem>>
      %dma_wait3A_1215 = arith.constant 0 : i32
      %dma_wait3A_1216 = tpu.memref_slice %arg8[%dma_wait3A_1205, %dma_wait3A_1215] : memref<4x64xi32, #tpu.memory_space<vmem>> -> memref<1x64xi32, #tpu.memory_space<vmem>>
      %dma_wait3A_1217 = tpu.memref_squeeze %dma_wait3A_1216 : memref<1x64xi32, #tpu.memory_space<vmem>> -> memref<64xi32, #tpu.memory_space<vmem>>
      %dma_wait3A_1218 = arith.constant 0 : i32
      %dma_wait3A_1219 = tpu.memref_slice %arg4[%add3A_899, %dma_wait3A_1218] : memref<5056x64xi32, #tpu.memory_space<hbm>> -> memref<1x64xi32, #tpu.memory_space<hbm>>
      %dma_wait3A_1220 = tpu.memref_squeeze %dma_wait3A_1219 : memref<1x64xi32, #tpu.memory_space<hbm>> -> memref<64xi32, #tpu.memory_space<hbm>>
      tpu.wait_dma2 semaphore(%dma_wait3A_1214 : memref<!tpu.dma_semaphore, #tpu.memory_space<semaphore_mem>>) src(%dma_wait3A_1220 : memref<64xi32, #tpu.memory_space<hbm>>) dst(%dma_wait3A_1217 : memref<64xi32, #tpu.memory_space<vmem>>)
      %dma_wait3A_1221 = arith.constant 3 : i32
      %dma_wait3A_1222 = arith.constant 3 : i32
      %dma_wait3A_1223 = arith.constant 192 : i32
      %dma_wait3A_1224 = arith.constant 0 : i32
      %dma_wait3A_1225 = tpu.memref_slice %arg9[%dma_wait3A_1223, %dma_wait3A_1224] : memref<256x128xf32, #tpu.memory_space<vmem>> -> memref<64x128xf32, #tpu.memory_space<vmem>>
      %dma_wait3A_1226 = arith.constant 0 : i32
      %dma_wait3A_1227 = tpu.memref_slice %arg7[%dma_wait3A_1221, %dma_wait3A_1226] : memref<4x64xi32, #tpu.memory_space<vmem>> -> memref<1x64xi32, #tpu.memory_space<vmem>>
      %dma_wait3A_1228 = tpu.memref_squeeze %dma_wait3A_1227 : memref<1x64xi32, #tpu.memory_space<vmem>> -> memref<64xi32, #tpu.memory_space<vmem>>
      %dma_wait3A_1229 = arith.constant 0 : i32
      %dma_wait3A_1230 = arith.constant 0 : i32
      %dma_wait3A_1231 = tpu.memref_slice %arg2[%dma_wait3A_1229, %dma_wait3A_1230] : memref<10000x128xf32, #tpu.memory_space<hbm>> -> memref<10000x128xf32, #tpu.memory_space<hbm>>
      %dma_wait3A_1232 = tpu.memref_slice %arg14[%dma_wait3A_1222] : memref<4x!tpu.dma_semaphore, #tpu.memory_space<semaphore_mem>> -> memref<1x!tpu.dma_semaphore, #tpu.memory_space<semaphore_mem>>
      %dma_wait3A_1233 = tpu.memref_squeeze %dma_wait3A_1232 : memref<1x!tpu.dma_semaphore, #tpu.memory_space<semaphore_mem>> -> memref<!tpu.dma_semaphore, #tpu.memory_space<semaphore_mem>>
      tpu.wait_indirect_dma semaphore(%dma_wait3A_1233 : memref<!tpu.dma_semaphore, #tpu.memory_space<semaphore_mem>>) src(%dma_wait3A_1231 : memref<10000x128xf32, #tpu.memory_space<hbm>>) dst(%dma_wait3A_1225 : memref<64x128xf32, #tpu.memory_space<vmem>>)
      %dma_start3A_1234 = arith.constant 3 : i32
      %dma_start3A_1235 = arith.constant 3 : i32
      %dma_start3A_1236 = arith.constant 192 : i32
      %dma_start3A_1237 = arith.constant 0 : i32
      %dma_start3A_1238 = tpu.memref_slice %arg9[%dma_start3A_1236, %dma_start3A_1237] : memref<256x128xf32, #tpu.memory_space<vmem>> -> memref<64x128xf32, #tpu.memory_space<vmem>>
      %dma_start3A_1239 = arith.constant 0 : i32
      %dma_start3A_1240 = tpu.memref_slice %arg8[%dma_start3A_1234, %dma_start3A_1239] : memref<4x64xi32, #tpu.memory_space<vmem>> -> memref<1x64xi32, #tpu.memory_space<vmem>>
      %dma_start3A_1241 = tpu.memref_squeeze %dma_start3A_1240 : memref<1x64xi32, #tpu.memory_space<vmem>> -> memref<64xi32, #tpu.memory_space<vmem>>
      %dma_start3A_1242 = arith.constant 0 : i32
      %dma_start3A_1243 = arith.constant 0 : i32
      %dma_start3A_1244 = tpu.memref_slice %arg12[%dma_start3A_1242, %dma_start3A_1243] : memref<10240x128xf32, #tpu.memory_space<vmem_shared>> -> memref<10240x128xf32, #tpu.memory_space<vmem_shared>>
      %dma_start3A_1245 = tpu.memref_slice %arg15[%dma_start3A_1235] : memref<4x!tpu.dma_semaphore, #tpu.memory_space<semaphore_mem>> -> memref<1x!tpu.dma_semaphore, #tpu.memory_space<semaphore_mem>>
      %dma_start3A_1246 = tpu.memref_squeeze %dma_start3A_1245 : memref<1x!tpu.dma_semaphore, #tpu.memory_space<semaphore_mem>> -> memref<!tpu.dma_semaphore, #tpu.memory_space<semaphore_mem>>
      tpu.enqueue_indirect_dma source(%dma_start3A_1238 : memref<64x128xf32, #tpu.memory_space<vmem>>) target(%dma_start3A_1244 : memref<10240x128xf32, #tpu.memory_space<vmem_shared>>) offsets(%dma_start3A_1241 : memref<64xi32, #tpu.memory_space<vmem>>) semaphore(%dma_start3A_1246 : memref<!tpu.dma_semaphore, #tpu.memory_space<semaphore_mem>>) {add = true}
      %get3A_1247 = arith.constant 3 : i32
      %get3A_1248 = arith.index_cast %get3A_1247 : i32 to index
      %get3A_1249 = arith.constant 0 : index
      %get3A_1250 = tpu.vector_load %arg8[%get3A_1248, %get3A_1249] {strides = array<i32>} : memref<4x64xi32, #tpu.memory_space<vmem>>, vector<16xi32>,
      tpu.vector_store_idx %arg10[%get3A_1250], %broadcast_in_dim3A_3 {add = true} : memref<10240xf32, #tpu.memory_space<vmem>>[vector<16xi32>], vector<16xf32>,
      %get3A_1251 = arith.constant 3 : i32
      %get3A_1252 = arith.index_cast %get3A_1251 : i32 to index
      %get3A_1253 = arith.constant 16 : index
      %get3A_1254 = tpu.vector_load %arg8[%get3A_1252, %get3A_1253] {strides = array<i32>} : memref<4x64xi32, #tpu.memory_space<vmem>>, vector<16xi32>,
      tpu.vector_store_idx %arg10[%get3A_1254], %broadcast_in_dim3A_3 {add = true} : memref<10240xf32, #tpu.memory_space<vmem>>[vector<16xi32>], vector<16xf32>,
      %get3A_1255 = arith.constant 3 : i32
      %get3A_1256 = arith.index_cast %get3A_1255 : i32 to index
      %get3A_1257 = arith.constant 32 : index
      %get3A_1258 = tpu.vector_load %arg8[%get3A_1256, %get3A_1257] {strides = array<i32>} : memref<4x64xi32, #tpu.memory_space<vmem>>, vector<16xi32>,
      tpu.vector_store_idx %arg10[%get3A_1258], %broadcast_in_dim3A_3 {add = true} : memref<10240xf32, #tpu.memory_space<vmem>>[vector<16xi32>], vector<16xf32>,
      %get3A_1259 = arith.constant 3 : i32
      %get3A_1260 = arith.index_cast %get3A_1259 : i32 to index
      %get3A_1261 = arith.constant 48 : index
      %get3A_1262 = tpu.vector_load %arg8[%get3A_1260, %get3A_1261] {strides = array<i32>} : memref<4x64xi32, #tpu.memory_space<vmem>>, vector<16xi32>,
      tpu.vector_store_idx %arg10[%get3A_1262], %broadcast_in_dim3A_3 {add = true} : memref<10240xf32, #tpu.memory_space<vmem>>[vector<16xi32>], vector<16xf32>,
      %dma_wait3A_1263 = arith.constant 0 : i32
      %dma_wait3A_1264 = arith.constant 0 : i32
      %dma_wait3A_1265 = arith.constant 0 : i32
      %dma_wait3A_1266 = arith.constant 0 : i32
      %dma_wait3A_1267 = tpu.memref_slice %arg9[%dma_wait3A_1265, %dma_wait3A_1266] : memref<256x128xf32, #tpu.memory_space<vmem>> -> memref<64x128xf32, #tpu.memory_space<vmem>>
      %dma_wait3A_1268 = arith.constant 0 : i32
      %dma_wait3A_1269 = tpu.memref_slice %arg8[%dma_wait3A_1263, %dma_wait3A_1268] : memref<4x64xi32, #tpu.memory_space<vmem>> -> memref<1x64xi32, #tpu.memory_space<vmem>>
      %dma_wait3A_1270 = tpu.memref_squeeze %dma_wait3A_1269 : memref<1x64xi32, #tpu.memory_space<vmem>> -> memref<64xi32, #tpu.memory_space<vmem>>
      %dma_wait3A_1271 = arith.constant 0 : i32
      %dma_wait3A_1272 = arith.constant 0 : i32
      %dma_wait3A_1273 = tpu.memref_slice %arg12[%dma_wait3A_1271, %dma_wait3A_1272] : memref<10240x128xf32, #tpu.memory_space<vmem_shared>> -> memref<10240x128xf32, #tpu.memory_space<vmem_shared>>
      %dma_wait3A_1274 = tpu.memref_slice %arg15[%dma_wait3A_1264] : memref<4x!tpu.dma_semaphore, #tpu.memory_space<semaphore_mem>> -> memref<1x!tpu.dma_semaphore, #tpu.memory_space<semaphore_mem>>
      %dma_wait3A_1275 = tpu.memref_squeeze %dma_wait3A_1274 : memref<1x!tpu.dma_semaphore, #tpu.memory_space<semaphore_mem>> -> memref<!tpu.dma_semaphore, #tpu.memory_space<semaphore_mem>>
      tpu.wait_indirect_dma semaphore(%dma_wait3A_1275 : memref<!tpu.dma_semaphore, #tpu.memory_space<semaphore_mem>>) src(%dma_wait3A_1267 : memref<64x128xf32, #tpu.memory_space<vmem>>) dst(%dma_wait3A_1273 : memref<10240x128xf32, #tpu.memory_space<vmem_shared>>)
      %dma_wait3A_1276 = arith.constant 1 : i32
      %dma_wait3A_1277 = arith.constant 1 : i32
      %dma_wait3A_1278 = arith.constant 64 : i32
      %dma_wait3A_1279 = arith.constant 0 : i32
      %dma_wait3A_1280 = tpu.memref_slice %arg9[%dma_wait3A_1278, %dma_wait3A_1279] : memref<256x128xf32, #tpu.memory_space<vmem>> -> memref<64x128xf32, #tpu.memory_space<vmem>>
      %dma_wait3A_1281 = arith.constant 0 : i32
      %dma_wait3A_1282 = tpu.memref_slice %arg8[%dma_wait3A_1276, %dma_wait3A_1281] : memref<4x64xi32, #tpu.memory_space<vmem>> -> memref<1x64xi32, #tpu.memory_space<vmem>>
      %dma_wait3A_1283 = tpu.memref_squeeze %dma_wait3A_1282 : memref<1x64xi32, #tpu.memory_space<vmem>> -> memref<64xi32, #tpu.memory_space<vmem>>
      %dma_wait3A_1284 = arith.constant 0 : i32
      %dma_wait3A_1285 = arith.constant 0 : i32
      %dma_wait3A_1286 = tpu.memref_slice %arg12[%dma_wait3A_1284, %dma_wait3A_1285] : memref<10240x128xf32, #tpu.memory_space<vmem_shared>> -> memref<10240x128xf32, #tpu.memory_space<vmem_shared>>
      %dma_wait3A_1287 = tpu.memref_slice %arg15[%dma_wait3A_1277] : memref<4x!tpu.dma_semaphore, #tpu.memory_space<semaphore_mem>> -> memref<1x!tpu.dma_semaphore, #tpu.memory_space<semaphore_mem>>
      %dma_wait3A_1288 = tpu.memref_squeeze %dma_wait3A_1287 : memref<1x!tpu.dma_semaphore, #tpu.memory_space<semaphore_mem>> -> memref<!tpu.dma_semaphore, #tpu.memory_space<semaphore_mem>>
      tpu.wait_indirect_dma semaphore(%dma_wait3A_1288 : memref<!tpu.dma_semaphore, #tpu.memory_space<semaphore_mem>>) src(%dma_wait3A_1280 : memref<64x128xf32, #tpu.memory_space<vmem>>) dst(%dma_wait3A_1286 : memref<10240x128xf32, #tpu.memory_space<vmem_shared>>)
      %dma_wait3A_1289 = arith.constant 2 : i32
      %dma_wait3A_1290 = arith.constant 2 : i32
      %dma_wait3A_1291 = arith.constant 128 : i32
      %dma_wait3A_1292 = arith.constant 0 : i32
      %dma_wait3A_1293 = tpu.memref_slice %arg9[%dma_wait3A_1291, %dma_wait3A_1292] : memref<256x128xf32, #tpu.memory_space<vmem>> -> memref<64x128xf32, #tpu.memory_space<vmem>>
      %dma_wait3A_1294 = arith.constant 0 : i32
      %dma_wait3A_1295 = tpu.memref_slice %arg8[%dma_wait3A_1289, %dma_wait3A_1294] : memref<4x64xi32, #tpu.memory_space<vmem>> -> memref<1x64xi32, #tpu.memory_space<vmem>>
      %dma_wait3A_1296 = tpu.memref_squeeze %dma_wait3A_1295 : memref<1x64xi32, #tpu.memory_space<vmem>> -> memref<64xi32, #tpu.memory_space<vmem>>
      %dma_wait3A_1297 = arith.constant 0 : i32
      %dma_wait3A_1298 = arith.constant 0 : i32
      %dma_wait3A_1299 = tpu.memref_slice %arg12[%dma_wait3A_1297, %dma_wait3A_1298] : memref<10240x128xf32, #tpu.memory_space<vmem_shared>> -> memref<10240x128xf32, #tpu.memory_space<vmem_shared>>
      %dma_wait3A_1300 = tpu.memref_slice %arg15[%dma_wait3A_1290] : memref<4x!tpu.dma_semaphore, #tpu.memory_space<semaphore_mem>> -> memref<1x!tpu.dma_semaphore, #tpu.memory_space<semaphore_mem>>
      %dma_wait3A_1301 = tpu.memref_squeeze %dma_wait3A_1300 : memref<1x!tpu.dma_semaphore, #tpu.memory_space<semaphore_mem>> -> memref<!tpu.dma_semaphore, #tpu.memory_space<semaphore_mem>>
      tpu.wait_indirect_dma semaphore(%dma_wait3A_1301 : memref<!tpu.dma_semaphore, #tpu.memory_space<semaphore_mem>>) src(%dma_wait3A_1293 : memref<64x128xf32, #tpu.memory_space<vmem>>) dst(%dma_wait3A_1299 : memref<10240x128xf32, #tpu.memory_space<vmem_shared>>)
      %dma_wait3A_1302 = arith.constant 3 : i32
      %dma_wait3A_1303 = arith.constant 3 : i32
      %dma_wait3A_1304 = arith.constant 192 : i32
      %dma_wait3A_1305 = arith.constant 0 : i32
      %dma_wait3A_1306 = tpu.memref_slice %arg9[%dma_wait3A_1304, %dma_wait3A_1305] : memref<256x128xf32, #tpu.memory_space<vmem>> -> memref<64x128xf32, #tpu.memory_space<vmem>>
      %dma_wait3A_1307 = arith.constant 0 : i32
      %dma_wait3A_1308 = tpu.memref_slice %arg8[%dma_wait3A_1302, %dma_wait3A_1307] : memref<4x64xi32, #tpu.memory_space<vmem>> -> memref<1x64xi32, #tpu.memory_space<vmem>>
      %dma_wait3A_1309 = tpu.memref_squeeze %dma_wait3A_1308 : memref<1x64xi32, #tpu.memory_space<vmem>> -> memref<64xi32, #tpu.memory_space<vmem>>
      %dma_wait3A_1310 = arith.constant 0 : i32
      %dma_wait3A_1311 = arith.constant 0 : i32
      %dma_wait3A_1312 = tpu.memref_slice %arg12[%dma_wait3A_1310, %dma_wait3A_1311] : memref<10240x128xf32, #tpu.memory_space<vmem_shared>> -> memref<10240x128xf32, #tpu.memory_space<vmem_shared>>
      %dma_wait3A_1313 = tpu.memref_slice %arg15[%dma_wait3A_1303] : memref<4x!tpu.dma_semaphore, #tpu.memory_space<semaphore_mem>> -> memref<1x!tpu.dma_semaphore, #tpu.memory_space<semaphore_mem>>
      %dma_wait3A_1314 = tpu.memref_squeeze %dma_wait3A_1313 : memref<1x!tpu.dma_semaphore, #tpu.memory_space<semaphore_mem>> -> memref<!tpu.dma_semaphore, #tpu.memory_space<semaphore_mem>>
      tpu.wait_indirect_dma semaphore(%dma_wait3A_1314 : memref<!tpu.dma_semaphore, #tpu.memory_space<semaphore_mem>>) src(%dma_wait3A_1306 : memref<64x128xf32, #tpu.memory_space<vmem>>) dst(%dma_wait3A_1312 : memref<10240x128xf32, #tpu.memory_space<vmem_shared>>)
      %while3A_1315 = arith.constant 0 : i32
      scf.yield %while3A_1315 : i32
    }
    %while3A_755 = arith.constant 1 : i32
    %while3A_756 = scf.for %while3A_767 = %while3A_752 to %while3A_748 step %while3A_755 iter_args(%while3A_768 = %while3A_754) -> (i32)  : i32 {
      %mul3A_769 = arith.constant 4 : i32
      %mul3A_770 = arith.muli %while3A_767, %mul3A_769 : i32
      %add3A_771 = arith.addi %select_n3A, %mul3A_770 : i32
      %add3A_772 = arith.constant 0 : i32
      %add3A_773 = arith.addi %add3A_771, %add3A_772 : i32
      %dma_start3A_774 = arith.constant 0 : i32
      %dma_start3A_775 = arith.constant 0 : i32
      %dma_start3A_776 = arith.constant 0 : i32
      %dma_start3A_777 = tpu.memref_slice %arg7[%dma_start3A_774, %dma_start3A_776] : memref<4x64xi32, #tpu.memory_space<vmem>> -> memref<1x64xi32, #tpu.memory_space<vmem>>
      %dma_start3A_778 = tpu.memref_squeeze %dma_start3A_777 : memref<1x64xi32, #tpu.memory_space<vmem>> -> memref<64xi32, #tpu.memory_space<vmem>>
      %dma_start3A_779 = arith.constant 0 : i32
      %dma_start3A_780 = tpu.memref_slice %arg3[%add3A_773, %dma_start3A_779] : memref<5056x64xi32, #tpu.memory_space<hbm>> -> memref<1x64xi32, #tpu.memory_space<hbm>>
      %dma_start3A_781 = tpu.memref_squeeze %dma_start3A_780 : memref<1x64xi32, #tpu.memory_space<hbm>> -> memref<64xi32, #tpu.memory_space<hbm>>
      %dma_start3A_782 = tpu.memref_slice %arg13[%dma_start3A_775] : memref<4x!tpu.dma_semaphore, #tpu.memory_space<semaphore_mem>> -> memref<1x!tpu.dma_semaphore, #tpu.memory_space<semaphore_mem>>
      %dma_start3A_783 = tpu.memref_squeeze %dma_start3A_782 : memref<1x!tpu.dma_semaphore, #tpu.memory_space<semaphore_mem>> -> memref<!tpu.dma_semaphore, #tpu.memory_space<semaphore_mem>>
      %dma_start3A_784 = arith.constant 0 : i32
      %dma_start3A_785 = tpu.memref_slice %arg7[%dma_start3A_774, %dma_start3A_784] : memref<4x64xi32, #tpu.memory_space<vmem>> -> memref<1x64xi32, #tpu.memory_space<vmem>>
      %dma_start3A_786 = tpu.memref_squeeze %dma_start3A_785 : memref<1x64xi32, #tpu.memory_space<vmem>> -> memref<64xi32, #tpu.memory_space<vmem>>
      %dma_start3A_787 = arith.constant 0 : i32
      %dma_start3A_788 = tpu.memref_slice %arg3[%add3A_773, %dma_start3A_787] : memref<5056x64xi32, #tpu.memory_space<hbm>> -> memref<1x64xi32, #tpu.memory_space<hbm>>
      %dma_start3A_789 = tpu.memref_squeeze %dma_start3A_788 : memref<1x64xi32, #tpu.memory_space<hbm>> -> memref<64xi32, #tpu.memory_space<hbm>>
      tpu.enqueue_dma source(%dma_start3A_789 : memref<64xi32, #tpu.memory_space<hbm>>) target(%dma_start3A_786 : memref<64xi32, #tpu.memory_space<vmem>>) target_semaphore(%dma_start3A_783 : memref<!tpu.dma_semaphore, #tpu.memory_space<semaphore_mem>>)
      %add3A_790 = arith.constant 0 : i32
      %add3A_791 = arith.addi %add3A_771, %add3A_790 : i32
      %dma_start3A_792 = arith.constant 0 : i32
      %dma_start3A_793 = arith.constant 0 : i32
      %dma_start3A_794 = arith.constant 0 : i32
      %dma_start3A_795 = tpu.memref_slice %arg8[%dma_start3A_792, %dma_start3A_794] : memref<4x64xi32, #tpu.memory_space<vmem>> -> memref<1x64xi32, #tpu.memory_space<vmem>>
      %dma_start3A_796 = tpu.memref_squeeze %dma_start3A_795 : memref<1x64xi32, #tpu.memory_space<vmem>> -> memref<64xi32, #tpu.memory_space<vmem>>
      %dma_start3A_797 = arith.constant 0 : i32
      %dma_start3A_798 = tpu.memref_slice %arg4[%add3A_791, %dma_start3A_797] : memref<5056x64xi32, #tpu.memory_space<hbm>> -> memref<1x64xi32, #tpu.memory_space<hbm>>
      %dma_start3A_799 = tpu.memref_squeeze %dma_start3A_798 : memref<1x64xi32, #tpu.memory_space<hbm>> -> memref<64xi32, #tpu.memory_space<hbm>>
      %dma_start3A_800 = tpu.memref_slice %arg13[%dma_start3A_793] : memref<4x!tpu.dma_semaphore, #tpu.memory_space<semaphore_mem>> -> memref<1x!tpu.dma_semaphore, #tpu.memory_space<semaphore_mem>>
      %dma_start3A_801 = tpu.memref_squeeze %dma_start3A_800 : memref<1x!tpu.dma_semaphore, #tpu.memory_space<semaphore_mem>> -> memref<!tpu.dma_semaphore, #tpu.memory_space<semaphore_mem>>
      %dma_start3A_802 = arith.constant 0 : i32
      %dma_start3A_803 = tpu.memref_slice %arg8[%dma_start3A_792, %dma_start3A_802] : memref<4x64xi32, #tpu.memory_space<vmem>> -> memref<1x64xi32, #tpu.memory_space<vmem>>
      %dma_start3A_804 = tpu.memref_squeeze %dma_start3A_803 : memref<1x64xi32, #tpu.memory_space<vmem>> -> memref<64xi32, #tpu.memory_space<vmem>>
      %dma_start3A_805 = arith.constant 0 : i32
      %dma_start3A_806 = tpu.memref_slice %arg4[%add3A_791, %dma_start3A_805] : memref<5056x64xi32, #tpu.memory_space<hbm>> -> memref<1x64xi32, #tpu.memory_space<hbm>>
      %dma_start3A_807 = tpu.memref_squeeze %dma_start3A_806 : memref<1x64xi32, #tpu.memory_space<hbm>> -> memref<64xi32, #tpu.memory_space<hbm>>
      tpu.enqueue_dma source(%dma_start3A_807 : memref<64xi32, #tpu.memory_space<hbm>>) target(%dma_start3A_804 : memref<64xi32, #tpu.memory_space<vmem>>) target_semaphore(%dma_start3A_801 : memref<!tpu.dma_semaphore, #tpu.memory_space<semaphore_mem>>)
      %add3A_808 = arith.constant 1 : i32
      %add3A_809 = arith.addi %add3A_771, %add3A_808 : i32
      %dma_start3A_810 = arith.constant 1 : i32
      %dma_start3A_811 = arith.constant 1 : i32
      %dma_start3A_812 = arith.constant 0 : i32
      %dma_start3A_813 = tpu.memref_slice %arg7[%dma_start3A_810, %dma_start3A_812] : memref<4x64xi32, #tpu.memory_space<vmem>> -> memref<1x64xi32, #tpu.memory_space<vmem>>
      %dma_start3A_814 = tpu.memref_squeeze %dma_start3A_813 : memref<1x64xi32, #tpu.memory_space<vmem>> -> memref<64xi32, #tpu.memory_space<vmem>>
      %dma_start3A_815 = arith.constant 0 : i32
      %dma_start3A_816 = tpu.memref_slice %arg3[%add3A_809, %dma_start3A_815] : memref<5056x64xi32, #tpu.memory_space<hbm>> -> memref<1x64xi32, #tpu.memory_space<hbm>>
      %dma_start3A_817 = tpu.memref_squeeze %dma_start3A_816 : memref<1x64xi32, #tpu.memory_space<hbm>> -> memref<64xi32, #tpu.memory_space<hbm>>
      %dma_start3A_818 = tpu.memref_slice %arg13[%dma_start3A_811] : memref<4x!tpu.dma_semaphore, #tpu.memory_space<semaphore_mem>> -> memref<1x!tpu.dma_semaphore, #tpu.memory_space<semaphore_mem>>
      %dma_start3A_819 = tpu.memref_squeeze %dma_start3A_818 : memref<1x!tpu.dma_semaphore, #tpu.memory_space<semaphore_mem>> -> memref<!tpu.dma_semaphore, #tpu.memory_space<semaphore_mem>>
      %dma_start3A_820 = arith.constant 0 : i32
      %dma_start3A_821 = tpu.memref_slice %arg7[%dma_start3A_810, %dma_start3A_820] : memref<4x64xi32, #tpu.memory_space<vmem>> -> memref<1x64xi32, #tpu.memory_space<vmem>>
      %dma_start3A_822 = tpu.memref_squeeze %dma_start3A_821 : memref<1x64xi32, #tpu.memory_space<vmem>> -> memref<64xi32, #tpu.memory_space<vmem>>
      %dma_start3A_823 = arith.constant 0 : i32
      %dma_start3A_824 = tpu.memref_slice %arg3[%add3A_809, %dma_start3A_823] : memref<5056x64xi32, #tpu.memory_space<hbm>> -> memref<1x64xi32, #tpu.memory_space<hbm>>
      %dma_start3A_825 = tpu.memref_squeeze %dma_start3A_824 : memref<1x64xi32, #tpu.memory_space<hbm>> -> memref<64xi32, #tpu.memory_space<hbm>>
      tpu.enqueue_dma source(%dma_start3A_825 : memref<64xi32, #tpu.memory_space<hbm>>) target(%dma_start3A_822 : memref<64xi32, #tpu.memory_space<vmem>>) target_semaphore(%dma_start3A_819 : memref<!tpu.dma_semaphore, #tpu.memory_space<semaphore_mem>>)
      %add3A_826 = arith.constant 1 : i32
      %add3A_827 = arith.addi %add3A_771, %add3A_826 : i32
      %dma_start3A_828 = arith.constant 1 : i32
      %dma_start3A_829 = arith.constant 1 : i32
      %dma_start3A_830 = arith.constant 0 : i32
      %dma_start3A_831 = tpu.memref_slice %arg8[%dma_start3A_828, %dma_start3A_830] : memref<4x64xi32, #tpu.memory_space<vmem>> -> memref<1x64xi32, #tpu.memory_space<vmem>>
      %dma_start3A_832 = tpu.memref_squeeze %dma_start3A_831 : memref<1x64xi32, #tpu.memory_space<vmem>> -> memref<64xi32, #tpu.memory_space<vmem>>
      %dma_start3A_833 = arith.constant 0 : i32
      %dma_start3A_834 = tpu.memref_slice %arg4[%add3A_827, %dma_start3A_833] : memref<5056x64xi32, #tpu.memory_space<hbm>> -> memref<1x64xi32, #tpu.memory_space<hbm>>
      %dma_start3A_835 = tpu.memref_squeeze %dma_start3A_834 : memref<1x64xi32, #tpu.memory_space<hbm>> -> memref<64xi32, #tpu.memory_space<hbm>>
      %dma_start3A_836 = tpu.memref_slice %arg13[%dma_start3A_829] : memref<4x!tpu.dma_semaphore, #tpu.memory_space<semaphore_mem>> -> memref<1x!tpu.dma_semaphore, #tpu.memory_space<semaphore_mem>>
      %dma_start3A_837 = tpu.memref_squeeze %dma_start3A_836 : memref<1x!tpu.dma_semaphore, #tpu.memory_space<semaphore_mem>> -> memref<!tpu.dma_semaphore, #tpu.memory_space<semaphore_mem>>
      %dma_start3A_838 = arith.constant 0 : i32
      %dma_start3A_839 = tpu.memref_slice %arg8[%dma_start3A_828, %dma_start3A_838] : memref<4x64xi32, #tpu.memory_space<vmem>> -> memref<1x64xi32, #tpu.memory_space<vmem>>
      %dma_start3A_840 = tpu.memref_squeeze %dma_start3A_839 : memref<1x64xi32, #tpu.memory_space<vmem>> -> memref<64xi32, #tpu.memory_space<vmem>>
      %dma_start3A_841 = arith.constant 0 : i32
      %dma_start3A_842 = tpu.memref_slice %arg4[%add3A_827, %dma_start3A_841] : memref<5056x64xi32, #tpu.memory_space<hbm>> -> memref<1x64xi32, #tpu.memory_space<hbm>>
      %dma_start3A_843 = tpu.memref_squeeze %dma_start3A_842 : memref<1x64xi32, #tpu.memory_space<hbm>> -> memref<64xi32, #tpu.memory_space<hbm>>
      tpu.enqueue_dma source(%dma_start3A_843 : memref<64xi32, #tpu.memory_space<hbm>>) target(%dma_start3A_840 : memref<64xi32, #tpu.memory_space<vmem>>) target_semaphore(%dma_start3A_837 : memref<!tpu.dma_semaphore, #tpu.memory_space<semaphore_mem>>)
      %add3A_844 = arith.constant 2 : i32
      %add3A_845 = arith.addi %add3A_771, %add3A_844 : i32
      %dma_start3A_846 = arith.constant 2 : i32
      %dma_start3A_847 = arith.constant 2 : i32
      %dma_start3A_848 = arith.constant 0 : i32
      %dma_start3A_849 = tpu.memref_slice %arg7[%dma_start3A_846, %dma_start3A_848] : memref<4x64xi32, #tpu.memory_space<vmem>> -> memref<1x64xi32, #tpu.memory_space<vmem>>
      %dma_start3A_850 = tpu.memref_squeeze %dma_start3A_849 : memref<1x64xi32, #tpu.memory_space<vmem>> -> memref<64xi32, #tpu.memory_space<vmem>>
      %dma_start3A_851 = arith.constant 0 : i32
      %dma_start3A_852 = tpu.memref_slice %arg3[%add3A_845, %dma_start3A_851] : memref<5056x64xi32, #tpu.memory_space<hbm>> -> memref<1x64xi32, #tpu.memory_space<hbm>>
      %dma_start3A_853 = tpu.memref_squeeze %dma_start3A_852 : memref<1x64xi32, #tpu.memory_space<hbm>> -> memref<64xi32, #tpu.memory_space<hbm>>
      %dma_start3A_854 = tpu.memref_slice %arg13[%dma_start3A_847] : memref<4x!tpu.dma_semaphore, #tpu.memory_space<semaphore_mem>> -> memref<1x!tpu.dma_semaphore, #tpu.memory_space<semaphore_mem>>
      %dma_start3A_855 = tpu.memref_squeeze %dma_start3A_854 : memref<1x!tpu.dma_semaphore, #tpu.memory_space<semaphore_mem>> -> memref<!tpu.dma_semaphore, #tpu.memory_space<semaphore_mem>>
      %dma_start3A_856 = arith.constant 0 : i32
      %dma_start3A_857 = tpu.memref_slice %arg7[%dma_start3A_846, %dma_start3A_856] : memref<4x64xi32, #tpu.memory_space<vmem>> -> memref<1x64xi32, #tpu.memory_space<vmem>>
      %dma_start3A_858 = tpu.memref_squeeze %dma_start3A_857 : memref<1x64xi32, #tpu.memory_space<vmem>> -> memref<64xi32, #tpu.memory_space<vmem>>
      %dma_start3A_859 = arith.constant 0 : i32
      %dma_start3A_860 = tpu.memref_slice %arg3[%add3A_845, %dma_start3A_859] : memref<5056x64xi32, #tpu.memory_space<hbm>> -> memref<1x64xi32, #tpu.memory_space<hbm>>
      %dma_start3A_861 = tpu.memref_squeeze %dma_start3A_860 : memref<1x64xi32, #tpu.memory_space<hbm>> -> memref<64xi32, #tpu.memory_space<hbm>>
      tpu.enqueue_dma source(%dma_start3A_861 : memref<64xi32, #tpu.memory_space<hbm>>) target(%dma_start3A_858 : memref<64xi32, #tpu.memory_space<vmem>>) target_semaphore(%dma_start3A_855 : memref<!tpu.dma_semaphore, #tpu.memory_space<semaphore_mem>>)
      %add3A_862 = arith.constant 2 : i32
      %add3A_863 = arith.addi %add3A_771, %add3A_862 : i32
      %dma_start3A_864 = arith.constant 2 : i32
      %dma_start3A_865 = arith.constant 2 : i32
      %dma_start3A_866 = arith.constant 0 : i32
      %dma_start3A_867 = tpu.memref_slice %arg8[%dma_start3A_864, %dma_start3A_866] : memref<4x64xi32, #tpu.memory_space<vmem>> -> memref<1x64xi32, #tpu.memory_space<vmem>>
      %dma_start3A_868 = tpu.memref_squeeze %dma_start3A_867 : memref<1x64xi32, #tpu.memory_space<vmem>> -> memref<64xi32, #tpu.memory_space<vmem>>
      %dma_start3A_869 = arith.constant 0 : i32
      %dma_start3A_870 = tpu.memref_slice %arg4[%add3A_863, %dma_start3A_869] : memref<5056x64xi32, #tpu.memory_space<hbm>> -> memref<1x64xi32, #tpu.memory_space<hbm>>
      %dma_start3A_871 = tpu.memref_squeeze %dma_start3A_870 : memref<1x64xi32, #tpu.memory_space<hbm>> -> memref<64xi32, #tpu.memory_space<hbm>>
      %dma_start3A_872 = tpu.memref_slice %arg13[%dma_start3A_865] : memref<4x!tpu.dma_semaphore, #tpu.memory_space<semaphore_mem>> -> memref<1x!tpu.dma_semaphore, #tpu.memory_space<semaphore_mem>>
      %dma_start3A_873 = tpu.memref_squeeze %dma_start3A_872 : memref<1x!tpu.dma_semaphore, #tpu.memory_space<semaphore_mem>> -> memref<!tpu.dma_semaphore, #tpu.memory_space<semaphore_mem>>
      %dma_start3A_874 = arith.constant 0 : i32
      %dma_start3A_875 = tpu.memref_slice %arg8[%dma_start3A_864, %dma_start3A_874] : memref<4x64xi32, #tpu.memory_space<vmem>> -> memref<1x64xi32, #tpu.memory_space<vmem>>
      %dma_start3A_876 = tpu.memref_squeeze %dma_start3A_875 : memref<1x64xi32, #tpu.memory_space<vmem>> -> memref<64xi32, #tpu.memory_space<vmem>>
      %dma_start3A_877 = arith.constant 0 : i32
      %dma_start3A_878 = tpu.memref_slice %arg4[%add3A_863, %dma_start3A_877] : memref<5056x64xi32, #tpu.memory_space<hbm>> -> memref<1x64xi32, #tpu.memory_space<hbm>>
      %dma_start3A_879 = tpu.memref_squeeze %dma_start3A_878 : memref<1x64xi32, #tpu.memory_space<hbm>> -> memref<64xi32, #tpu.memory_space<hbm>>
      tpu.enqueue_dma source(%dma_start3A_879 : memref<64xi32, #tpu.memory_space<hbm>>) target(%dma_start3A_876 : memref<64xi32, #tpu.memory_space<vmem>>) target_semaphore(%dma_start3A_873 : memref<!tpu.dma_semaphore, #tpu.memory_space<semaphore_mem>>)
      %add3A_880 = arith.constant 3 : i32
      %add3A_881 = arith.addi %add3A_771, %add3A_880 : i32
      %dma_start3A_882 = arith.constant 3 : i32
      %dma_start3A_883 = arith.constant 3 : i32
      %dma_start3A_884 = arith.constant 0 : i32
      %dma_start3A_885 = tpu.memref_slice %arg7[%dma_start3A_882, %dma_start3A_884] : memref<4x64xi32, #tpu.memory_space<vmem>> -> memref<1x64xi32, #tpu.memory_space<vmem>>
      %dma_start3A_886 = tpu.memref_squeeze %dma_start3A_885 : memref<1x64xi32, #tpu.memory_space<vmem>> -> memref<64xi32, #tpu.memory_space<vmem>>
      %dma_start3A_887 = arith.constant 0 : i32
      %dma_start3A_888 = tpu.memref_slice %arg3[%add3A_881, %dma_start3A_887] : memref<5056x64xi32, #tpu.memory_space<hbm>> -> memref<1x64xi32, #tpu.memory_space<hbm>>
      %dma_start3A_889 = tpu.memref_squeeze %dma_start3A_888 : memref<1x64xi32, #tpu.memory_space<hbm>> -> memref<64xi32, #tpu.memory_space<hbm>>
      %dma_start3A_890 = tpu.memref_slice %arg13[%dma_start3A_883] : memref<4x!tpu.dma_semaphore, #tpu.memory_space<semaphore_mem>> -> memref<1x!tpu.dma_semaphore, #tpu.memory_space<semaphore_mem>>
      %dma_start3A_891 = tpu.memref_squeeze %dma_start3A_890 : memref<1x!tpu.dma_semaphore, #tpu.memory_space<semaphore_mem>> -> memref<!tpu.dma_semaphore, #tpu.memory_space<semaphore_mem>>
      %dma_start3A_892 = arith.constant 0 : i32
      %dma_start3A_893 = tpu.memref_slice %arg7[%dma_start3A_882, %dma_start3A_892] : memref<4x64xi32, #tpu.memory_space<vmem>> -> memref<1x64xi32, #tpu.memory_space<vmem>>
      %dma_start3A_894 = tpu.memref_squeeze %dma_start3A_893 : memref<1x64xi32, #tpu.memory_space<vmem>> -> memref<64xi32, #tpu.memory_space<vmem>>
      %dma_start3A_895 = arith.constant 0 : i32
      %dma_start3A_896 = tpu.memref_slice %arg3[%add3A_881, %dma_start3A_895] : memref<5056x64xi32, #tpu.memory_space<hbm>> -> memref<1x64xi32, #tpu.memory_space<hbm>>
      %dma_start3A_897 = tpu.memref_squeeze %dma_start3A_896 : memref<1x64xi32, #tpu.memory_space<hbm>> -> memref<64xi32, #tpu.memory_space<hbm>>
      tpu.enqueue_dma source(%dma_start3A_897 : memref<64xi32, #tpu.memory_space<hbm>>) target(%dma_start3A_894 : memref<64xi32, #tpu.memory_space<vmem>>) target_semaphore(%dma_start3A_891 : memref<!tpu.dma_semaphore, #tpu.memory_space<semaphore_mem>>)
      %add3A_898 = arith.constant 3 : i32
      %add3A_899 = arith.addi %add3A_771, %add3A_898 : i32
      %dma_start3A_900 = arith.constant 3 : i32
      %dma_start3A_901 = arith.constant 3 : i32
      %dma_start3A_902 = arith.constant 0 : i32
      %dma_start3A_903 = tpu.memref_slice %arg8[%dma_start3A_900, %dma_start3A_902] : memref<4x64xi32, #tpu.memory_space<vmem>> -> memref<1x64xi32, #tpu.memory_space<vmem>>
      %dma_start3A_904 = tpu.memref_squeeze %dma_start3A_903 : memref<1x64xi32, #tpu.memory_space<vmem>> -> memref<64xi32, #tpu.memory_space<vmem>>
      %dma_start3A_905 = arith.constant 0 : i32
      %dma_start3A_906 = tpu.memref_slice %arg4[%add3A_899, %dma_start3A_905] : memref<5056x64xi32, #tpu.memory_space<hbm>> -> memref<1x64xi32, #tpu.memory_space<hbm>>
      %dma_start3A_907 = tpu.memref_squeeze %dma_start3A_906 : memref<1x64xi32, #tpu.memory_space<hbm>> -> memref<64xi32, #tpu.memory_space<hbm>>
      %dma_start3A_908 = tpu.memref_slice %arg13[%dma_start3A_901] : memref<4x!tpu.dma_semaphore, #tpu.memory_space<semaphore_mem>> -> memref<1x!tpu.dma_semaphore, #tpu.memory_space<semaphore_mem>>
      %dma_start3A_909 = tpu.memref_squeeze %dma_start3A_908 : memref<1x!tpu.dma_semaphore, #tpu.memory_space<semaphore_mem>> -> memref<!tpu.dma_semaphore, #tpu.memory_space<semaphore_mem>>
      %dma_start3A_910 = arith.constant 0 : i32
      %dma_start3A_911 = tpu.memref_slice %arg8[%dma_start3A_900, %dma_start3A_910] : memref<4x64xi32, #tpu.memory_space<vmem>> -> memref<1x64xi32, #tpu.memory_space<vmem>>
      %dma_start3A_912 = tpu.memref_squeeze %dma_start3A_911 : memref<1x64xi32, #tpu.memory_space<vmem>> -> memref<64xi32, #tpu.memory_space<vmem>>
      %dma_start3A_913 = arith.constant 0 : i32
      %dma_start3A_914 = tpu.memref_slice %arg4[%add3A_899, %dma_start3A_913] : memref<5056x64xi32, #tpu.memory_space<hbm>> -> memref<1x64xi32, #tpu.memory_space<hbm>>
      %dma_start3A_915 = tpu.memref_squeeze %dma_start3A_914 : memref<1x64xi32, #tpu.memory_space<hbm>> -> memref<64xi32, #tpu.memory_space<hbm>>
      tpu.enqueue_dma source(%dma_start3A_915 : memref<64xi32, #tpu.memory_space<hbm>>) target(%dma_start3A_912 : memref<64xi32, #tpu.memory_space<vmem>>) target_semaphore(%dma_start3A_909 : memref<!tpu.dma_semaphore, #tpu.memory_space<semaphore_mem>>)
      %dma_wait3A_916 = arith.constant 0 : i32
      %dma_wait3A_917 = arith.constant 0 : i32
      %dma_wait3A_918 = arith.constant 0 : i32
      %dma_wait3A_919 = tpu.memref_slice %arg7[%dma_wait3A_916, %dma_wait3A_918] : memref<4x64xi32, #tpu.memory_space<vmem>> -> memref<1x64xi32, #tpu.memory_space<vmem>>
      %dma_wait3A_920 = tpu.memref_squeeze %dma_wait3A_919 : memref<1x64xi32, #tpu.memory_space<vmem>> -> memref<64xi32, #tpu.memory_space<vmem>>
      %dma_wait3A_921 = arith.constant 0 : i32
      %dma_wait3A_922 = tpu.memref_slice %arg3[%add3A_773, %dma_wait3A_921] : memref<5056x64xi32, #tpu.memory_space<hbm>> -> memref<1x64xi32, #tpu.memory_space<hbm>>
      %dma_wait3A_923 = tpu.memref_squeeze %dma_wait3A_922 : memref<1x64xi32, #tpu.memory_space<hbm>> -> memref<64xi32, #tpu.memory_space<hbm>>
      %dma_wait3A_924 = tpu.memref_slice %arg13[%dma_wait3A_917] : memref<4x!tpu.dma_semaphore, #tpu.memory_space<semaphore_mem>> -> memref<1x!tpu.dma_semaphore, #tpu.memory_space<semaphore_mem>>
      %dma_wait3A_925 = tpu.memref_squeeze %dma_wait3A_924 : memref<1x!tpu.dma_semaphore, #tpu.memory_space<semaphore_mem>> -> memref<!tpu.dma_semaphore, #tpu.memory_space<semaphore_mem>>
      %dma_wait3A_926 = arith.constant 0 : i32
      %dma_wait3A_927 = tpu.memref_slice %arg7[%dma_wait3A_916, %dma_wait3A_926] : memref<4x64xi32, #tpu.memory_space<vmem>> -> memref<1x64xi32, #tpu.memory_space<vmem>>
      %dma_wait3A_928 = tpu.memref_squeeze %dma_wait3A_927 : memref<1x64xi32, #tpu.memory_space<vmem>> -> memref<64xi32, #tpu.memory_space<vmem>>
      %dma_wait3A_929 = arith.constant 0 : i32
      %dma_wait3A_930 = tpu.memref_slice %arg3[%add3A_773, %dma_wait3A_929] : memref<5056x64xi32, #tpu.memory_space<hbm>> -> memref<1x64xi32, #tpu.memory_space<hbm>>
      %dma_wait3A_931 = tpu.memref_squeeze %dma_wait3A_930 : memref<1x64xi32, #tpu.memory_space<hbm>> -> memref<64xi32, #tpu.memory_space<hbm>>
      tpu.wait_dma2 semaphore(%dma_wait3A_925 : memref<!tpu.dma_semaphore, #tpu.memory_space<semaphore_mem>>) src(%dma_wait3A_931 : memref<64xi32, #tpu.memory_space<hbm>>) dst(%dma_wait3A_928 : memref<64xi32, #tpu.memory_space<vmem>>)
      %dma_start3A_932 = arith.constant 0 : i32
      %dma_start3A_933 = arith.constant 0 : i32
      %dma_start3A_934 = arith.constant 0 : i32
      %dma_start3A_935 = arith.constant 0 : i32
      %dma_start3A_936 = tpu.memref_slice %arg9[%dma_start3A_934, %dma_start3A_935] : memref<256x128xf32, #tpu.memory_space<vmem>> -> memref<64x128xf32, #tpu.memory_space<vmem>>
      %dma_start3A_937 = arith.constant 0 : i32
      %dma_start3A_938 = tpu.memref_slice %arg7[%dma_start3A_932, %dma_start3A_937] : memref<4x64xi32, #tpu.memory_space<vmem>> -> memref<1x64xi32, #tpu.memory_space<vmem>>
      %dma_start3A_939 = tpu.memref_squeeze %dma_start3A_938 : memref<1x64xi32, #tpu.memory_space<vmem>> -> memref<64xi32, #tpu.memory_space<vmem>>
      %dma_start3A_940 = arith.constant 0 : i32
      %dma_start3A_941 = arith.constant 0 : i32
      %dma_start3A_942 = tpu.memref_slice %arg2[%dma_start3A_940, %dma_start3A_941] : memref<10000x128xf32, #tpu.memory_space<hbm>> -> memref<10000x128xf32, #tpu.memory_space<hbm>>
      %dma_start3A_943 = tpu.memref_slice %arg14[%dma_start3A_933] : memref<4x!tpu.dma_semaphore, #tpu.memory_space<semaphore_mem>> -> memref<1x!tpu.dma_semaphore, #tpu.memory_space<semaphore_mem>>
      %dma_start3A_944 = tpu.memref_squeeze %dma_start3A_943 : memref<1x!tpu.dma_semaphore, #tpu.memory_space<semaphore_mem>> -> memref<!tpu.dma_semaphore, #tpu.memory_space<semaphore_mem>>
      tpu.enqueue_indirect_dma source(%dma_start3A_942 : memref<10000x128xf32, #tpu.memory_space<hbm>>) target(%dma_start3A_936 : memref<64x128xf32, #tpu.memory_space<vmem>>) offsets(%dma_start3A_939 : memref<64xi32, #tpu.memory_space<vmem>>) semaphore(%dma_start3A_944 : memref<!tpu.dma_semaphore, #tpu.memory_space<semaphore_mem>>)
      %dma_wait3A_945 = arith.constant 1 : i32
      %dma_wait3A_946 = arith.constant 1 : i32
      %dma_wait3A_947 = arith.constant 0 : i32
      %dma_wait3A_948 = tpu.memref_slice %arg7[%dma_wait3A_945, %dma_wait3A_947] : memref<4x64xi32, #tpu.memory_space<vmem>> -> memref<1x64xi32, #tpu.memory_space<vmem>>
      %dma_wait3A_949 = tpu.memref_squeeze %dma_wait3A_948 : memref<1x64xi32, #tpu.memory_space<vmem>> -> memref<64xi32, #tpu.memory_space<vmem>>
      %dma_wait3A_950 = arith.constant 0 : i32
      %dma_wait3A_951 = tpu.memref_slice %arg3[%add3A_809, %dma_wait3A_950] : memref<5056x64xi32, #tpu.memory_space<hbm>> -> memref<1x64xi32, #tpu.memory_space<hbm>>
      %dma_wait3A_952 = tpu.memref_squeeze %dma_wait3A_951 : memref<1x64xi32, #tpu.memory_space<hbm>> -> memref<64xi32, #tpu.memory_space<hbm>>
      %dma_wait3A_953 = tpu.memref_slice %arg13[%dma_wait3A_946] : memref<4x!tpu.dma_semaphore, #tpu.memory_space<semaphore_mem>> -> memref<1x!tpu.dma_semaphore, #tpu.memory_space<semaphore_mem>>
      %dma_wait3A_954 = tpu.memref_squeeze %dma_wait3A_953 : memref<1x!tpu.dma_semaphore, #tpu.memory_space<semaphore_mem>> -> memref<!tpu.dma_semaphore, #tpu.memory_space<semaphore_mem>>
      %dma_wait3A_955 = arith.constant 0 : i32
      %dma_wait3A_956 = tpu.memref_slice %arg7[%dma_wait3A_945, %dma_wait3A_955] : memref<4x64xi32, #tpu.memory_space<vmem>> -> memref<1x64xi32, #tpu.memory_space<vmem>>
      %dma_wait3A_957 = tpu.memref_squeeze %dma_wait3A_956 : memref<1x64xi32, #tpu.memory_space<vmem>> -> memref<64xi32, #tpu.memory_space<vmem>>
      %dma_wait3A_958 = arith.constant 0 : i32
      %dma_wait3A_959 = tpu.memref_slice %arg3[%add3A_809, %dma_wait3A_958] : memref<5056x64xi32, #tpu.memory_space<hbm>> -> memref<1x64xi32, #tpu.memory_space<hbm>>
      %dma_wait3A_960 = tpu.memref_squeeze %dma_wait3A_959 : memref<1x64xi32, #tpu.memory_space<hbm>> -> memref<64xi32, #tpu.memory_space<hbm>>
      tpu.wait_dma2 semaphore(%dma_wait3A_954 : memref<!tpu.dma_semaphore, #tpu.memory_space<semaphore_mem>>) src(%dma_wait3A_960 : memref<64xi32, #tpu.memory_space<hbm>>) dst(%dma_wait3A_957 : memref<64xi32, #tpu.memory_space<vmem>>)
      %dma_start3A_961 = arith.constant 1 : i32
      %dma_start3A_962 = arith.constant 1 : i32
      %dma_start3A_963 = arith.constant 64 : i32
      %dma_start3A_964 = arith.constant 0 : i32
      %dma_start3A_965 = tpu.memref_slice %arg9[%dma_start3A_963, %dma_start3A_964] : memref<256x128xf32, #tpu.memory_space<vmem>> -> memref<64x128xf32, #tpu.memory_space<vmem>>
      %dma_start3A_966 = arith.constant 0 : i32
      %dma_start3A_967 = tpu.memref_slice %arg7[%dma_start3A_961, %dma_start3A_966] : memref<4x64xi32, #tpu.memory_space<vmem>> -> memref<1x64xi32, #tpu.memory_space<vmem>>
      %dma_start3A_968 = tpu.memref_squeeze %dma_start3A_967 : memref<1x64xi32, #tpu.memory_space<vmem>> -> memref<64xi32, #tpu.memory_space<vmem>>
      %dma_start3A_969 = arith.constant 0 : i32
      %dma_start3A_970 = arith.constant 0 : i32
      %dma_start3A_971 = tpu.memref_slice %arg2[%dma_start3A_969, %dma_start3A_970] : memref<10000x128xf32, #tpu.memory_space<hbm>> -> memref<10000x128xf32, #tpu.memory_space<hbm>>
      %dma_start3A_972 = tpu.memref_slice %arg14[%dma_start3A_962] : memref<4x!tpu.dma_semaphore, #tpu.memory_space<semaphore_mem>> -> memref<1x!tpu.dma_semaphore, #tpu.memory_space<semaphore_mem>>
      %dma_start3A_973 = tpu.memref_squeeze %dma_start3A_972 : memref<1x!tpu.dma_semaphore, #tpu.memory_space<semaphore_mem>> -> memref<!tpu.dma_semaphore, #tpu.memory_space<semaphore_mem>>
      tpu.enqueue_indirect_dma source(%dma_start3A_971 : memref<10000x128xf32, #tpu.memory_space<hbm>>) target(%dma_start3A_965 : memref<64x128xf32, #tpu.memory_space<vmem>>) offsets(%dma_start3A_968 : memref<64xi32, #tpu.memory_space<vmem>>) semaphore(%dma_start3A_973 : memref<!tpu.dma_semaphore, #tpu.memory_space<semaphore_mem>>)
      %dma_wait3A_974 = arith.constant 2 : i32
      %dma_wait3A_975 = arith.constant 2 : i32
      %dma_wait3A_976 = arith.constant 0 : i32
      %dma_wait3A_977 = tpu.memref_slice %arg7[%dma_wait3A_974, %dma_wait3A_976] : memref<4x64xi32, #tpu.memory_space<vmem>> -> memref<1x64xi32, #tpu.memory_space<vmem>>
      %dma_wait3A_978 = tpu.memref_squeeze %dma_wait3A_977 : memref<1x64xi32, #tpu.memory_space<vmem>> -> memref<64xi32, #tpu.memory_space<vmem>>
      %dma_wait3A_979 = arith.constant 0 : i32
      %dma_wait3A_980 = tpu.memref_slice %arg3[%add3A_845, %dma_wait3A_979] : memref<5056x64xi32, #tpu.memory_space<hbm>> -> memref<1x64xi32, #tpu.memory_space<hbm>>
      %dma_wait3A_981 = tpu.memref_squeeze %dma_wait3A_980 : memref<1x64xi32, #tpu.memory_space<hbm>> -> memref<64xi32, #tpu.memory_space<hbm>>
      %dma_wait3A_982 = tpu.memref_slice %arg13[%dma_wait3A_975] : memref<4x!tpu.dma_semaphore, #tpu.memory_space<semaphore_mem>> -> memref<1x!tpu.dma_semaphore, #tpu.memory_space<semaphore_mem>>
      %dma_wait3A_983 = tpu.memref_squeeze %dma_wait3A_982 : memref<1x!tpu.dma_semaphore, #tpu.memory_space<semaphore_mem>> -> memref<!tpu.dma_semaphore, #tpu.memory_space<semaphore_mem>>
      %dma_wait3A_984 = arith.constant 0 : i32
      %dma_wait3A_985 = tpu.memref_slice %arg7[%dma_wait3A_974, %dma_wait3A_984] : memref<4x64xi32, #tpu.memory_space<vmem>> -> memref<1x64xi32, #tpu.memory_space<vmem>>
      %dma_wait3A_986 = tpu.memref_squeeze %dma_wait3A_985 : memref<1x64xi32, #tpu.memory_space<vmem>> -> memref<64xi32, #tpu.memory_space<vmem>>
      %dma_wait3A_987 = arith.constant 0 : i32
      %dma_wait3A_988 = tpu.memref_slice %arg3[%add3A_845, %dma_wait3A_987] : memref<5056x64xi32, #tpu.memory_space<hbm>> -> memref<1x64xi32, #tpu.memory_space<hbm>>
      %dma_wait3A_989 = tpu.memref_squeeze %dma_wait3A_988 : memref<1x64xi32, #tpu.memory_space<hbm>> -> memref<64xi32, #tpu.memory_space<hbm>>
      tpu.wait_dma2 semaphore(%dma_wait3A_983 : memref<!tpu.dma_semaphore, #tpu.memory_space<semaphore_mem>>) src(%dma_wait3A_989 : memref<64xi32, #tpu.memory_space<hbm>>) dst(%dma_wait3A_986 : memref<64xi32, #tpu.memory_space<vmem>>)
      %dma_start3A_990 = arith.constant 2 : i32
      %dma_start3A_991 = arith.constant 2 : i32
      %dma_start3A_992 = arith.constant 128 : i32
      %dma_start3A_993 = arith.constant 0 : i32
      %dma_start3A_994 = tpu.memref_slice %arg9[%dma_start3A_992, %dma_start3A_993] : memref<256x128xf32, #tpu.memory_space<vmem>> -> memref<64x128xf32, #tpu.memory_space<vmem>>
      %dma_start3A_995 = arith.constant 0 : i32
      %dma_start3A_996 = tpu.memref_slice %arg7[%dma_start3A_990, %dma_start3A_995] : memref<4x64xi32, #tpu.memory_space<vmem>> -> memref<1x64xi32, #tpu.memory_space<vmem>>
      %dma_start3A_997 = tpu.memref_squeeze %dma_start3A_996 : memref<1x64xi32, #tpu.memory_space<vmem>> -> memref<64xi32, #tpu.memory_space<vmem>>
      %dma_start3A_998 = arith.constant 0 : i32
      %dma_start3A_999 = arith.constant 0 : i32
      %dma_start3A_1000 = tpu.memref_slice %arg2[%dma_start3A_998, %dma_start3A_999] : memref<10000x128xf32, #tpu.memory_space<hbm>> -> memref<10000x128xf32, #tpu.memory_space<hbm>>
      %dma_start3A_1001 = tpu.memref_slice %arg14[%dma_start3A_991] : memref<4x!tpu.dma_semaphore, #tpu.memory_space<semaphore_mem>> -> memref<1x!tpu.dma_semaphore, #tpu.memory_space<semaphore_mem>>
      %dma_start3A_1002 = tpu.memref_squeeze %dma_start3A_1001 : memref<1x!tpu.dma_semaphore, #tpu.memory_space<semaphore_mem>> -> memref<!tpu.dma_semaphore, #tpu.memory_space<semaphore_mem>>
      tpu.enqueue_indirect_dma source(%dma_start3A_1000 : memref<10000x128xf32, #tpu.memory_space<hbm>>) target(%dma_start3A_994 : memref<64x128xf32, #tpu.memory_space<vmem>>) offsets(%dma_start3A_997 : memref<64xi32, #tpu.memory_space<vmem>>) semaphore(%dma_start3A_1002 : memref<!tpu.dma_semaphore, #tpu.memory_space<semaphore_mem>>)
      %dma_wait3A_1003 = arith.constant 3 : i32
      %dma_wait3A_1004 = arith.constant 3 : i32
      %dma_wait3A_1005 = arith.constant 0 : i32
      %dma_wait3A_1006 = tpu.memref_slice %arg7[%dma_wait3A_1003, %dma_wait3A_1005] : memref<4x64xi32, #tpu.memory_space<vmem>> -> memref<1x64xi32, #tpu.memory_space<vmem>>
      %dma_wait3A_1007 = tpu.memref_squeeze %dma_wait3A_1006 : memref<1x64xi32, #tpu.memory_space<vmem>> -> memref<64xi32, #tpu.memory_space<vmem>>
      %dma_wait3A_1008 = arith.constant 0 : i32
      %dma_wait3A_1009 = tpu.memref_slice %arg3[%add3A_881, %dma_wait3A_1008] : memref<5056x64xi32, #tpu.memory_space<hbm>> -> memref<1x64xi32, #tpu.memory_space<hbm>>
      %dma_wait3A_1010 = tpu.memref_squeeze %dma_wait3A_1009 : memref<1x64xi32, #tpu.memory_space<hbm>> -> memref<64xi32, #tpu.memory_space<hbm>>
      %dma_wait3A_1011 = tpu.memref_slice %arg13[%dma_wait3A_1004] : memref<4x!tpu.dma_semaphore, #tpu.memory_space<semaphore_mem>> -> memref<1x!tpu.dma_semaphore, #tpu.memory_space<semaphore_mem>>
      %dma_wait3A_1012 = tpu.memref_squeeze %dma_wait3A_1011 : memref<1x!tpu.dma_semaphore, #tpu.memory_space<semaphore_mem>> -> memref<!tpu.dma_semaphore, #tpu.memory_space<semaphore_mem>>
      %dma_wait3A_1013 = arith.constant 0 : i32
      %dma_wait3A_1014 = tpu.memref_slice %arg7[%dma_wait3A_1003, %dma_wait3A_1013] : memref<4x64xi32, #tpu.memory_space<vmem>> -> memref<1x64xi32, #tpu.memory_space<vmem>>
      %dma_wait3A_1015 = tpu.memref_squeeze %dma_wait3A_1014 : memref<1x64xi32, #tpu.memory_space<vmem>> -> memref<64xi32, #tpu.memory_space<vmem>>
      %dma_wait3A_1016 = arith.constant 0 : i32
      %dma_wait3A_1017 = tpu.memref_slice %arg3[%add3A_881, %dma_wait3A_1016] : memref<5056x64xi32, #tpu.memory_space<hbm>> -> memref<1x64xi32, #tpu.memory_space<hbm>>
      %dma_wait3A_1018 = tpu.memref_squeeze %dma_wait3A_1017 : memref<1x64xi32, #tpu.memory_space<hbm>> -> memref<64xi32, #tpu.memory_space<hbm>>
      tpu.wait_dma2 semaphore(%dma_wait3A_1012 : memref<!tpu.dma_semaphore, #tpu.memory_space<semaphore_mem>>) src(%dma_wait3A_1018 : memref<64xi32, #tpu.memory_space<hbm>>) dst(%dma_wait3A_1015 : memref<64xi32, #tpu.memory_space<vmem>>)
      %dma_start3A_1019 = arith.constant 3 : i32
      %dma_start3A_1020 = arith.constant 3 : i32
      %dma_start3A_1021 = arith.constant 192 : i32
      %dma_start3A_1022 = arith.constant 0 : i32
      %dma_start3A_1023 = tpu.memref_slice %arg9[%dma_start3A_1021, %dma_start3A_1022] : memref<256x128xf32, #tpu.memory_space<vmem>> -> memref<64x128xf32, #tpu.memory_space<vmem>>
      %dma_start3A_1024 = arith.constant 0 : i32
      %dma_start3A_1025 = tpu.memref_slice %arg7[%dma_start3A_1019, %dma_start3A_1024] : memref<4x64xi32, #tpu.memory_space<vmem>> -> memref<1x64xi32, #tpu.memory_space<vmem>>
      %dma_start3A_1026 = tpu.memref_squeeze %dma_start3A_1025 : memref<1x64xi32, #tpu.memory_space<vmem>> -> memref<64xi32, #tpu.memory_space<vmem>>
      %dma_start3A_1027 = arith.constant 0 : i32
      %dma_start3A_1028 = arith.constant 0 : i32
      %dma_start3A_1029 = tpu.memref_slice %arg2[%dma_start3A_1027, %dma_start3A_1028] : memref<10000x128xf32, #tpu.memory_space<hbm>> -> memref<10000x128xf32, #tpu.memory_space<hbm>>
      %dma_start3A_1030 = tpu.memref_slice %arg14[%dma_start3A_1020] : memref<4x!tpu.dma_semaphore, #tpu.memory_space<semaphore_mem>> -> memref<1x!tpu.dma_semaphore, #tpu.memory_space<semaphore_mem>>
      %dma_start3A_1031 = tpu.memref_squeeze %dma_start3A_1030 : memref<1x!tpu.dma_semaphore, #tpu.memory_space<semaphore_mem>> -> memref<!tpu.dma_semaphore, #tpu.memory_space<semaphore_mem>>
      tpu.enqueue_indirect_dma source(%dma_start3A_1029 : memref<10000x128xf32, #tpu.memory_space<hbm>>) target(%dma_start3A_1023 : memref<64x128xf32, #tpu.memory_space<vmem>>) offsets(%dma_start3A_1026 : memref<64xi32, #tpu.memory_space<vmem>>) semaphore(%dma_start3A_1031 : memref<!tpu.dma_semaphore, #tpu.memory_space<semaphore_mem>>)
      %dma_wait3A_1032 = arith.constant 0 : i32
      %dma_wait3A_1033 = arith.constant 0 : i32
      %dma_wait3A_1034 = arith.constant 0 : i32
      %dma_wait3A_1035 = tpu.memref_slice %arg8[%dma_wait3A_1032, %dma_wait3A_1034] : memref<4x64xi32, #tpu.memory_space<vmem>> -> memref<1x64xi32, #tpu.memory_space<vmem>>
      %dma_wait3A_1036 = tpu.memref_squeeze %dma_wait3A_1035 : memref<1x64xi32, #tpu.memory_space<vmem>> -> memref<64xi32, #tpu.memory_space<vmem>>
      %dma_wait3A_1037 = arith.constant 0 : i32
      %dma_wait3A_1038 = tpu.memref_slice %arg4[%add3A_791, %dma_wait3A_1037] : memref<5056x64xi32, #tpu.memory_space<hbm>> -> memref<1x64xi32, #tpu.memory_space<hbm>>
      %dma_wait3A_1039 = tpu.memref_squeeze %dma_wait3A_1038 : memref<1x64xi32, #tpu.memory_space<hbm>> -> memref<64xi32, #tpu.memory_space<hbm>>
      %dma_wait3A_1040 = tpu.memref_slice %arg13[%dma_wait3A_1033] : memref<4x!tpu.dma_semaphore, #tpu.memory_space<semaphore_mem>> -> memref<1x!tpu.dma_semaphore, #tpu.memory_space<semaphore_mem>>
      %dma_wait3A_1041 = tpu.memref_squeeze %dma_wait3A_1040 : memref<1x!tpu.dma_semaphore, #tpu.memory_space<semaphore_mem>> -> memref<!tpu.dma_semaphore, #tpu.memory_space<semaphore_mem>>
      %dma_wait3A_1042 = arith.constant 0 : i32
      %dma_wait3A_1043 = tpu.memref_slice %arg8[%dma_wait3A_1032, %dma_wait3A_1042] : memref<4x64xi32, #tpu.memory_space<vmem>> -> memref<1x64xi32, #tpu.memory_space<vmem>>
      %dma_wait3A_1044 = tpu.memref_squeeze %dma_wait3A_1043 : memref<1x64xi32, #tpu.memory_space<vmem>> -> memref<64xi32, #tpu.memory_space<vmem>>
      %dma_wait3A_1045 = arith.constant 0 : i32
      %dma_wait3A_1046 = tpu.memref_slice %arg4[%add3A_791, %dma_wait3A_1045] : memref<5056x64xi32, #tpu.memory_space<hbm>> -> memref<1x64xi32, #tpu.memory_space<hbm>>
      %dma_wait3A_1047 = tpu.memref_squeeze %dma_wait3A_1046 : memref<1x64xi32, #tpu.memory_space<hbm>> -> memref<64xi32, #tpu.memory_space<hbm>>
      tpu.wait_dma2 semaphore(%dma_wait3A_1041 : memref<!tpu.dma_semaphore, #tpu.memory_space<semaphore_mem>>) src(%dma_wait3A_1047 : memref<64xi32, #tpu.memory_space<hbm>>) dst(%dma_wait3A_1044 : memref<64xi32, #tpu.memory_space<vmem>>)
      %dma_wait3A_1048 = arith.constant 0 : i32
      %dma_wait3A_1049 = arith.constant 0 : i32
      %dma_wait3A_1050 = arith.constant 0 : i32
      %dma_wait3A_1051 = arith.constant 0 : i32
      %dma_wait3A_1052 = tpu.memref_slice %arg9[%dma_wait3A_1050, %dma_wait3A_1051] : memref<256x128xf32, #tpu.memory_space<vmem>> -> memref<64x128xf32, #tpu.memory_space<vmem>>
      %dma_wait3A_1053 = arith.constant 0 : i32
      %dma_wait3A_1054 = tpu.memref_slice %arg7[%dma_wait3A_1048, %dma_wait3A_1053] : memref<4x64xi32, #tpu.memory_space<vmem>> -> memref<1x64xi32, #tpu.memory_space<vmem>>
      %dma_wait3A_1055 = tpu.memref_squeeze %dma_wait3A_1054 : memref<1x64xi32, #tpu.memory_space<vmem>> -> memref<64xi32, #tpu.memory_space<vmem>>
      %dma_wait3A_1056 = arith.constant 0 : i32
      %dma_wait3A_1057 = arith.constant 0 : i32
      %dma_wait3A_1058 = tpu.memref_slice %arg2[%dma_wait3A_1056, %dma_wait3A_1057] : memref<10000x128xf32, #tpu.memory_space<hbm>> -> memref<10000x128xf32, #tpu.memory_space<hbm>>
      %dma_wait3A_1059 = tpu.memref_slice %arg14[%dma_wait3A_1049] : memref<4x!tpu.dma_semaphore, #tpu.memory_space<semaphore_mem>> -> memref<1x!tpu.dma_semaphore, #tpu.memory_space<semaphore_mem>>
      %dma_wait3A_1060 = tpu.memref_squeeze %dma_wait3A_1059 : memref<1x!tpu.dma_semaphore, #tpu.memory_space<semaphore_mem>> -> memref<!tpu.dma_semaphore, #tpu.memory_space<semaphore_mem>>
      tpu.wait_indirect_dma semaphore(%dma_wait3A_1060 : memref<!tpu.dma_semaphore, #tpu.memory_space<semaphore_mem>>) src(%dma_wait3A_1058 : memref<10000x128xf32, #tpu.memory_space<hbm>>) dst(%dma_wait3A_1052 : memref<64x128xf32, #tpu.memory_space<vmem>>)
      %dma_start3A_1061 = arith.constant 0 : i32
      %dma_start3A_1062 = arith.constant 0 : i32
      %dma_start3A_1063 = arith.constant 0 : i32
      %dma_start3A_1064 = arith.constant 0 : i32
      %dma_start3A_1065 = tpu.memref_slice %arg9[%dma_start3A_1063, %dma_start3A_1064] : memref<256x128xf32, #tpu.memory_space<vmem>> -> memref<64x128xf32, #tpu.memory_space<vmem>>
      %dma_start3A_1066 = arith.constant 0 : i32
      %dma_start3A_1067 = tpu.memref_slice %arg8[%dma_start3A_1061, %dma_start3A_1066] : memref<4x64xi32, #tpu.memory_space<vmem>> -> memref<1x64xi32, #tpu.memory_space<vmem>>
      %dma_start3A_1068 = tpu.memref_squeeze %dma_start3A_1067 : memref<1x64xi32, #tpu.memory_space<vmem>> -> memref<64xi32, #tpu.memory_space<vmem>>
      %dma_start3A_1069 = arith.constant 0 : i32
      %dma_start3A_1070 = arith.constant 0 : i32
      %dma_start3A_1071 = tpu.memref_slice %arg12[%dma_start3A_1069, %dma_start3A_1070] : memref<10240x128xf32, #tpu.memory_space<vmem_shared>> -> memref<10240x128xf32, #tpu.memory_space<vmem_shared>>
      %dma_start3A_1072 = tpu.memref_slice %arg15[%dma_start3A_1062] : memref<4x!tpu.dma_semaphore, #tpu.memory_space<semaphore_mem>> -> memref<1x!tpu.dma_semaphore, #tpu.memory_space<semaphore_mem>>
      %dma_start3A_1073 = tpu.memref_squeeze %dma_start3A_1072 : memref<1x!tpu.dma_semaphore, #tpu.memory_space<semaphore_mem>> -> memref<!tpu.dma_semaphore, #tpu.memory_space<semaphore_mem>>
      tpu.enqueue_indirect_dma source(%dma_start3A_1065 : memref<64x128xf32, #tpu.memory_space<vmem>>) target(%dma_start3A_1071 : memref<10240x128xf32, #tpu.memory_space<vmem_shared>>) offsets(%dma_start3A_1068 : memref<64xi32, #tpu.memory_space<vmem>>) semaphore(%dma_start3A_1073 : memref<!tpu.dma_semaphore, #tpu.memory_space<semaphore_mem>>) {add = true}
      %get3A = arith.constant 0 : i32
      %get3A_1074 = arith.index_cast %get3A : i32 to index
      %get3A_1075 = arith.constant 0 : index
      %get3A_1076 = tpu.vector_load %arg8[%get3A_1074, %get3A_1075] {strides = array<i32>} : memref<4x64xi32, #tpu.memory_space<vmem>>, vector<16xi32>,
      tpu.vector_store_idx %arg10[%get3A_1076], %broadcast_in_dim3A_3 {add = true} : memref<10240xf32, #tpu.memory_space<vmem>>[vector<16xi32>], vector<16xf32>,
      %get3A_1077 = arith.constant 0 : i32
      %get3A_1078 = arith.index_cast %get3A_1077 : i32 to index
      %get3A_1079 = arith.constant 16 : index
      %get3A_1080 = tpu.vector_load %arg8[%get3A_1078, %get3A_1079] {strides = array<i32>} : memref<4x64xi32, #tpu.memory_space<vmem>>, vector<16xi32>,
      tpu.vector_store_idx %arg10[%get3A_1080], %broadcast_in_dim3A_3 {add = true} : memref<10240xf32, #tpu.memory_space<vmem>>[vector<16xi32>], vector<16xf32>,
      %get3A_1081 = arith.constant 0 : i32
      %get3A_1082 = arith.index_cast %get3A_1081 : i32 to index
      %get3A_1083 = arith.constant 32 : index
      %get3A_1084 = tpu.vector_load %arg8[%get3A_1082, %get3A_1083] {strides = array<i32>} : memref<4x64xi32, #tpu.memory_space<vmem>>, vector<16xi32>,
      tpu.vector_store_idx %arg10[%get3A_1084], %broadcast_in_dim3A_3 {add = true} : memref<10240xf32, #tpu.memory_space<vmem>>[vector<16xi32>], vector<16xf32>,
      %get3A_1085 = arith.constant 0 : i32
      %get3A_1086 = arith.index_cast %get3A_1085 : i32 to index
      %get3A_1087 = arith.constant 48 : index
      %get3A_1088 = tpu.vector_load %arg8[%get3A_1086, %get3A_1087] {strides = array<i32>} : memref<4x64xi32, #tpu.memory_space<vmem>>, vector<16xi32>,
      tpu.vector_store_idx %arg10[%get3A_1088], %broadcast_in_dim3A_3 {add = true} : memref<10240xf32, #tpu.memory_space<vmem>>[vector<16xi32>], vector<16xf32>,
      %dma_wait3A_1089 = arith.constant 1 : i32
      %dma_wait3A_1090 = arith.constant 1 : i32
      %dma_wait3A_1091 = arith.constant 0 : i32
      %dma_wait3A_1092 = tpu.memref_slice %arg8[%dma_wait3A_1089, %dma_wait3A_1091] : memref<4x64xi32, #tpu.memory_space<vmem>> -> memref<1x64xi32, #tpu.memory_space<vmem>>
      %dma_wait3A_1093 = tpu.memref_squeeze %dma_wait3A_1092 : memref<1x64xi32, #tpu.memory_space<vmem>> -> memref<64xi32, #tpu.memory_space<vmem>>
      %dma_wait3A_1094 = arith.constant 0 : i32
      %dma_wait3A_1095 = tpu.memref_slice %arg4[%add3A_827, %dma_wait3A_1094] : memref<5056x64xi32, #tpu.memory_space<hbm>> -> memref<1x64xi32, #tpu.memory_space<hbm>>
      %dma_wait3A_1096 = tpu.memref_squeeze %dma_wait3A_1095 : memref<1x64xi32, #tpu.memory_space<hbm>> -> memref<64xi32, #tpu.memory_space<hbm>>
      %dma_wait3A_1097 = tpu.memref_slice %arg13[%dma_wait3A_1090] : memref<4x!tpu.dma_semaphore, #tpu.memory_space<semaphore_mem>> -> memref<1x!tpu.dma_semaphore, #tpu.memory_space<semaphore_mem>>
      %dma_wait3A_1098 = tpu.memref_squeeze %dma_wait3A_1097 : memref<1x!tpu.dma_semaphore, #tpu.memory_space<semaphore_mem>> -> memref<!tpu.dma_semaphore, #tpu.memory_space<semaphore_mem>>
      %dma_wait3A_1099 = arith.constant 0 : i32
      %dma_wait3A_1100 = tpu.memref_slice %arg8[%dma_wait3A_1089, %dma_wait3A_1099] : memref<4x64xi32, #tpu.memory_space<vmem>> -> memref<1x64xi32, #tpu.memory_space<vmem>>
      %dma_wait3A_1101 = tpu.memref_squeeze %dma_wait3A_1100 : memref<1x64xi32, #tpu.memory_space<vmem>> -> memref<64xi32, #tpu.memory_space<vmem>>
      %dma_wait3A_1102 = arith.constant 0 : i32
      %dma_wait3A_1103 = tpu.memref_slice %arg4[%add3A_827, %dma_wait3A_1102] : memref<5056x64xi32, #tpu.memory_space<hbm>> -> memref<1x64xi32, #tpu.memory_space<hbm>>
      %dma_wait3A_1104 = tpu.memref_squeeze %dma_wait3A_1103 : memref<1x64xi32, #tpu.memory_space<hbm>> -> memref<64xi32, #tpu.memory_space<hbm>>
      tpu.wait_dma2 semaphore(%dma_wait3A_1098 : memref<!tpu.dma_semaphore, #tpu.memory_space<semaphore_mem>>) src(%dma_wait3A_1104 : memref<64xi32, #tpu.memory_space<hbm>>) dst(%dma_wait3A_1101 : memref<64xi32, #tpu.memory_space<vmem>>)
      %dma_wait3A_1105 = arith.constant 1 : i32
      %dma_wait3A_1106 = arith.constant 1 : i32
      %dma_wait3A_1107 = arith.constant 64 : i32
      %dma_wait3A_1108 = arith.constant 0 : i32
      %dma_wait3A_1109 = tpu.memref_slice %arg9[%dma_wait3A_1107, %dma_wait3A_1108] : memref<256x128xf32, #tpu.memory_space<vmem>> -> memref<64x128xf32, #tpu.memory_space<vmem>>
      %dma_wait3A_1110 = arith.constant 0 : i32
      %dma_wait3A_1111 = tpu.memref_slice %arg7[%dma_wait3A_1105, %dma_wait3A_1110] : memref<4x64xi32, #tpu.memory_space<vmem>> -> memref<1x64xi32, #tpu.memory_space<vmem>>
      %dma_wait3A_1112 = tpu.memref_squeeze %dma_wait3A_1111 : memref<1x64xi32, #tpu.memory_space<vmem>> -> memref<64xi32, #tpu.memory_space<vmem>>
      %dma_wait3A_1113 = arith.constant 0 : i32
      %dma_wait3A_1114 = arith.constant 0 : i32
      %dma_wait3A_1115 = tpu.memref_slice %arg2[%dma_wait3A_1113, %dma_wait3A_1114] : memref<10000x128xf32, #tpu.memory_space<hbm>> -> memref<10000x128xf32, #tpu.memory_space<hbm>>
      %dma_wait3A_1116 = tpu.memref_slice %arg14[%dma_wait3A_1106] : memref<4x!tpu.dma_semaphore, #tpu.memory_space<semaphore_mem>> -> memref<1x!tpu.dma_semaphore, #tpu.memory_space<semaphore_mem>>
      %dma_wait3A_1117 = tpu.memref_squeeze %dma_wait3A_1116 : memref<1x!tpu.dma_semaphore, #tpu.memory_space<semaphore_mem>> -> memref<!tpu.dma_semaphore, #tpu.memory_space<semaphore_mem>>
      tpu.wait_indirect_dma semaphore(%dma_wait3A_1117 : memref<!tpu.dma_semaphore, #tpu.memory_space<semaphore_mem>>) src(%dma_wait3A_1115 : memref<10000x128xf32, #tpu.memory_space<hbm>>) dst(%dma_wait3A_1109 : memref<64x128xf32, #tpu.memory_space<vmem>>)
      %dma_start3A_1118 = arith.constant 1 : i32
      %dma_start3A_1119 = arith.constant 1 : i32
      %dma_start3A_1120 = arith.constant 64 : i32
      %dma_start3A_1121 = arith.constant 0 : i32
      %dma_start3A_1122 = tpu.memref_slice %arg9[%dma_start3A_1120, %dma_start3A_1121] : memref<256x128xf32, #tpu.memory_space<vmem>> -> memref<64x128xf32, #tpu.memory_space<vmem>>
      %dma_start3A_1123 = arith.constant 0 : i32
      %dma_start3A_1124 = tpu.memref_slice %arg8[%dma_start3A_1118, %dma_start3A_1123] : memref<4x64xi32, #tpu.memory_space<vmem>> -> memref<1x64xi32, #tpu.memory_space<vmem>>
      %dma_start3A_1125 = tpu.memref_squeeze %dma_start3A_1124 : memref<1x64xi32, #tpu.memory_space<vmem>> -> memref<64xi32, #tpu.memory_space<vmem>>
      %dma_start3A_1126 = arith.constant 0 : i32
      %dma_start3A_1127 = arith.constant 0 : i32
      %dma_start3A_1128 = tpu.memref_slice %arg12[%dma_start3A_1126, %dma_start3A_1127] : memref<10240x128xf32, #tpu.memory_space<vmem_shared>> -> memref<10240x128xf32, #tpu.memory_space<vmem_shared>>
      %dma_start3A_1129 = tpu.memref_slice %arg15[%dma_start3A_1119] : memref<4x!tpu.dma_semaphore, #tpu.memory_space<semaphore_mem>> -> memref<1x!tpu.dma_semaphore, #tpu.memory_space<semaphore_mem>>
      %dma_start3A_1130 = tpu.memref_squeeze %dma_start3A_1129 : memref<1x!tpu.dma_semaphore, #tpu.memory_space<semaphore_mem>> -> memref<!tpu.dma_semaphore, #tpu.memory_space<semaphore_mem>>
      tpu.enqueue_indirect_dma source(%dma_start3A_1122 : memref<64x128xf32, #tpu.memory_space<vmem>>) target(%dma_start3A_1128 : memref<10240x128xf32, #tpu.memory_space<vmem_shared>>) offsets(%dma_start3A_1125 : memref<64xi32, #tpu.memory_space<vmem>>) semaphore(%dma_start3A_1130 : memref<!tpu.dma_semaphore, #tpu.memory_space<semaphore_mem>>) {add = true}
      %get3A_1131 = arith.constant 1 : i32
      %get3A_1132 = arith.index_cast %get3A_1131 : i32 to index
      %get3A_1133 = arith.constant 0 : index
      %get3A_1134 = tpu.vector_load %arg8[%get3A_1132, %get3A_1133] {strides = array<i32>} : memref<4x64xi32, #tpu.memory_space<vmem>>, vector<16xi32>,
      tpu.vector_store_idx %arg10[%get3A_1134], %broadcast_in_dim3A_3 {add = true} : memref<10240xf32, #tpu.memory_space<vmem>>[vector<16xi32>], vector<16xf32>,
      %get3A_1135 = arith.constant 1 : i32
      %get3A_1136 = arith.index_cast %get3A_1135 : i32 to index
      %get3A_1137 = arith.constant 16 : index
      %get3A_1138 = tpu.vector_load %arg8[%get3A_1136, %get3A_1137] {strides = array<i32>} : memref<4x64xi32, #tpu.memory_space<vmem>>, vector<16xi32>,
      tpu.vector_store_idx %arg10[%get3A_1138], %broadcast_in_dim3A_3 {add = true} : memref<10240xf32, #tpu.memory_space<vmem>>[vector<16xi32>], vector<16xf32>,
      %get3A_1139 = arith.constant 1 : i32
      %get3A_1140 = arith.index_cast %get3A_1139 : i32 to index
      %get3A_1141 = arith.constant 32 : index
      %get3A_1142 = tpu.vector_load %arg8[%get3A_1140, %get3A_1141] {strides = array<i32>} : memref<4x64xi32, #tpu.memory_space<vmem>>, vector<16xi32>,
      tpu.vector_store_idx %arg10[%get3A_1142], %broadcast_in_dim3A_3 {add = true} : memref<10240xf32, #tpu.memory_space<vmem>>[vector<16xi32>], vector<16xf32>,
      %get3A_1143 = arith.constant 1 : i32
      %get3A_1144 = arith.index_cast %get3A_1143 : i32 to index
      %get3A_1145 = arith.constant 48 : index
      %get3A_1146 = tpu.vector_load %arg8[%get3A_1144, %get3A_1145] {strides = array<i32>} : memref<4x64xi32, #tpu.memory_space<vmem>>, vector<16xi32>,
      tpu.vector_store_idx %arg10[%get3A_1146], %broadcast_in_dim3A_3 {add = true} : memref<10240xf32, #tpu.memory_space<vmem>>[vector<16xi32>], vector<16xf32>,
      %dma_wait3A_1147 = arith.constant 2 : i32
      %dma_wait3A_1148 = arith.constant 2 : i32
      %dma_wait3A_1149 = arith.constant 0 : i32
      %dma_wait3A_1150 = tpu.memref_slice %arg8[%dma_wait3A_1147, %dma_wait3A_1149] : memref<4x64xi32, #tpu.memory_space<vmem>> -> memref<1x64xi32, #tpu.memory_space<vmem>>
      %dma_wait3A_1151 = tpu.memref_squeeze %dma_wait3A_1150 : memref<1x64xi32, #tpu.memory_space<vmem>> -> memref<64xi32, #tpu.memory_space<vmem>>
      %dma_wait3A_1152 = arith.constant 0 : i32
      %dma_wait3A_1153 = tpu.memref_slice %arg4[%add3A_863, %dma_wait3A_1152] : memref<5056x64xi32, #tpu.memory_space<hbm>> -> memref<1x64xi32, #tpu.memory_space<hbm>>
      %dma_wait3A_1154 = tpu.memref_squeeze %dma_wait3A_1153 : memref<1x64xi32, #tpu.memory_space<hbm>> -> memref<64xi32, #tpu.memory_space<hbm>>
      %dma_wait3A_1155 = tpu.memref_slice %arg13[%dma_wait3A_1148] : memref<4x!tpu.dma_semaphore, #tpu.memory_space<semaphore_mem>> -> memref<1x!tpu.dma_semaphore, #tpu.memory_space<semaphore_mem>>
      %dma_wait3A_1156 = tpu.memref_squeeze %dma_wait3A_1155 : memref<1x!tpu.dma_semaphore, #tpu.memory_space<semaphore_mem>> -> memref<!tpu.dma_semaphore, #tpu.memory_space<semaphore_mem>>
      %dma_wait3A_1157 = arith.constant 0 : i32
      %dma_wait3A_1158 = tpu.memref_slice %arg8[%dma_wait3A_1147, %dma_wait3A_1157] : memref<4x64xi32, #tpu.memory_space<vmem>> -> memref<1x64xi32, #tpu.memory_space<vmem>>
      %dma_wait3A_1159 = tpu.memref_squeeze %dma_wait3A_1158 : memref<1x64xi32, #tpu.memory_space<vmem>> -> memref<64xi32, #tpu.memory_space<vmem>>
      %dma_wait3A_1160 = arith.constant 0 : i32
      %dma_wait3A_1161 = tpu.memref_slice %arg4[%add3A_863, %dma_wait3A_1160] : memref<5056x64xi32, #tpu.memory_space<hbm>> -> memref<1x64xi32, #tpu.memory_space<hbm>>
      %dma_wait3A_1162 = tpu.memref_squeeze %dma_wait3A_1161 : memref<1x64xi32, #tpu.memory_space<hbm>> -> memref<64xi32, #tpu.memory_space<hbm>>
      tpu.wait_dma2 semaphore(%dma_wait3A_1156 : memref<!tpu.dma_semaphore, #tpu.memory_space<semaphore_mem>>) src(%dma_wait3A_1162 : memref<64xi32, #tpu.memory_space<hbm>>) dst(%dma_wait3A_1159 : memref<64xi32, #tpu.memory_space<vmem>>)
      %dma_wait3A_1163 = arith.constant 2 : i32
      %dma_wait3A_1164 = arith.constant 2 : i32
      %dma_wait3A_1165 = arith.constant 128 : i32
      %dma_wait3A_1166 = arith.constant 0 : i32
      %dma_wait3A_1167 = tpu.memref_slice %arg9[%dma_wait3A_1165, %dma_wait3A_1166] : memref<256x128xf32, #tpu.memory_space<vmem>> -> memref<64x128xf32, #tpu.memory_space<vmem>>
      %dma_wait3A_1168 = arith.constant 0 : i32
      %dma_wait3A_1169 = tpu.memref_slice %arg7[%dma_wait3A_1163, %dma_wait3A_1168] : memref<4x64xi32, #tpu.memory_space<vmem>> -> memref<1x64xi32, #tpu.memory_space<vmem>>
      %dma_wait3A_1170 = tpu.memref_squeeze %dma_wait3A_1169 : memref<1x64xi32, #tpu.memory_space<vmem>> -> memref<64xi32, #tpu.memory_space<vmem>>
      %dma_wait3A_1171 = arith.constant 0 : i32
      %dma_wait3A_1172 = arith.constant 0 : i32
      %dma_wait3A_1173 = tpu.memref_slice %arg2[%dma_wait3A_1171, %dma_wait3A_1172] : memref<10000x128xf32, #tpu.memory_space<hbm>> -> memref<10000x128xf32, #tpu.memory_space<hbm>>
      %dma_wait3A_1174 = tpu.memref_slice %arg14[%dma_wait3A_1164] : memref<4x!tpu.dma_semaphore, #tpu.memory_space<semaphore_mem>> -> memref<1x!tpu.dma_semaphore, #tpu.memory_space<semaphore_mem>>
      %dma_wait3A_1175 = tpu.memref_squeeze %dma_wait3A_1174 : memref<1x!tpu.dma_semaphore, #tpu.memory_space<semaphore_mem>> -> memref<!tpu.dma_semaphore, #tpu.memory_space<semaphore_mem>>
      tpu.wait_indirect_dma semaphore(%dma_wait3A_1175 : memref<!tpu.dma_semaphore, #tpu.memory_space<semaphore_mem>>) src(%dma_wait3A_1173 : memref<10000x128xf32, #tpu.memory_space<hbm>>) dst(%dma_wait3A_1167 : memref<64x128xf32, #tpu.memory_space<vmem>>)
      %dma_start3A_1176 = arith.constant 2 : i32
      %dma_start3A_1177 = arith.constant 2 : i32
      %dma_start3A_1178 = arith.constant 128 : i32
      %dma_start3A_1179 = arith.constant 0 : i32
      %dma_start3A_1180 = tpu.memref_slice %arg9[%dma_start3A_1178, %dma_start3A_1179] : memref<256x128xf32, #tpu.memory_space<vmem>> -> memref<64x128xf32, #tpu.memory_space<vmem>>
      %dma_start3A_1181 = arith.constant 0 : i32
      %dma_start3A_1182 = tpu.memref_slice %arg8[%dma_start3A_1176, %dma_start3A_1181] : memref<4x64xi32, #tpu.memory_space<vmem>> -> memref<1x64xi32, #tpu.memory_space<vmem>>
      %dma_start3A_1183 = tpu.memref_squeeze %dma_start3A_1182 : memref<1x64xi32, #tpu.memory_space<vmem>> -> memref<64xi32, #tpu.memory_space<vmem>>
      %dma_start3A_1184 = arith.constant 0 : i32
      %dma_start3A_1185 = arith.constant 0 : i32
      %dma_start3A_1186 = tpu.memref_slice %arg12[%dma_start3A_1184, %dma_start3A_1185] : memref<10240x128xf32, #tpu.memory_space<vmem_shared>> -> memref<10240x128xf32, #tpu.memory_space<vmem_shared>>
      %dma_start3A_1187 = tpu.memref_slice %arg15[%dma_start3A_1177] : memref<4x!tpu.dma_semaphore, #tpu.memory_space<semaphore_mem>> -> memref<1x!tpu.dma_semaphore, #tpu.memory_space<semaphore_mem>>
      %dma_start3A_1188 = tpu.memref_squeeze %dma_start3A_1187 : memref<1x!tpu.dma_semaphore, #tpu.memory_space<semaphore_mem>> -> memref<!tpu.dma_semaphore, #tpu.memory_space<semaphore_mem>>
      tpu.enqueue_indirect_dma source(%dma_start3A_1180 : memref<64x128xf32, #tpu.memory_space<vmem>>) target(%dma_start3A_1186 : memref<10240x128xf32, #tpu.memory_space<vmem_shared>>) offsets(%dma_start3A_1183 : memref<64xi32, #tpu.memory_space<vmem>>) semaphore(%dma_start3A_1188 : memref<!tpu.dma_semaphore, #tpu.memory_space<semaphore_mem>>) {add = true}
      %get3A_1189 = arith.constant 2 : i32
      %get3A_1190 = arith.index_cast %get3A_1189 : i32 to index
      %get3A_1191 = arith.constant 0 : index
      %get3A_1192 = tpu.vector_load %arg8[%get3A_1190, %get3A_1191] {strides = array<i32>} : memref<4x64xi32, #tpu.memory_space<vmem>>, vector<16xi32>,
      tpu.vector_store_idx %arg10[%get3A_1192], %broadcast_in_dim3A_3 {add = true} : memref<10240xf32, #tpu.memory_space<vmem>>[vector<16xi32>], vector<16xf32>,
      %get3A_1193 = arith.constant 2 : i32
      %get3A_1194 = arith.index_cast %get3A_1193 : i32 to index
      %get3A_1195 = arith.constant 16 : index
      %get3A_1196 = tpu.vector_load %arg8[%get3A_1194, %get3A_1195] {strides = array<i32>} : memref<4x64xi32, #tpu.memory_space<vmem>>, vector<16xi32>,
      tpu.vector_store_idx %arg10[%get3A_1196], %broadcast_in_dim3A_3 {add = true} : memref<10240xf32, #tpu.memory_space<vmem>>[vector<16xi32>], vector<16xf32>,
      %get3A_1197 = arith.constant 2 : i32
      %get3A_1198 = arith.index_cast %get3A_1197 : i32 to index
      %get3A_1199 = arith.constant 32 : index
      %get3A_1200 = tpu.vector_load %arg8[%get3A_1198, %get3A_1199] {strides = array<i32>} : memref<4x64xi32, #tpu.memory_space<vmem>>, vector<16xi32>,
      tpu.vector_store_idx %arg10[%get3A_1200], %broadcast_in_dim3A_3 {add = true} : memref<10240xf32, #tpu.memory_space<vmem>>[vector<16xi32>], vector<16xf32>,
      %get3A_1201 = arith.constant 2 : i32
      %get3A_1202 = arith.index_cast %get3A_1201 : i32 to index
      %get3A_1203 = arith.constant 48 : index
      %get3A_1204 = tpu.vector_load %arg8[%get3A_1202, %get3A_1203] {strides = array<i32>} : memref<4x64xi32, #tpu.memory_space<vmem>>, vector<16xi32>,
      tpu.vector_store_idx %arg10[%get3A_1204], %broadcast_in_dim3A_3 {add = true} : memref<10240xf32, #tpu.memory_space<vmem>>[vector<16xi32>], vector<16xf32>,
      %dma_wait3A_1205 = arith.constant 3 : i32
      %dma_wait3A_1206 = arith.constant 3 : i32
      %dma_wait3A_1207 = arith.constant 0 : i32
      %dma_wait3A_1208 = tpu.memref_slice %arg8[%dma_wait3A_1205, %dma_wait3A_1207] : memref<4x64xi32, #tpu.memory_space<vmem>> -> memref<1x64xi32, #tpu.memory_space<vmem>>
      %dma_wait3A_1209 = tpu.memref_squeeze %dma_wait3A_1208 : memref<1x64xi32, #tpu.memory_space<vmem>> -> memref<64xi32, #tpu.memory_space<vmem>>
      %dma_wait3A_1210 = arith.constant 0 : i32
      %dma_wait3A_1211 = tpu.memref_slice %arg4[%add3A_899, %dma_wait3A_1210] : memref<5056x64xi32, #tpu.memory_space<hbm>> -> memref<1x64xi32, #tpu.memory_space<hbm>>
      %dma_wait3A_1212 = tpu.memref_squeeze %dma_wait3A_1211 : memref<1x64xi32, #tpu.memory_space<hbm>> -> memref<64xi32, #tpu.memory_space<hbm>>
      %dma_wait3A_1213 = tpu.memref_slice %arg13[%dma_wait3A_1206] : memref<4x!tpu.dma_semaphore, #tpu.memory_space<semaphore_mem>> -> memref<1x!tpu.dma_semaphore, #tpu.memory_space<semaphore_mem>>
      %dma_wait3A_1214 = tpu.memref_squeeze %dma_wait3A_1213 : memref<1x!tpu.dma_semaphore, #tpu.memory_space<semaphore_mem>> -> memref<!tpu.dma_semaphore, #tpu.memory_space<semaphore_mem>>
      %dma_wait3A_1215 = arith.constant 0 : i32
      %dma_wait3A_1216 = tpu.memref_slice %arg8[%dma_wait3A_1205, %dma_wait3A_1215] : memref<4x64xi32, #tpu.memory_space<vmem>> -> memref<1x64xi32, #tpu.memory_space<vmem>>
      %dma_wait3A_1217 = tpu.memref_squeeze %dma_wait3A_1216 : memref<1x64xi32, #tpu.memory_space<vmem>> -> memref<64xi32, #tpu.memory_space<vmem>>
      %dma_wait3A_1218 = arith.constant 0 : i32
      %dma_wait3A_1219 = tpu.memref_slice %arg4[%add3A_899, %dma_wait3A_1218] : memref<5056x64xi32, #tpu.memory_space<hbm>> -> memref<1x64xi32, #tpu.memory_space<hbm>>
      %dma_wait3A_1220 = tpu.memref_squeeze %dma_wait3A_1219 : memref<1x64xi32, #tpu.memory_space<hbm>> -> memref<64xi32, #tpu.memory_space<hbm>>
      tpu.wait_dma2 semaphore(%dma_wait3A_1214 : memref<!tpu.dma_semaphore, #tpu.memory_space<semaphore_mem>>) src(%dma_wait3A_1220 : memref<64xi32, #tpu.memory_space<hbm>>) dst(%dma_wait3A_1217 : memref<64xi32, #tpu.memory_space<vmem>>)
      %dma_wait3A_1221 = arith.constant 3 : i32
      %dma_wait3A_1222 = arith.constant 3 : i32
      %dma_wait3A_1223 = arith.constant 192 : i32
      %dma_wait3A_1224 = arith.constant 0 : i32
      %dma_wait3A_1225 = tpu.memref_slice %arg9[%dma_wait3A_1223, %dma_wait3A_1224] : memref<256x128xf32, #tpu.memory_space<vmem>> -> memref<64x128xf32, #tpu.memory_space<vmem>>
      %dma_wait3A_1226 = arith.constant 0 : i32
      %dma_wait3A_1227 = tpu.memref_slice %arg7[%dma_wait3A_1221, %dma_wait3A_1226] : memref<4x64xi32, #tpu.memory_space<vmem>> -> memref<1x64xi32, #tpu.memory_space<vmem>>
      %dma_wait3A_1228 = tpu.memref_squeeze %dma_wait3A_1227 : memref<1x64xi32, #tpu.memory_space<vmem>> -> memref<64xi32, #tpu.memory_space<vmem>>
      %dma_wait3A_1229 = arith.constant 0 : i32
      %dma_wait3A_1230 = arith.constant 0 : i32
      %dma_wait3A_1231 = tpu.memref_slice %arg2[%dma_wait3A_1229, %dma_wait3A_1230] : memref<10000x128xf32, #tpu.memory_space<hbm>> -> memref<10000x128xf32, #tpu.memory_space<hbm>>
      %dma_wait3A_1232 = tpu.memref_slice %arg14[%dma_wait3A_1222] : memref<4x!tpu.dma_semaphore, #tpu.memory_space<semaphore_mem>> -> memref<1x!tpu.dma_semaphore, #tpu.memory_space<semaphore_mem>>
      %dma_wait3A_1233 = tpu.memref_squeeze %dma_wait3A_1232 : memref<1x!tpu.dma_semaphore, #tpu.memory_space<semaphore_mem>> -> memref<!tpu.dma_semaphore, #tpu.memory_space<semaphore_mem>>
      tpu.wait_indirect_dma semaphore(%dma_wait3A_1233 : memref<!tpu.dma_semaphore, #tpu.memory_space<semaphore_mem>>) src(%dma_wait3A_1231 : memref<10000x128xf32, #tpu.memory_space<hbm>>) dst(%dma_wait3A_1225 : memref<64x128xf32, #tpu.memory_space<vmem>>)
      %dma_start3A_1234 = arith.constant 3 : i32
      %dma_start3A_1235 = arith.constant 3 : i32
      %dma_start3A_1236 = arith.constant 192 : i32
      %dma_start3A_1237 = arith.constant 0 : i32
      %dma_start3A_1238 = tpu.memref_slice %arg9[%dma_start3A_1236, %dma_start3A_1237] : memref<256x128xf32, #tpu.memory_space<vmem>> -> memref<64x128xf32, #tpu.memory_space<vmem>>
      %dma_start3A_1239 = arith.constant 0 : i32
      %dma_start3A_1240 = tpu.memref_slice %arg8[%dma_start3A_1234, %dma_start3A_1239] : memref<4x64xi32, #tpu.memory_space<vmem>> -> memref<1x64xi32, #tpu.memory_space<vmem>>
      %dma_start3A_1241 = tpu.memref_squeeze %dma_start3A_1240 : memref<1x64xi32, #tpu.memory_space<vmem>> -> memref<64xi32, #tpu.memory_space<vmem>>
      %dma_start3A_1242 = arith.constant 0 : i32
      %dma_start3A_1243 = arith.constant 0 : i32
      %dma_start3A_1244 = tpu.memref_slice %arg12[%dma_start3A_1242, %dma_start3A_1243] : memref<10240x128xf32, #tpu.memory_space<vmem_shared>> -> memref<10240x128xf32, #tpu.memory_space<vmem_shared>>
      %dma_start3A_1245 = tpu.memref_slice %arg15[%dma_start3A_1235] : memref<4x!tpu.dma_semaphore, #tpu.memory_space<semaphore_mem>> -> memref<1x!tpu.dma_semaphore, #tpu.memory_space<semaphore_mem>>
      %dma_start3A_1246 = tpu.memref_squeeze %dma_start3A_1245 : memref<1x!tpu.dma_semaphore, #tpu.memory_space<semaphore_mem>> -> memref<!tpu.dma_semaphore, #tpu.memory_space<semaphore_mem>>
      tpu.enqueue_indirect_dma source(%dma_start3A_1238 : memref<64x128xf32, #tpu.memory_space<vmem>>) target(%dma_start3A_1244 : memref<10240x128xf32, #tpu.memory_space<vmem_shared>>) offsets(%dma_start3A_1241 : memref<64xi32, #tpu.memory_space<vmem>>) semaphore(%dma_start3A_1246 : memref<!tpu.dma_semaphore, #tpu.memory_space<semaphore_mem>>) {add = true}
      %get3A_1247 = arith.constant 3 : i32
      %get3A_1248 = arith.index_cast %get3A_1247 : i32 to index
      %get3A_1249 = arith.constant 0 : index
      %get3A_1250 = tpu.vector_load %arg8[%get3A_1248, %get3A_1249] {strides = array<i32>} : memref<4x64xi32, #tpu.memory_space<vmem>>, vector<16xi32>,
      tpu.vector_store_idx %arg10[%get3A_1250], %broadcast_in_dim3A_3 {add = true} : memref<10240xf32, #tpu.memory_space<vmem>>[vector<16xi32>], vector<16xf32>,
      %get3A_1251 = arith.constant 3 : i32
      %get3A_1252 = arith.index_cast %get3A_1251 : i32 to index
      %get3A_1253 = arith.constant 16 : index
      %get3A_1254 = tpu.vector_load %arg8[%get3A_1252, %get3A_1253] {strides = array<i32>} : memref<4x64xi32, #tpu.memory_space<vmem>>, vector<16xi32>,
      tpu.vector_store_idx %arg10[%get3A_1254], %broadcast_in_dim3A_3 {add = true} : memref<10240xf32, #tpu.memory_space<vmem>>[vector<16xi32>], vector<16xf32>,
      %get3A_1255 = arith.constant 3 : i32
      %get3A_1256 = arith.index_cast %get3A_1255 : i32 to index
      %get3A_1257 = arith.constant 32 : index
      %get3A_1258 = tpu.vector_load %arg8[%get3A_1256, %get3A_1257] {strides = array<i32>} : memref<4x64xi32, #tpu.memory_space<vmem>>, vector<16xi32>,
      tpu.vector_store_idx %arg10[%get3A_1258], %broadcast_in_dim3A_3 {add = true} : memref<10240xf32, #tpu.memory_space<vmem>>[vector<16xi32>], vector<16xf32>,
      %get3A_1259 = arith.constant 3 : i32
      %get3A_1260 = arith.index_cast %get3A_1259 : i32 to index
      %get3A_1261 = arith.constant 48 : index
      %get3A_1262 = tpu.vector_load %arg8[%get3A_1260, %get3A_1261] {strides = array<i32>} : memref<4x64xi32, #tpu.memory_space<vmem>>, vector<16xi32>,
      tpu.vector_store_idx %arg10[%get3A_1262], %broadcast_in_dim3A_3 {add = true} : memref<10240xf32, #tpu.memory_space<vmem>>[vector<16xi32>], vector<16xf32>,
      %dma_wait3A_1263 = arith.constant 0 : i32
      %dma_wait3A_1264 = arith.constant 0 : i32
      %dma_wait3A_1265 = arith.constant 0 : i32
      %dma_wait3A_1266 = arith.constant 0 : i32
      %dma_wait3A_1267 = tpu.memref_slice %arg9[%dma_wait3A_1265, %dma_wait3A_1266] : memref<256x128xf32, #tpu.memory_space<vmem>> -> memref<64x128xf32, #tpu.memory_space<vmem>>
      %dma_wait3A_1268 = arith.constant 0 : i32
      %dma_wait3A_1269 = tpu.memref_slice %arg8[%dma_wait3A_1263, %dma_wait3A_1268] : memref<4x64xi32, #tpu.memory_space<vmem>> -> memref<1x64xi32, #tpu.memory_space<vmem>>
      %dma_wait3A_1270 = tpu.memref_squeeze %dma_wait3A_1269 : memref<1x64xi32, #tpu.memory_space<vmem>> -> memref<64xi32, #tpu.memory_space<vmem>>
      %dma_wait3A_1271 = arith.constant 0 : i32
      %dma_wait3A_1272 = arith.constant 0 : i32
      %dma_wait3A_1273 = tpu.memref_slice %arg12[%dma_wait3A_1271, %dma_wait3A_1272] : memref<10240x128xf32, #tpu.memory_space<vmem_shared>> -> memref<10240x128xf32, #tpu.memory_space<vmem_shared>>
      %dma_wait3A_1274 = tpu.memref_slice %arg15[%dma_wait3A_1264] : memref<4x!tpu.dma_semaphore, #tpu.memory_space<semaphore_mem>> -> memref<1x!tpu.dma_semaphore, #tpu.memory_space<semaphore_mem>>
      %dma_wait3A_1275 = tpu.memref_squeeze %dma_wait3A_1274 : memref<1x!tpu.dma_semaphore, #tpu.memory_space<semaphore_mem>> -> memref<!tpu.dma_semaphore, #tpu.memory_space<semaphore_mem>>
      tpu.wait_indirect_dma semaphore(%dma_wait3A_1275 : memref<!tpu.dma_semaphore, #tpu.memory_space<semaphore_mem>>) src(%dma_wait3A_1267 : memref<64x128xf32, #tpu.memory_space<vmem>>) dst(%dma_wait3A_1273 : memref<10240x128xf32, #tpu.memory_space<vmem_shared>>)
      %dma_wait3A_1276 = arith.constant 1 : i32
      %dma_wait3A_1277 = arith.constant 1 : i32
      %dma_wait3A_1278 = arith.constant 64 : i32
      %dma_wait3A_1279 = arith.constant 0 : i32
      %dma_wait3A_1280 = tpu.memref_slice %arg9[%dma_wait3A_1278, %dma_wait3A_1279] : memref<256x128xf32, #tpu.memory_space<vmem>> -> memref<64x128xf32, #tpu.memory_space<vmem>>
      %dma_wait3A_1281 = arith.constant 0 : i32
      %dma_wait3A_1282 = tpu.memref_slice %arg8[%dma_wait3A_1276, %dma_wait3A_1281] : memref<4x64xi32, #tpu.memory_space<vmem>> -> memref<1x64xi32, #tpu.memory_space<vmem>>
      %dma_wait3A_1283 = tpu.memref_squeeze %dma_wait3A_1282 : memref<1x64xi32, #tpu.memory_space<vmem>> -> memref<64xi32, #tpu.memory_space<vmem>>
      %dma_wait3A_1284 = arith.constant 0 : i32
      %dma_wait3A_1285 = arith.constant 0 : i32
      %dma_wait3A_1286 = tpu.memref_slice %arg12[%dma_wait3A_1284, %dma_wait3A_1285] : memref<10240x128xf32, #tpu.memory_space<vmem_shared>> -> memref<10240x128xf32, #tpu.memory_space<vmem_shared>>
      %dma_wait3A_1287 = tpu.memref_slice %arg15[%dma_wait3A_1277] : memref<4x!tpu.dma_semaphore, #tpu.memory_space<semaphore_mem>> -> memref<1x!tpu.dma_semaphore, #tpu.memory_space<semaphore_mem>>
      %dma_wait3A_1288 = tpu.memref_squeeze %dma_wait3A_1287 : memref<1x!tpu.dma_semaphore, #tpu.memory_space<semaphore_mem>> -> memref<!tpu.dma_semaphore, #tpu.memory_space<semaphore_mem>>
      tpu.wait_indirect_dma semaphore(%dma_wait3A_1288 : memref<!tpu.dma_semaphore, #tpu.memory_space<semaphore_mem>>) src(%dma_wait3A_1280 : memref<64x128xf32, #tpu.memory_space<vmem>>) dst(%dma_wait3A_1286 : memref<10240x128xf32, #tpu.memory_space<vmem_shared>>)
      %dma_wait3A_1289 = arith.constant 2 : i32
      %dma_wait3A_1290 = arith.constant 2 : i32
      %dma_wait3A_1291 = arith.constant 128 : i32
      %dma_wait3A_1292 = arith.constant 0 : i32
      %dma_wait3A_1293 = tpu.memref_slice %arg9[%dma_wait3A_1291, %dma_wait3A_1292] : memref<256x128xf32, #tpu.memory_space<vmem>> -> memref<64x128xf32, #tpu.memory_space<vmem>>
      %dma_wait3A_1294 = arith.constant 0 : i32
      %dma_wait3A_1295 = tpu.memref_slice %arg8[%dma_wait3A_1289, %dma_wait3A_1294] : memref<4x64xi32, #tpu.memory_space<vmem>> -> memref<1x64xi32, #tpu.memory_space<vmem>>
      %dma_wait3A_1296 = tpu.memref_squeeze %dma_wait3A_1295 : memref<1x64xi32, #tpu.memory_space<vmem>> -> memref<64xi32, #tpu.memory_space<vmem>>
      %dma_wait3A_1297 = arith.constant 0 : i32
      %dma_wait3A_1298 = arith.constant 0 : i32
      %dma_wait3A_1299 = tpu.memref_slice %arg12[%dma_wait3A_1297, %dma_wait3A_1298] : memref<10240x128xf32, #tpu.memory_space<vmem_shared>> -> memref<10240x128xf32, #tpu.memory_space<vmem_shared>>
      %dma_wait3A_1300 = tpu.memref_slice %arg15[%dma_wait3A_1290] : memref<4x!tpu.dma_semaphore, #tpu.memory_space<semaphore_mem>> -> memref<1x!tpu.dma_semaphore, #tpu.memory_space<semaphore_mem>>
      %dma_wait3A_1301 = tpu.memref_squeeze %dma_wait3A_1300 : memref<1x!tpu.dma_semaphore, #tpu.memory_space<semaphore_mem>> -> memref<!tpu.dma_semaphore, #tpu.memory_space<semaphore_mem>>
      tpu.wait_indirect_dma semaphore(%dma_wait3A_1301 : memref<!tpu.dma_semaphore, #tpu.memory_space<semaphore_mem>>) src(%dma_wait3A_1293 : memref<64x128xf32, #tpu.memory_space<vmem>>) dst(%dma_wait3A_1299 : memref<10240x128xf32, #tpu.memory_space<vmem_shared>>)
      %dma_wait3A_1302 = arith.constant 3 : i32
      %dma_wait3A_1303 = arith.constant 3 : i32
      %dma_wait3A_1304 = arith.constant 192 : i32
      %dma_wait3A_1305 = arith.constant 0 : i32
      %dma_wait3A_1306 = tpu.memref_slice %arg9[%dma_wait3A_1304, %dma_wait3A_1305] : memref<256x128xf32, #tpu.memory_space<vmem>> -> memref<64x128xf32, #tpu.memory_space<vmem>>
      %dma_wait3A_1307 = arith.constant 0 : i32
      %dma_wait3A_1308 = tpu.memref_slice %arg8[%dma_wait3A_1302, %dma_wait3A_1307] : memref<4x64xi32, #tpu.memory_space<vmem>> -> memref<1x64xi32, #tpu.memory_space<vmem>>
      %dma_wait3A_1309 = tpu.memref_squeeze %dma_wait3A_1308 : memref<1x64xi32, #tpu.memory_space<vmem>> -> memref<64xi32, #tpu.memory_space<vmem>>
      %dma_wait3A_1310 = arith.constant 0 : i32
      %dma_wait3A_1311 = arith.constant 0 : i32
      %dma_wait3A_1312 = tpu.memref_slice %arg12[%dma_wait3A_1310, %dma_wait3A_1311] : memref<10240x128xf32, #tpu.memory_space<vmem_shared>> -> memref<10240x128xf32, #tpu.memory_space<vmem_shared>>
      %dma_wait3A_1313 = tpu.memref_slice %arg15[%dma_wait3A_1303] : memref<4x!tpu.dma_semaphore, #tpu.memory_space<semaphore_mem>> -> memref<1x!tpu.dma_semaphore, #tpu.memory_space<semaphore_mem>>
      %dma_wait3A_1314 = tpu.memref_squeeze %dma_wait3A_1313 : memref<1x!tpu.dma_semaphore, #tpu.memory_space<semaphore_mem>> -> memref<!tpu.dma_semaphore, #tpu.memory_space<semaphore_mem>>
      tpu.wait_indirect_dma semaphore(%dma_wait3A_1314 : memref<!tpu.dma_semaphore, #tpu.memory_space<semaphore_mem>>) src(%dma_wait3A_1306 : memref<64x128xf32, #tpu.memory_space<vmem>>) dst(%dma_wait3A_1312 : memref<10240x128xf32, #tpu.memory_space<vmem_shared>>)
      %while3A_1315 = arith.constant 0 : i32
      scf.yield %while3A_1315 : i32
    }
    %barrier3A_757 = arith.constant 0 : index
    tpu.barrier barrier_id(%barrier3A_757)
    %mul3A_758 = arith.constant 640 : i32
    %mul3A_759 = arith.muli %arg1, %mul3A_758 : i32
    %mul3A_760 = arith.constant 10240 : i32
    %mul3A_761 = arith.muli %arg0, %mul3A_760 : i32
    %mul3A_762 = arith.constant 640 : i32
    %mul3A_763 = arith.muli %arg1, %mul3A_762 : i32
    %add3A_764 = arith.addi %mul3A_761, %mul3A_763 : i32
    "tpu.region"() ({
      %run_scoped3A = tpu.sem_alloc : memref<!tpu.dma_semaphore, #tpu.memory_space<semaphore_mem>>
      %dma_start3A_767 = arith.constant 0 : i32
      %dma_start3A_768 = tpu.memref_slice %arg5[%add3A_764, %dma_start3A_767] : memref<20480x128xf32, #tpu.memory_space<hbm>> -> memref<640x128xf32, #tpu.memory_space<hbm>>
      %dma_start3A_769 = arith.constant 0 : i32
      %dma_start3A_770 = tpu.memref_slice %arg12[%mul3A_759, %dma_start3A_769] : memref<10240x128xf32, #tpu.memory_space<vmem_shared>> -> memref<640x128xf32, #tpu.memory_space<vmem_shared>>
      tpu.enqueue_dma source(%dma_start3A_770 : memref<640x128xf32, #tpu.memory_space<vmem_shared>>) target(%dma_start3A_768 : memref<640x128xf32, #tpu.memory_space<hbm>>) target_semaphore(%run_scoped3A : memref<!tpu.dma_semaphore, #tpu.memory_space<semaphore_mem>>)
      %dma_wait3A_771 = arith.constant 0 : i32
      %dma_wait3A_772 = tpu.memref_slice %arg5[%add3A_764, %dma_wait3A_771] : memref<20480x128xf32, #tpu.memory_space<hbm>> -> memref<640x128xf32, #tpu.memory_space<hbm>>
      %dma_wait3A_773 = arith.constant 0 : i32
      %dma_wait3A_774 = tpu.memref_slice %arg12[%mul3A_759, %dma_wait3A_773] : memref<10240x128xf32, #tpu.memory_space<vmem_shared>> -> memref<640x128xf32, #tpu.memory_space<vmem_shared>>
      tpu.wait_dma2 semaphore(%run_scoped3A : memref<!tpu.dma_semaphore, #tpu.memory_space<semaphore_mem>>) src(%dma_wait3A_774 : memref<640x128xf32, #tpu.memory_space<vmem_shared>>) dst(%dma_wait3A_772 : memref<640x128xf32, #tpu.memory_space<hbm>>)
      tpu.yield
    }) : () -> ()
    %mul3A_765 = arith.constant 10240 : i32
    %mul3A_766 = arith.muli %add3A, %mul3A_765 : i32
    "tpu.region"() ({
      %run_scoped3A = tpu.sem_alloc : memref<!tpu.dma_semaphore, #tpu.memory_space<semaphore_mem>>
      %dma_start3A_767 = tpu.memref_slice %arg6[%mul3A_766] : memref<327680xf32, #tpu.memory_space<hbm>> -> memref<10240xf32, #tpu.memory_space<hbm>>
      %dma_start3A_768 = tpu.memref_slice %arg6[%mul3A_766] : memref<327680xf32, #tpu.memory_space<hbm>> -> memref<10240xf32, #tpu.memory_space<hbm>>
      tpu.enqueue_dma source(%arg10 : memref<10240xf32, #tpu.memory_space<vmem>>) target(%dma_start3A_768 : memref<10240xf32, #tpu.memory_space<hbm>>) target_semaphore(%run_scoped3A : memref<!tpu.dma_semaphore, #tpu.memory_space<semaphore_mem>>)
      %dma_wait3A_769 = tpu.memref_slice %arg6[%mul3A_766] : memref<327680xf32, #tpu.memory_space<hbm>> -> memref<10240xf32, #tpu.memory_space<hbm>>
      %dma_wait3A_770 = tpu.memref_slice %arg6[%mul3A_766] : memref<327680xf32, #tpu.memory_space<hbm>> -> memref<10240xf32, #tpu.memory_space<hbm>>
      tpu.wait_dma2 semaphore(%run_scoped3A : memref<!tpu.dma_semaphore, #tpu.memory_space<semaphore_mem>>) src(%arg10 : memref<10240xf32, #tpu.memory_space<vmem>>) dst(%dma_wait3A_770 : memref<10240xf32, #tpu.memory_space<hbm>>)
      tpu.yield
    }) : () -> ()
    return
  }
}

module attributes {stable_mosaic.version = 14 : i64} {
  func.func @_tc_body(%arg0: i32, %arg1: memref<2x1024x128xf32, #tpu.memory_space<vmem>>, %arg2: memref<32x1024xf32, #tpu.memory_space<vmem>>, %arg3: memref<128x128xf32, #tpu.memory_space<vmem>>, %arg4: memref<1024x128xf32, #tpu.memory_space<vmem>>, %arg5: memref<1024x128xf32, #tpu.memory_space<vmem>>) attributes {dimension_semantics = [#tpu.dimension_semantics<arbitrary>], iteration_bounds = array<i64: 10>, scalar_prefetch = 0 : i64, scratch_operands = 0 : i64, tpu.core_type = #tpu.core_type<tc>, window_params = [{transform_indices = @transform_0, window_bounds = array<i64: 2, 1024, 128>}, {transform_indices = @transform_1, window_bounds = array<i64: 32, 1024>}, {pipeline_mode = #tpu.pipeline_mode<synchronous>, transform_indices = @transform_2, window_bounds = array<i64: 128, 128>}, {transform_indices = @transform_3, window_bounds = array<i64: 1024, 128>}, {transform_indices = @transform_4, window_bounds = array<i64: 1024, 128>}]} {
    %get3A = arith.constant 0 : index
    %get3A_0 = arith.constant 0 : index
    %get3A_1 = arith.constant 0 : index
    %get3A_2 = vector.load %arg1[%get3A, %get3A_0, %get3A_1] : memref<2x1024x128xf32, #tpu.memory_space<vmem>>, vector<1x1024x128xf32>
    %get3A_3 = vector.shape_cast %get3A_2 : vector<1x1024x128xf32> to vector<1024x128xf32>
    %get3A_4 = arith.constant 1 : index
    %get3A_5 = arith.constant 0 : index
    %get3A_6 = arith.constant 0 : index
    %get3A_7 = vector.load %arg1[%get3A_4, %get3A_5, %get3A_6] : memref<2x1024x128xf32, #tpu.memory_space<vmem>>, vector<1x1024x128xf32>
    %get3A_8 = vector.shape_cast %get3A_7 : vector<1x1024x128xf32> to vector<1024x128xf32>
    %add3A = arith.addf %get3A_3, %get3A_8 : vector<1024x128xf32>
    %get3A_9 = arith.constant 0 : index
    %get3A_10 = arith.constant 0 : index
    %get3A_11 = vector.load %arg2[%get3A_9, %get3A_10] : memref<32x1024xf32, #tpu.memory_space<vmem>>, vector<32x1024xf32>
    %reduce_sum3A = arith.constant dense<0.000000e+00> : vector<1024xf32>
    %reduce_sum3A_12 = vector.multi_reduction <add>, %get3A_11, %reduce_sum3A [0] : vector<32x1024xf32> to vector<1024xf32>
    %get3A_13 = arith.constant 0 : index
    %get3A_14 = arith.constant 0 : index
    %get3A_15 = vector.load %arg3[%get3A_13, %get3A_14] : memref<128x128xf32, #tpu.memory_space<vmem>>, vector<128x128xf32>
    %dot_general3A = arith.constant dense<0.000000e+00> : vector<1024x128xf32>
    %dot_general3A_16 = tpu.matmul %add3A, %get3A_15, %dot_general3A {dimension_numbers = #tpu.dot_dimension_numbers<[1], [1], [0], [0], [0, 0, 1, 0], [], []>, transpose_lhs_hint = false} : vector<1024x128xf32>, vector<128x128xf32>, vector<1024x128xf32> -> vector<1024x128xf32>
    %max3A = arith.constant 1.000000e+00 : f32
    %max3A_17 = vector.broadcast %max3A : f32 to vector<1024xf32>
    %max3A_18 = arith.maximumf %reduce_sum3A_12, %max3A_17 : vector<1024xf32>
    %broadcast_in_dim3A = vector.shape_cast %max3A_18 : vector<1024xf32> to vector<1024x1xf32>
    %div3A = vector.broadcast %broadcast_in_dim3A : vector<1024x1xf32> to vector<1024x128xf32>
    %div3A_19 = arith.divf %dot_general3A_16, %div3A : vector<1024x128xf32>
    %get3A_20 = arith.constant 0 : index
    %get3A_21 = arith.constant 0 : index
    %get3A_22 = vector.load %arg4[%get3A_20, %get3A_21] : memref<1024x128xf32, #tpu.memory_space<vmem>>, vector<1024x128xf32>
    %add3A_23 = arith.addf %div3A_19, %get3A_22 : vector<1024x128xf32>
    %swap3A = arith.constant 0 : index
    %swap3A_24 = arith.constant 0 : index
    %swap3A_25 = vector.load %arg5[%swap3A, %swap3A_24] : memref<1024x128xf32, #tpu.memory_space<vmem>>, vector<1024x128xf32>
    tpu.vector_store %arg5[%swap3A, %swap3A_24], %add3A_23 {strides = array<i32>} : memref<1024x128xf32, #tpu.memory_space<vmem>>, vector<1024x128xf32>,
    return
  }
  func.func @transform_0(%arg0: i32) -> (i32, i32, i32) {
    %c0_i32 = arith.constant 0 : i32
    %c0_i32_0 = arith.constant 0 : i32
    %c0_i32_1 = arith.constant 0 : i32
    return %c0_i32, %arg0, %c0_i32_0 : i32, i32, i32
  }
  func.func @transform_1(%arg0: i32) -> (i32, i32) {
    %c0_i32 = arith.constant 0 : i32
    %c0_i32_0 = arith.constant 0 : i32
    return %c0_i32, %arg0 : i32, i32
  }
  func.func @transform_2(%arg0: i32) -> (i32, i32) {
    %c0_i32 = arith.constant 0 : i32
    %c0_i32_0 = arith.constant 0 : i32
    %c0_i32_1 = arith.constant 0 : i32
    return %c0_i32, %c0_i32_0 : i32, i32
  }
  func.func @transform_3(%arg0: i32) -> (i32, i32) {
    %c0_i32 = arith.constant 0 : i32
    %c0_i32_0 = arith.constant 0 : i32
    return %arg0, %c0_i32 : i32, i32
  }
  func.func @transform_4(%arg0: i32) -> (i32, i32) {
    %c0_i32 = arith.constant 0 : i32
    %c0_i32_0 = arith.constant 0 : i32
    return %arg0, %c0_i32 : i32, i32
  }
}

</mosaic_0001>

<sc_bundles>
// kernel: kernel.4.cloned.1.call-start
scs
__scs_entry_jumppad:
0x0: {  	(pc) =	sbr.rel $0x88, $3  }
0x1: {  	(tag) =	ssettag $0x0;
	lr =	simm.s32 $0x1  }
0x2: {  	[smem:$0x3F9E] =	sst lr;
	_ =	strace $0xD0000000  }
0x3: {  	_ = 	snop  }
0x4: {  	_ = 	snop  }
0x5: {  	_ = 	snop  }
0x6: {  	_ = 	snop  }
0x7: {  	_ = 	snop  }
__scs_overlays_trampoline_lowered:
0x8: {  	[smem:$0x3FAD] =	sst s0  }
0x9: {  	[smem:$0x3FAE] =	sst s1  }
0xa: {  	[smem:$0x3FAF] =	sst s2  }
0xb: {  	[smem:$0x3FB0] =	sst s3  }
0xc: {  	[smem:$0x3FB1] =	sst s4  }
0xd: {  	[smem:$0x3FB2] =	sst s5  }
0xe: {  	[smem:$0x3FB3] =	sst s6  }
0xf: {  	[smem:$0x3FB4] =	sst s7  }
0x10: {  	[smem:$0x3FB5] =	sst s8  }
0x11: {  	[smem:$0x3FB6] =	sst s9;
	s0 =	simm.s32 @!p0 $0x0  }
0x12: {  	s1 =	sld [smem:$0x3F9C];
	s0 =	simm.s32 @p0 $0x1  }
0x13: {  	[smem:$0x3FB7] =	sst s0;
	s0 =	simm.s32 @!p1 $0x0  }
0x14: {  	s2 =	sld [smem:$0x3F9B];
	s0 =	simm.s32 @p1 $0x1  }
0x15: {  	[smem:$0x3FB8] =	sst s0;
	s0 =	simm.s32 @!p2 $0x0  }
0x16: {  	s3 =	sld [smem:$0x3FDB];
	s0 =	simm.s32 @p2 $0x1  }
0x17: {  	s4 =	simm.s32 $0x1BF5;
	[smem:$0x3FBA] =	sst s0  }
0x18: {  	s0 =	sld [smem:$0x3F9D];
	_ =	swait.ge [sflag:s4], $0x0  }
0x19: {  	s7 =	sld [smem:$0x3F9E]  }
0x1a: {  	s8 =	sadd.s32 $0xFFFFE003, lr  }
0x1b: {  	s9 =	sadd.s32 $0xFFFFFEF7, lr;
	s5 =	simm.s32 $0xFFFFFFFF;
	p2 =	slt.u32 s8, $0xFFFFF086  }
0x1c: {  	p1 =	slt.u32 s9, $0xF7A;
	s5 =	simm.s32 @!p2 $0x0  }
0x1d: {  	s5 =	simm.s32 @p1 $0x1;
	p0 =	seq.s32 s7, s2  }
0x1e: {  	s7 =	smul.u32 @!p0 $0xF7A, s2;
	p2 =	seq.s32 @!p0 s5, $0x0  }
0x1f: {  	s9 =	smul.u32 $0xF7A, s1;
	s8 =	simm.s32 @!p0 $0x1BF5;
	p2 =	por !p2, p0  }
0x20: {  	[sflag:s8] =	ssyncset.s32 @!p0 $0xFFFFF086;
	s6 =	sadd.s32 @!p0 s3, s7;
	s7 =	simm.s32 @!p0 $0x108  }
0x21: {  	s3 =	sadd.s32 s3, s9;
	s6 =	sadd.s32 @!p0 $0x88, s6;
	s7 =	simm.s32 @p2 $0x1082  }
0x22: {  	[simem:s7], [sflag:s8] =	dma.local @!p0 [hbm:s6], $0xF7A  }
0x23: {  	s9 =	sor.u32 $0xD0000000, s2;
	s6 =	simm.s32 $0x108;
	_ =	swait.ge @!p0 [sflag:s8], $0x0  }
0x24: {  	s3 =	sadd.s32 $0x88, s3;
	s6 =	simm.s32 @!p1 $0x1082;
	[sflag:s4] =	ssyncset.s32 $0xFFFFF086  }
0x25: {  	[simem:s6], [sflag:s4] =	dma.local [hbm:s3], $0xF7A  }
0x26: {  	[smem:$0x3F9E] =	sst s1;
	(tag) =	ssettag s2;
	_ =	strace s9  }
0x27: {  	s1 =	sld [smem:$0x3FAE]  }
0x28: {  	s2 =	sld [smem:$0x3FAF]  }
0x29: {  	s4 =	sld [smem:$0x3FB1]  }
0x2a: {  	p0 =	seq.s32 s5, $0x0;
	s5 =	sld [smem:$0x3FB2]  }
0x2b: {  	s6 =	sld [smem:$0x3FB3]  }
0x2c: {  	s7 =	sld [smem:$0x3FB4]  }
0x2d: {  	s3 =	simm.s32 $0x108;
	s8 =	sld [smem:$0x3FB5]  }
0x2e: {  	s3 =	simm.s32 @!p0 $0x1082;
	s9 =	sld [smem:$0x3FB6]  }
0x2f: {  	lr =	sadd.s32 s0, s3;
	s0 =	sld [smem:$0x3FAD]  }
0x30: {  	s3 =	sld [smem:$0x3FB0]  }
0x31: {  	[smem:$0x3FB9] =	sst s10  }
0x32: {  	s10 =	sld [smem:$0x3FB7];
	_ =	sdelay $0x3  }
0x33: {  	p0 =	seq.s32 s10, $0x1;
	s10 =	sld [smem:$0x3FB9];
	_ =	sdelay $0x3  }
0x34: {  	[smem:$0x3FB9] =	sst s10  }
0x35: {  	s10 =	sld [smem:$0x3FB8];
	_ =	sdelay $0x3  }
0x36: {  	p1 =	seq.s32 s10, $0x1;
	s10 =	sld [smem:$0x3FB9];
	_ =	sdelay $0x3  }
0x37: {  	[smem:$0x3FB9] =	sst s10  }
0x38: {  	s10 =	sld [smem:$0x3FBA]  }
0x39: {  	_ = 	snop;
	(pc) =	sbr.ind lr, $3  }
0x3a: {  	_ = 	snop  }
0x3b: {  	_ = 	snop  }
0x3c: {  	p2 =	seq.s32 s10, $0x1;
	s10 =	sld [smem:$0x3FB9]  }
0x3d: {  	_ =	shalt  }
0x3e: {  	_ =	shalt  }
0x3f: {  	_ =	shalt  }
0x40: {  	_ =	shalt  }
0x41: {  	_ =	shalt  }
0x42: {  	_ =	shalt  }
0x43: {  	_ =	shalt  }
0x44: {  	_ =	shalt  }
0x45: {  	_ =	shalt  }
0x46: {  	_ =	shalt  }
0x47: {  	_ =	shalt  }
0x48: {  	_ =	shalt  }
0x49: {  	_ =	shalt  }
0x4a: {  	_ =	shalt  }
0x4b: {  	_ =	shalt  }
0x4c: {  	_ =	shalt  }
0x4d: {  	_ =	shalt  }
0x4e: {  	_ =	shalt  }
0x4f: {  	_ =	shalt  }
0x50: {  	_ =	shalt  }
0x51: {  	_ =	shalt  }
0x52: {  	_ =	shalt  }
0x53: {  	_ =	shalt  }
0x54: {  	_ =	shalt  }
0x55: {  	_ =	shalt  }
0x56: {  	_ =	shalt  }
0x57: {  	_ =	shalt  }
0x58: {  	_ =	shalt  }
0x59: {  	_ =	shalt  }
0x5a: {  	_ =	shalt  }
0x5b: {  	_ =	shalt  }
0x5c: {  	_ =	shalt  }
0x5d: {  	_ =	shalt  }
0x5e: {  	_ =	shalt  }
0x5f: {  	_ =	shalt  }
0x60: {  	_ =	shalt  }
0x61: {  	_ =	shalt  }
0x62: {  	_ =	shalt  }
0x63: {  	_ =	shalt  }
0x64: {  	_ =	shalt  }
0x65: {  	_ =	shalt  }
0x66: {  	_ =	shalt  }
0x67: {  	_ =	shalt  }
0x68: {  	_ =	shalt  }
0x69: {  	_ =	shalt  }
0x6a: {  	_ =	shalt  }
0x6b: {  	_ =	shalt  }
0x6c: {  	_ =	shalt  }
0x6d: {  	_ =	shalt  }
0x6e: {  	_ =	shalt  }
0x6f: {  	_ =	shalt  }
0x70: {  	_ =	shalt  }
0x71: {  	_ =	shalt  }
0x72: {  	_ =	shalt  }
0x73: {  	_ =	shalt  }
0x74: {  	_ =	shalt  }
0x75: {  	_ =	shalt  }
0x76: {  	_ =	shalt  }
0x77: {  	_ =	shalt  }
0x78: {  	_ =	shalt  }
0x79: {  	_ =	shalt  }
0x7a: {  	_ =	shalt  }
0x7b: {  	_ =	shalt  }
0x7c: {  	_ =	shalt  }
0x7d: {  	_ =	shalt  }
0x7e: {  	_ =	shalt  }
0x7f: {  	_ =	shalt  }
0x80: {  	_ =	shalt  }
0x81: {  	_ =	shalt  }
0x82: {  	_ =	shalt  }
0x83: {  	_ =	shalt  }
0x84: {  	_ =	shalt  }
0x85: {  	_ =	shalt  }
0x86: {  	_ =	shalt  }
0x87: {  	_ =	shalt  }
.Lfunc_end0:
.L_simem_size_0:
called_computation_lowered:
.L_overlay_start_0:
0x88: {  	s2 =	sld [smem:$0x3FD9]  }
0x89: {  	s3 =	sld [smem:$0x3FFE];
	_ =	sdelay $0x1  }
0x8a: {  	s1 =	srdreg.scid  }
0x8b: {  	s0 =	sand.u32 $0x1, s1  }
0x8c: {  	s17 =	sshll.u32 s0, $0xA;
	s2 =	sadd.s32 s3, s2  }
0x8d: {  	s2 =	sadd.s32 s2, s17  }
0x8e: {  	[smem:$0x3FC5] =	sst s2  }
0x8f: {  	_ = 	snop  }
0x90: {  	s2 =	sld [smem:$0x3FC9]  }
0x91: {  	s18 =	sld [smem:$0x3FD0];
	(tm) =	ssettm $0x1  }
0x92: {  	s4 =	sld [smem:$0x3FFB];
	_ =	sdelay $0x3  }
0x93: {  	_ =	strace s4  }
0x94: {  	s4 =	sld [smem:$0x3FFC];
	_ =	sdelay $0x3  }
0x95: {  	_ =	strace s4  }
0x96: {  	s4 =	sld [smem:$0x3FFD];
	_ =	sdelay $0x3  }
0x97: {  	_ =	strace s4  }
0x98: {  	_ =	strace $0x8FFFFFFF  }
0x99: {  	s19 =	sld [smem:$0x3FDB];
	_ =	sdelay $0x1  }
0x9a: {  	s5 =	simm.s32 $_scs_section_size  }
0x9b: {  	s6 =	simm.s32 $_size__tile_overlayer_lowered;
	s7 =	simm.s32 $_tile_overlayer_lowered  }
0x9c: {  	s22 =	simm.s32 $0x1BFF;
	s21 =	sshll.u32 s7, $0x1;
	s4 =	sadd.s32 s5, s19  }
0x9d: {  	s8 =	simm.s32 $0x0;
	s20 =	sshll.u32 s6, $0x1;
	s6 =	sadd.s32 s21, s4  }
0x9e: {  	[timem:s8], [sflag:s22] =	dma.local [hbm:s6], s20  }
0x9f: {  	_ =	swait.ge [sflag:s22], s20  }
0xa0: {  	s5 =	ssub.s32 $0x0, s20;
	[sflag:s22] =	ssyncset.done $0x0  }
0xa1: {  	[sflag:s22] =	ssyncadd.s32 s5;
	_ =	sdelay $0x1  }
0xa2: {  	s23 =	simm.s32 $0x1B8B  }
0xa3: {  	_ =	swait.ge [sflag:s23], $0x1  }
0xa4: {  	[sflag:s23] =	ssyncset.done $0x0  }
0xa5: {  	s25 =	simm.s32 $0x1B8E;
	s24 =	sld [smem:$0x3FFE];
	[sflag:s23] =	ssyncadd.s32 $0xFFFFFFFF  }
0xa6: {  	s26 =	simm.s32 $execute0_lowered;
	[smem:$0x3FD2] =	sst s25  }
0xa7: {  	s6 =	sshll.u32 s26, $0x1;
	_ =	strace $0x80000046;
	[dreg:$0x1] =	wrdreg $0xFFFFFFFF  }
0xa8: {  	s28 =	simm.s32 $_size_execute0_lowered;
	s4 =	sadd.s32 s4, s6;
	[dreg:$0x0] =	wrdreg $0x0  }
0xa9: {  	s6 =	sshll.u32 s28, $0x1;
	[dreg:$0x2] =	wrdreg s4  }
0xaa: {  	[dreg:$0x3] =	wrdreg s6  }
0xab: {  	[dreg:$0x4] =	wrdreg $0xC0  }
0xac: {  	_ =	task [dreg:s8], $0x5FFFF  }
0xad: {  	[dreg:$0x1] =	wrdreg $0xFFFFFFFF  }
0xae: {  	[dreg:$0x0] =	wrdreg $0x60  }
0xaf: {  	[dreg:$0x2] =	wrdreg s2  }
0xb0: {  	[dreg:$0x3] =	wrdreg s18  }
0xb1: {  	[dreg:$0x4] =	wrdreg s24  }
0xb2: {  	[dreg:$0x5] =	wrdreg $0xB4000  }
0xb3: {  	[dreg:$0x6] =	wrdreg $0x9  }
0xb4: {  	_ =	task.clear_ibuf [dreg:s8], $0x7FFFF;
	_ =	strace $0x90000046  }
0xb5: {  	s29 =	simm.s32 $0x9;
	_ =	strace $0x80000048  }
0xb6: {  	_ =	swait.ge [sflag:s29], $0x1  }
0xb7: {  	[sflag:s29] =	ssyncadd.s32 $0xFFFFFFFF  }
0xb8: {  	_ =	strace $0x90000048  }
0xb9: {  	_ =	sfence  }
0xba: {  	s30 =	sld [smem:$0x0];
	_ =	sdelay $0x2  }
0xbb: {  	s31 =	sshll.u32 s1, $0xD;
	s1 =	sshrl.u32 s1, $0x2  }
0xbc: {  	s3 =	sand.u32 $0x4000, s31;
	s1 =	sadd.s32 s1, s30  }
0xbd: {  	s0 =	sor.u32 s3, s0;
	s1 =	sshll.u32 s1, $0x11  }
0xbe: {  	s0 =	sor.u32 s1, s0  }
0xbf: {  	s0 =	sadd.s32 $0x8F2B, s0  }
0xc0: {  	[sflag:s0] =	ssyncadd.remote.s32 $0x1  }
0xc1: {  	_ =	sfence.sel $0xFFFF  }
0xc2: {  	[dreg:$0x0] =	wrdreg $0xFFFFFFFF;
	(pc) =	sbr.abs _section_cstart, $3  }
0xc3: {  	[dreg:$0x1] =	wrdreg $0xFFFFFFFF  }
0xc4: {  	_ =	task.clear_ibuf [dreg:s8], $0x2FFFF;
	_ =	strace $0x9FFFFFFF  }
0xc5: {  	(tm) =	ssettm $0x7FFFFFFF  }
tec
execute0_lowered:
.L_overlay_start_1:
0x0: {  	(tag) =	ssettag $0x1  }
0x1: {  	s3 =	srdreg.scid;
	s12 =	stileid.u32  }
0x2: {  	s0 =	rddreg [dreg:$0x2];
	s3 =	sand.u32 $0x1, s3;
	s10 =	smul.u32 $0x50000, s12  }
0x3: {  	s1 =	rddreg [dreg:$0x3];
	s2 =	ssub.s32 $0x2, s3  }
0x4: {  	s5 =	simm.s32 $0x0;
	s11 =	sshrl.u32 s2, $0x1;
	s10 =	sshrl.u32 s10, $0x2  }
0x5: {  	[smem:$0x7FF] =	sst s5;
	s4 =	ssub.s32 s2, s11;
	s11 =	sadd.s32 s10, s1  }
0x6: {  	_ =	strace $0x80000047;
	s13 =	sadd.s32 $0x800, s11;
	[dreg:$0x5] =	wrdreg s11  }
0x7: {  	s14 =	sadd.s32 $0x1000, s11;
	[dreg:$0x6] =	wrdreg s13  }
0x8: {  	s15 =	sadd.s32 $0x1800, s11;
	[dreg:$0x7] =	wrdreg s14  }
0x9: {  	s16 =	sadd.s32 $0x2000, s11;
	[dreg:$0x8] =	wrdreg s15  }
0xa: {  	s17 =	sadd.s32 $0x2800, s11;
	[dreg:$0x9] =	wrdreg s16  }
0xb: {  	s18 =	sadd.s32 $0x3000, s11;
	[dreg:$0xa] =	wrdreg s17  }
0xc: {  	s19 =	sadd.s32 $0x3800, s11;
	[dreg:$0xb] =	wrdreg s18  }
0xd: {  	s20 =	sadd.s32 $0x4000, s11;
	[dreg:$0xc] =	wrdreg s19  }
0xe: {  	s9 =	sshll.u32 s3, $0x4;
	s10 =	sadd.s32 $0x4800, s11;
	[dreg:$0xd] =	wrdreg s20  }
0xf: {  	p0 =	seq.s32 s3, $0x0;
	s22 =	sadd.s32 $0x5000, s11;
	[dreg:$0xe] =	wrdreg s10  }
0x10: {  	s9 =	sor.u32 s12, s9;
	s23 =	sadd.s32 $0x5800, s11;
	[dreg:$0xf] =	wrdreg s22  }
0x11: {  	s31 =	smul.u32 $0x500, s9;
	s24 =	sadd.s32 $0x6000, s11;
	[dreg:$0x10] =	wrdreg s23  }
0x12: {  	s9 =	simm.s32 $0x36;
	s25 =	sadd.s32 $0x6800, s11;
	[dreg:$0x11] =	wrdreg s24  }
0x13: {  	s9 =	simm.s32 @!p0 $0x19;
	[dreg:$0x13] =	wrdreg s25  }
0x14: {  	s7 =	smul.u32 $0x2800, s12;
	s26 =	smax.u32 s4, $0x1;
	[dreg:$0x12] =	wrdreg s9  }
0x15: {  	s21 =	smul.u32 $0x64, s12;
	s1 =	sadd.s32 $0x7800, s11;
	[dreg:$0x16] =	wrdreg s26  }
0x16: {  	s8 =	smul.u32 $0x28000, s3;
	s2 =	sadd.s32 $0x8000, s11;
	[dreg:$0x19] =	wrdreg s1  }
0x17: {  	s3 =	sadd.s32 $0xD80, s21;
	s4 =	sadd.s32 $0x9000, s11;
	[dreg:$0x1a] =	wrdreg s2  }
0x18: {  	s7 =	sadd.s32 s7, s8;
	s8 =	sadd.s32 $0xA000, s11;
	[dreg:$0x1c] =	wrdreg s4  }
0x19: {  	s7 =	sadd.s32 s7, s0;
	s21 =	sadd.s32 $0x10000, s11;
	[dreg:$0x1e] =	wrdreg s8  }
0x1a: {  	s6 =	sadd.s32 $0xC00, s0;
	s7 =	sadd.s32 $0x1E800, s7;
	[smem:$0x7F6] =	sst s21  }
0x1b: {  	s0 =	sadd.s32 s31, s0;
	s31 =	sadd.s32 $0x7000, s11;
	[dreg:$0x14] =	wrdreg s7  }
0x1c: {  	s9 =	sadd.s32 $0xA800, s11;
	[dreg:$0x18] =	wrdreg s31  }
0x1d: {  	s10 =	smul.u32 $0xD8, s12;
	s12 =	sadd.s32 $0xB800, s11;
	[dreg:$0x1f] =	wrdreg s9  }
0x1e: {  	s13 =	sadd.s32 $0xC000, s11;
	[smem:$0x7ED] =	sst s12  }
0x1f: {  	s14 =	sadd.s32 $0xC800, s11;
	[smem:$0x7EE] =	sst s13  }
0x20: {  	s15 =	sadd.s32 $0xD000, s11;
	[smem:$0x7EF] =	sst s14  }
0x21: {  	s16 =	sadd.s32 $0xD800, s11;
	[smem:$0x7F0] =	sst s15  }
0x22: {  	s17 =	sadd.s32 $0xE000, s11;
	[smem:$0x7F1] =	sst s16  }
0x23: {  	s18 =	sadd.s32 $0xE800, s11;
	[smem:$0x7F2] =	sst s17  }
0x24: {  	s19 =	sadd.s32 $0xF000, s11;
	[smem:$0x7F3] =	sst s18  }
0x25: {  	s20 =	sadd.s32 $0xF800, s11;
	[smem:$0x7F4] =	sst s19  }
0x26: {  	s22 =	sadd.s32 $0x10800, s11;
	[smem:$0x7F5] =	sst s20  }
0x27: {  	s28 =	simm.s32 $0x8;
	s23 =	sadd.s32 $0x11000, s11;
	[smem:$0x7F7] =	sst s22  }
0x28: {  	s29 =	simm.s32 $0x9;
	s24 =	sadd.s32 $0x11800, s11;
	[smem:$0x7F8] =	sst s23  }
0x29: {  	s25 =	sadd.s32 $0x12000, s11;
	s26 =	sadd.s32 $0x12800, s11;
	[smem:$0x7F9] =	sst s24  }
0x2a: {  	s2 =	simm.s32 $0x0;
	s21 =	simm.s32 $0x380;
	[smem:$0x7FA] =	sst s25  }
0x2b: {  	s0 =	sadd.s32 $0x14800, s0;
	s7 =	sadd.s32 $0x9800, s11;
	[smem:$0x7FB] =	sst s26  }
0x2c: {  	s31 =	sadd.s32 $0x13800, s11;
	s25 =	simm.s32 $0x5;
	s12 =	simm.s32 $0x1  }
0x2d: {  	s13 =	simm.s32 $0x40;
	s15 =	simm.s32 $0x2;
	s17 =	simm.s32 $0x3  }
0x2e: {  	s19 =	simm.s32 $0x4;
	s22 =	simm.s32 $0x8400;
	s23 =	simm.s32 $0x6400  }
0x2f: {  	s24 =	simm.s32 $0x6;
	s26 =	simm.s32 $0x7;
	[dreg:$0x15] =	wrdreg s0  }
0x30: {  	s9 =	simm.s32 $0xC;
	s14 =	simm.s32 $0x100;
	[dreg:$0x1d] =	wrdreg s7  }
0x31: {  	s3 =	smov.u32 @p0 s10;
	s10 =	sadd.s32 $0xB000, s11;
	[smem:$0x7FD] =	sst s31  }
0x32: {  	s16 =	simm.s32 $0x300;
	s30 =	sshll.u32 s3, $0x4;
	[smem:$0x7EC] =	sst s10  }
0x33: {  	s18 =	simm.s32 $0x180;
	s3 =	sadd.s32 $0x8800, s11;
	[dreg:$0x17] =	wrdreg s30  }
0x34: {  	s20 =	simm.s32 $0x2400;
	[dreg:$0x1b] =	wrdreg s3;
	s30 =	sadd.s32 $0x13000, s11  }
0x35: {  	v0 =	vimm.f32 $0.0e+00;
	v1 =	vimm.f32 $1.000000000e+00;
	s7 =	simm.s32 $0xA;
	s11 =	simm.s32 $0x280;
	[smem:$0x7FC] =	sst s30  }
.LBB2_1:
0x36: {  	s30 =	simm.s32 $0x0;
	s31 =	simm.s32 $0x0  }
.LBB2_2:
0x37: {  	p0 =	sne.s32 s31, $0x1FC0  }
.Ltmp0:
0x38: {  	_ = 	snop;
	(pc) =	sbr.rel @p0 .LBB2_2-.Ltmp0, $4  }
0x39: {  	s0 =	sand.u32 $0x1E00, s31  }
0x3a: {  	s3 =	sand.u32 $0x70, s30;
	s0 =	sshrl.u32 s0, $0x2  }
0x3b: {  	s0 =	sor.u32 s3, s0  }
0x3c: {  	s30 =	sadd.s32 $0x10, s30;
	s31 =	sadd.s32 $0x40, s31;
	[tilespmem:s0+$0xAC00] =	vst v0  }
0x3d: {  	[smem:$0x7EB] =	sst s2;
	s30 =	simm.s32 $0x40;
	s31 =	simm.s32 $0x0  }
.LBB2_4:
0x3e: {  	p0 =	sne.s32 s30, $0x9FC0;
	[tilespmem:s31+$0x8400] =	vst v0;
	s0 =	smov.u32 s30;
	s30 =	sadd.s32 $0x40, s30  }
.Ltmp1:
0x3f: {  	(pc) =	sbr.rel @p0 .LBB2_4-.Ltmp1, $2  }
0x40: {  	_ =	sdelay $0x2  }
0x41: {  	s31 =	sshra.s32 s0, $0x2  }
0x42: {  	s0 =	rddreg [dreg:$0x5]  }
0x43: {  	[tilespmem:s31+$0x8400] =	vst v0;
	s3 =	simm.s32 $0xAC00;
	s2 =	rddreg [dreg:$0x6]  }
0x44: {  	[spmem:s0] =	stream.linear.scatter [tilespmem:s3], [sflag:$0x5], $0x800, $0x38;
	[tilespmem:$0x1F400] =	vst v63  }
0x45: {  	s4 =	rddreg [dreg:$0x7]  }
0x46: {  	[spmem:s2] =	stream.linear.scatter [tilespmem:s3], [sflag:$0x5], $0x800, $0x38;
	[tilespmem:$0x1F400] =	vst v63  }
0x47: {  	s8 =	rddreg [dreg:$0x8]  }
0x48: {  	[spmem:s4] =	stream.linear.scatter [tilespmem:s3], [sflag:$0x5], $0x800, $0x38;
	[tilespmem:$0x1F400] =	vst v63  }
0x49: {  	s10 =	rddreg [dreg:$0x9]  }
0x4a: {  	[spmem:s8] =	stream.linear.scatter [tilespmem:s3], [sflag:$0x5], $0x800, $0x38;
	[tilespmem:$0x1F400] =	vst v63  }
0x4b: {  	s1 =	rddreg [dreg:$0xa]  }
0x4c: {  	[spmem:s10] =	stream.linear.scatter [tilespmem:s3], [sflag:$0x5], $0x800, $0x38;
	[tilespmem:$0x1F400] =	vst v63  }
0x4d: {  	s2 =	rddreg [dreg:$0xb]  }
0x4e: {  	[spmem:s1] =	stream.linear.scatter [tilespmem:s3], [sflag:$0x5], $0x800, $0x38;
	[tilespmem:$0x1F400] =	vst v63  }
0x4f: {  	s4 =	rddreg [dreg:$0xc]  }
0x50: {  	[spmem:s2] =	stream.linear.scatter [tilespmem:s3], [sflag:$0x5], $0x800, $0x38;
	[tilespmem:$0x1F400] =	vst v63  }
0x51: {  	s8 =	rddreg [dreg:$0xd]  }
0x52: {  	[spmem:s4] =	stream.linear.scatter [tilespmem:s3], [sflag:$0x5], $0x800, $0x38;
	[tilespmem:$0x1F400] =	vst v63  }
0x53: {  	s10 =	rddreg [dreg:$0xe]  }
0x54: {  	[spmem:s8] =	stream.linear.scatter [tilespmem:s3], [sflag:$0x5], $0x800, $0x38;
	[tilespmem:$0x1F400] =	vst v63  }
0x55: {  	s1 =	rddreg [dreg:$0xf]  }
0x56: {  	[spmem:s10] =	stream.linear.scatter [tilespmem:s3], [sflag:$0x5], $0x800, $0x38;
	[tilespmem:$0x1F400] =	vst v63  }
0x57: {  	s2 =	rddreg [dreg:$0x10]  }
0x58: {  	[spmem:s1] =	stream.linear.scatter [tilespmem:s3], [sflag:$0x5], $0x800, $0x38;
	[tilespmem:$0x1F400] =	vst v63  }
0x59: {  	s4 =	rddreg [dreg:$0x11]  }
0x5a: {  	[spmem:s2] =	stream.linear.scatter [tilespmem:s3], [sflag:$0x5], $0x800, $0x38;
	[tilespmem:$0x1F400] =	vst v63  }
0x5b: {  	s8 =	rddreg [dreg:$0x13]  }
0x5c: {  	[spmem:s4] =	stream.linear.scatter [tilespmem:s3], [sflag:$0x5], $0x800, $0x38;
	[tilespmem:$0x1F400] =	vst v63  }
0x5d: {  	s10 =	rddreg [dreg:$0x18]  }
0x5e: {  	[spmem:s8] =	stream.linear.scatter [tilespmem:s3], [sflag:$0x5], $0x800, $0x38;
	[tilespmem:$0x1F400] =	vst v63  }
0x5f: {  	s1 =	rddreg [dreg:$0x19]  }
0x60: {  	[spmem:s10] =	stream.linear.scatter [tilespmem:s3], [sflag:$0x5], $0x800, $0x38;
	[tilespmem:$0x1F400] =	vst v63  }
0x61: {  	s2 =	rddreg [dreg:$0x1a]  }
0x62: {  	[spmem:s1] =	stream.linear.scatter [tilespmem:s3], [sflag:$0x5], $0x800, $0x38;
	[tilespmem:$0x1F400] =	vst v63  }
0x63: {  	s4 =	rddreg [dreg:$0x1b]  }
0x64: {  	[spmem:s2] =	stream.linear.scatter [tilespmem:s3], [sflag:$0x5], $0x800, $0x38;
	[tilespmem:$0x1F400] =	vst v63  }
0x65: {  	s8 =	rddreg [dreg:$0x1c]  }
0x66: {  	[spmem:s4] =	stream.linear.scatter [tilespmem:s3], [sflag:$0x5], $0x800, $0x38;
	[tilespmem:$0x1F400] =	vst v63  }
0x67: {  	s10 =	rddreg [dreg:$0x1d]  }
0x68: {  	[spmem:s8] =	stream.linear.scatter [tilespmem:s3], [sflag:$0x5], $0x800, $0x38;
	[tilespmem:$0x1F400] =	vst v63  }
0x69: {  	s1 =	rddreg [dreg:$0x1e]  }
0x6a: {  	[spmem:s10] =	stream.linear.scatter [tilespmem:s3], [sflag:$0x5], $0x800, $0x38;
	[tilespmem:$0x1F400] =	vst v63  }
0x6b: {  	s2 =	rddreg [dreg:$0x1f]  }
0x6c: {  	[spmem:s1] =	stream.linear.scatter [tilespmem:s3], [sflag:$0x5], $0x800, $0x38;
	[tilespmem:$0x1F400] =	vst v63  }
0x6d: {  	s4 =	sld [smem:$0x7EC]  }
0x6e: {  	[spmem:s2] =	stream.linear.scatter [tilespmem:s3], [sflag:$0x5], $0x800, $0x38;
	[tilespmem:$0x1F400] =	vst v63  }
0x6f: {  	s8 =	sld [smem:$0x7ED]  }
0x70: {  	[spmem:s4] =	stream.linear.scatter [tilespmem:s3], [sflag:$0x5], $0x800, $0x38;
	[tilespmem:$0x1F400] =	vst v63  }
0x71: {  	s10 =	sld [smem:$0x7EE]  }
0x72: {  	[spmem:s8] =	stream.linear.scatter [tilespmem:s3], [sflag:$0x5], $0x800, $0x38;
	[tilespmem:$0x1F400] =	vst v63  }
0x73: {  	s1 =	sld [smem:$0x7EF]  }
0x74: {  	[spmem:s10] =	stream.linear.scatter [tilespmem:s3], [sflag:$0x5], $0x800, $0x38;
	[tilespmem:$0x1F400] =	vst v63  }
0x75: {  	s2 =	sld [smem:$0x7F0]  }
0x76: {  	[spmem:s1] =	stream.linear.scatter [tilespmem:s3], [sflag:$0x5], $0x800, $0x38;
	[tilespmem:$0x1F400] =	vst v63  }
0x77: {  	s4 =	sld [smem:$0x7F1]  }
0x78: {  	[spmem:s2] =	stream.linear.scatter [tilespmem:s3], [sflag:$0x5], $0x800, $0x38;
	[tilespmem:$0x1F400] =	vst v63  }
0x79: {  	s8 =	sld [smem:$0x7F2]  }
0x7a: {  	[spmem:s4] =	stream.linear.scatter [tilespmem:s3], [sflag:$0x5], $0x800, $0x38;
	[tilespmem:$0x1F400] =	vst v63  }
0x7b: {  	s10 =	sld [smem:$0x7F3]  }
0x7c: {  	[spmem:s8] =	stream.linear.scatter [tilespmem:s3], [sflag:$0x5], $0x800, $0x38;
	[tilespmem:$0x1F400] =	vst v63  }
0x7d: {  	s1 =	sld [smem:$0x7F4]  }
0x7e: {  	[spmem:s10] =	stream.linear.scatter [tilespmem:s3], [sflag:$0x5], $0x800, $0x38;
	[tilespmem:$0x1F400] =	vst v63  }
0x7f: {  	s2 =	sld [smem:$0x7F5]  }
0x80: {  	[spmem:s1] =	stream.linear.scatter [tilespmem:s3], [sflag:$0x5], $0x800, $0x38;
	[tilespmem:$0x1F400] =	vst v63  }
0x81: {  	s4 =	sld [smem:$0x7F6]  }
0x82: {  	[spmem:s2] =	stream.linear.scatter [tilespmem:s3], [sflag:$0x5], $0x800, $0x38;
	[tilespmem:$0x1F400] =	vst v63  }
0x83: {  	s8 =	sld [smem:$0x7F7]  }
0x84: {  	[spmem:s4] =	stream.linear.scatter [tilespmem:s3], [sflag:$0x5], $0x800, $0x38;
	[tilespmem:$0x1F400] =	vst v63  }
0x85: {  	s10 =	sld [smem:$0x7F8]  }
0x86: {  	[spmem:s8] =	stream.linear.scatter [tilespmem:s3], [sflag:$0x5], $0x800, $0x38;
	[tilespmem:$0x1F400] =	vst v63  }
0x87: {  	s1 =	sld [smem:$0x7F9]  }
0x88: {  	[spmem:s10] =	stream.linear.scatter [tilespmem:s3], [sflag:$0x5], $0x800, $0x38;
	[tilespmem:$0x1F400] =	vst v63  }
0x89: {  	s2 =	sld [smem:$0x7FA]  }
0x8a: {  	[spmem:s1] =	stream.linear.scatter [tilespmem:s3], [sflag:$0x5], $0x800, $0x38;
	[tilespmem:$0x1F400] =	vst v63  }
0x8b: {  	s4 =	sld [smem:$0x7FB]  }
0x8c: {  	[spmem:s2] =	stream.linear.scatter [tilespmem:s3], [sflag:$0x5], $0x800, $0x38;
	[tilespmem:$0x1F400] =	vst v63  }
0x8d: {  	s8 =	sld [smem:$0x7FC]  }
0x8e: {  	[spmem:s4] =	stream.linear.scatter [tilespmem:s3], [sflag:$0x5], $0x800, $0x38;
	[tilespmem:$0x1F400] =	vst v63  }
0x8f: {  	s10 =	sld [smem:$0x7FD]  }
0x90: {  	[spmem:s8] =	stream.linear.scatter [tilespmem:s3], [sflag:$0x5], $0x800, $0x38;
	[tilespmem:$0x1F400] =	vst v63  }
0x91: {  	_ = 	snop  }
0x92: {  	[spmem:s10] =	stream.linear.scatter [tilespmem:s3], [sflag:$0x5], $0x800, $0x38;
	[tilespmem:$0x1F400] =	vst v63  }
0x93: {  	_ =	swait.ge [sflag:s25], $0x800  }
0x94: {  	[sflag:s25] =	ssyncset.done $0x0  }
0x95: {  	[sflag:s25] =	ssyncadd.s32 $0xFFFFF800  }
0x96: {  	_ =	swait.ge [sflag:s25], $0x800  }
0x97: {  	[sflag:s25] =	ssyncset.done $0x0  }
0x98: {  	[sflag:s25] =	ssyncadd.s32 $0xFFFFF800  }
0x99: {  	_ =	swait.ge [sflag:s25], $0x800  }
0x9a: {  	[sflag:s25] =	ssyncset.done $0x0  }
0x9b: {  	[sflag:s25] =	ssyncadd.s32 $0xFFFFF800  }
0x9c: {  	_ =	swait.ge [sflag:s25], $0x800  }
0x9d: {  	[sflag:s25] =	ssyncset.done $0x0  }
0x9e: {  	[sflag:s25] =	ssyncadd.s32 $0xFFFFF800  }
0x9f: {  	_ =	swait.ge [sflag:s25], $0x800  }
0xa0: {  	[sflag:s25] =	ssyncset.done $0x0  }
0xa1: {  	[sflag:s25] =	ssyncadd.s32 $0xFFFFF800  }
0xa2: {  	_ =	swait.ge [sflag:s25], $0x800  }
0xa3: {  	[sflag:s25] =	ssyncset.done $0x0  }
0xa4: {  	[sflag:s25] =	ssyncadd.s32 $0xFFFFF800  }
0xa5: {  	_ =	swait.ge [sflag:s25], $0x800  }
0xa6: {  	[sflag:s25] =	ssyncset.done $0x0  }
0xa7: {  	[sflag:s25] =	ssyncadd.s32 $0xFFFFF800  }
0xa8: {  	_ =	swait.ge [sflag:s25], $0x800  }
0xa9: {  	[sflag:s25] =	ssyncset.done $0x0  }
0xaa: {  	[sflag:s25] =	ssyncadd.s32 $0xFFFFF800  }
0xab: {  	_ =	swait.ge [sflag:s25], $0x800  }
0xac: {  	[sflag:s25] =	ssyncset.done $0x0  }
0xad: {  	[sflag:s25] =	ssyncadd.s32 $0xFFFFF800  }
0xae: {  	_ =	swait.ge [sflag:s25], $0x800  }
0xaf: {  	[sflag:s25] =	ssyncset.done $0x0  }
0xb0: {  	[sflag:s25] =	ssyncadd.s32 $0xFFFFF800  }
0xb1: {  	_ =	swait.ge [sflag:s25], $0x800  }
0xb2: {  	[sflag:s25] =	ssyncset.done $0x0  }
0xb3: {  	[sflag:s25] =	ssyncadd.s32 $0xFFFFF800  }
0xb4: {  	_ =	swait.ge [sflag:s25], $0x800  }
0xb5: {  	[sflag:s25] =	ssyncset.done $0x0  }
0xb6: {  	[sflag:s25] =	ssyncadd.s32 $0xFFFFF800  }
0xb7: {  	_ =	swait.ge [sflag:s25], $0x800  }
0xb8: {  	[sflag:s25] =	ssyncset.done $0x0  }
0xb9: {  	[sflag:s25] =	ssyncadd.s32 $0xFFFFF800  }
0xba: {  	_ =	swait.ge [sflag:s25], $0x800  }
0xbb: {  	[sflag:s25] =	ssyncset.done $0x0  }
0xbc: {  	[sflag:s25] =	ssyncadd.s32 $0xFFFFF800  }
0xbd: {  	_ =	swait.ge [sflag:s25], $0x800  }
0xbe: {  	[sflag:s25] =	ssyncset.done $0x0  }
0xbf: {  	[sflag:s25] =	ssyncadd.s32 $0xFFFFF800  }
0xc0: {  	_ =	swait.ge [sflag:s25], $0x800  }
0xc1: {  	[sflag:s25] =	ssyncset.done $0x0  }
0xc2: {  	[sflag:s25] =	ssyncadd.s32 $0xFFFFF800  }
0xc3: {  	_ =	swait.ge [sflag:s25], $0x800  }
0xc4: {  	[sflag:s25] =	ssyncset.done $0x0  }
0xc5: {  	[sflag:s25] =	ssyncadd.s32 $0xFFFFF800  }
0xc6: {  	_ =	swait.ge [sflag:s25], $0x800  }
0xc7: {  	[sflag:s25] =	ssyncset.done $0x0  }
0xc8: {  	[sflag:s25] =	ssyncadd.s32 $0xFFFFF800  }
0xc9: {  	_ =	swait.ge [sflag:s25], $0x800  }
0xca: {  	[sflag:s25] =	ssyncset.done $0x0  }
0xcb: {  	[sflag:s25] =	ssyncadd.s32 $0xFFFFF800  }
0xcc: {  	_ =	swait.ge [sflag:s25], $0x800  }
0xcd: {  	[sflag:s25] =	ssyncset.done $0x0  }
0xce: {  	[sflag:s25] =	ssyncadd.s32 $0xFFFFF800  }
0xcf: {  	_ =	swait.ge [sflag:s25], $0x800  }
0xd0: {  	[sflag:s25] =	ssyncset.done $0x0  }
0xd1: {  	[sflag:s25] =	ssyncadd.s32 $0xFFFFF800  }
0xd2: {  	_ =	swait.ge [sflag:s25], $0x800  }
0xd3: {  	[sflag:s25] =	ssyncset.done $0x0  }
0xd4: {  	[sflag:s25] =	ssyncadd.s32 $0xFFFFF800  }
0xd5: {  	_ =	swait.ge [sflag:s25], $0x800  }
0xd6: {  	[sflag:s25] =	ssyncset.done $0x0  }
0xd7: {  	[sflag:s25] =	ssyncadd.s32 $0xFFFFF800  }
0xd8: {  	_ =	swait.ge [sflag:s25], $0x800  }
0xd9: {  	[sflag:s25] =	ssyncset.done $0x0  }
0xda: {  	[sflag:s25] =	ssyncadd.s32 $0xFFFFF800  }
0xdb: {  	_ =	swait.ge [sflag:s25], $0x800  }
0xdc: {  	[sflag:s25] =	ssyncset.done $0x0  }
0xdd: {  	[sflag:s25] =	ssyncadd.s32 $0xFFFFF800  }
0xde: {  	_ =	swait.ge [sflag:s25], $0x800  }
0xdf: {  	[sflag:s25] =	ssyncset.done $0x0  }
0xe0: {  	[sflag:s25] =	ssyncadd.s32 $0xFFFFF800  }
0xe1: {  	_ =	swait.ge [sflag:s25], $0x800  }
0xe2: {  	[sflag:s25] =	ssyncset.done $0x0  }
0xe3: {  	[sflag:s25] =	ssyncadd.s32 $0xFFFFF800  }
0xe4: {  	_ =	swait.ge [sflag:s25], $0x800  }
0xe5: {  	[sflag:s25] =	ssyncset.done $0x0  }
0xe6: {  	[sflag:s25] =	ssyncadd.s32 $0xFFFFF800  }
0xe7: {  	_ =	swait.ge [sflag:s25], $0x800  }
0xe8: {  	[sflag:s25] =	ssyncset.done $0x0  }
0xe9: {  	[sflag:s25] =	ssyncadd.s32 $0xFFFFF800  }
0xea: {  	_ =	swait.ge [sflag:s25], $0x800  }
0xeb: {  	[sflag:s25] =	ssyncset.done $0x0  }
0xec: {  	[sflag:s25] =	ssyncadd.s32 $0xFFFFF800  }
0xed: {  	_ =	swait.ge [sflag:s25], $0x800  }
0xee: {  	[sflag:s25] =	ssyncset.done $0x0  }
0xef: {  	[sflag:s25] =	ssyncadd.s32 $0xFFFFF800  }
0xf0: {  	_ =	swait.ge [sflag:s25], $0x800  }
0xf1: {  	[sflag:s25] =	ssyncset.done $0x0  }
0xf2: {  	[sflag:s25] =	ssyncadd.s32 $0xFFFFF800  }
0xf3: {  	_ =	swait.ge [sflag:s25], $0x800  }
0xf4: {  	[sflag:s25] =	ssyncset.done $0x0  }
0xf5: {  	[sflag:s25] =	ssyncadd.s32 $0xFFFFF800  }
0xf6: {  	_ =	swait.ge [sflag:s25], $0x800  }
0xf7: {  	[sflag:s25] =	ssyncset.done $0x0  }
0xf8: {  	[sflag:s25] =	ssyncadd.s32 $0xFFFFF800  }
0xf9: {  	_ =	swait.ge [sflag:s25], $0x800  }
0xfa: {  	[sflag:s25] =	ssyncset.done $0x0  }
0xfb: {  	[sflag:s25] =	ssyncadd.s32 $0xFFFFF800  }
0xfc: {  	_ =	swait.ge [sflag:s25], $0x800  }
0xfd: {  	[sflag:s25] =	ssyncset.done $0x0  }
0xfe: {  	[sflag:s25] =	ssyncadd.s32 $0xFFFFF800  }
0xff: {  	_ =	swait.ge [sflag:s25], $0x800  }
0x100: {  	[sflag:s25] =	ssyncset.done $0x0  }
0x101: {  	[sflag:s25] =	ssyncadd.s32 $0xFFFFF800  }
0x102: {  	_ =	swait.ge [sflag:s25], $0x800  }
0x103: {  	[sflag:s25] =	ssyncset.done $0x0  }
0x104: {  	[sflag:s25] =	ssyncadd.s32 $0xFFFFF800  }
0x105: {  	_ =	swait.ge [sflag:s25], $0x800  }
0x106: {  	[sflag:s25] =	ssyncset.done $0x0  }
0x107: {  	[sflag:s25] =	ssyncadd.s32 $0xFFFFF800  }
0x108: {  	_ =	swait.ge [sflag:s25], $0x800  }
0x109: {  	[sflag:s25] =	ssyncset.done $0x0  }
0x10a: {  	[sflag:s25] =	ssyncadd.s32 $0xFFFFF800  }
0x10b: {  	[bflag:$0x0] =	sbarrier.arrive $0xFFFF  }
0x10c: {  	s30 =	rddreg [dreg:$0x17]  }
0x10d: {  	s31 =	rddreg [dreg:$0x12]  }
0x10e: {  	s2 =	rddreg [dreg:$0x0]  }
0x10f: {  	s4 =	rddreg [dreg:$0x1]  }
0x110: {  	s1 =	simm.s32 $0xB;
	s3 =	simm.s32 $0x200;
	s8 =	rddreg [dreg:$0x3]  }
.LBB2_6:
0x111: {  	s0 =	sadd.s32 s30, s4  }
0x112: {  	[tilespmem:s5], [sflag:$0x1] =	stream.linear.gather [hbm4b:s0+s5], $0x80, $0x38;
	[tilespmem:$0x1F400] =	vst v63  }
0x113: {  	s10 =	sadd.s32 s30, s6;
	s0 =	sor.u32 $0x10, s30  }
0x114: {  	[tilespmem:s3], [sflag:$0x1] =	stream.linear.gather [hbm4b:s10+s5], $0x80, $0x38;
	[tilespmem:$0x1F400] =	vst v63  }
0x115: {  	s3 =	sadd.s32 s4, s0;
	s10 =	simm.s32 $0x80  }
0x116: {  	[tilespmem:s10], [sflag:$0x2] =	stream.linear.gather [hbm4b:s3+s5], $0x80, $0x38;
	[tilespmem:$0x1F400] =	vst v63  }
0x117: {  	s0 =	sadd.s32 s6, s0  }
0x118: {  	[tilespmem:s11], [sflag:$0x2] =	stream.linear.gather [hbm4b:s0+s5], $0x80, $0x38;
	[tilespmem:$0x1F400] =	vst v63  }
0x119: {  	s0 =	sor.u32 $0x20, s30  }
0x11a: {  	s3 =	sadd.s32 s4, s0  }
0x11b: {  	[tilespmem:s14], [sflag:$0x3] =	stream.linear.gather [hbm4b:s3+s5], $0x80, $0x38;
	[tilespmem:$0x1F400] =	vst v63  }
0x11c: {  	s0 =	sadd.s32 s6, s0  }
0x11d: {  	[tilespmem:s16], [sflag:$0x3] =	stream.linear.gather [hbm4b:s0+s5], $0x80, $0x38;
	[tilespmem:$0x1F400] =	vst v63  }
0x11e: {  	s0 =	sor.u32 $0x30, s30  }
0x11f: {  	s3 =	sadd.s32 s4, s0  }
0x120: {  	[tilespmem:s18], [sflag:$0x4] =	stream.linear.gather [hbm4b:s3+s5], $0x80, $0x38;
	[tilespmem:$0x1F400] =	vst v63  }
0x121: {  	s0 =	sadd.s32 s6, s0  }
0x122: {  	[tilespmem:s21], [sflag:$0x4] =	stream.linear.gather [hbm4b:s0+s5], $0x80, $0x38;
	[tilespmem:$0x1F400] =	vst v63  }
0x123: {  	_ =	swait.ge [sflag:s12], $0x80  }
0x124: {  	[sflag:s12] =	ssyncset.done $0x0  }
0x125: {  	s0 =	simm.s32 $0x400;
	[sflag:s12] =	ssyncadd.s32 $0xFFFFFF80  }
0x126: {  	[tilespmem:s0], [sflag:$0x5] =	stream.indirect.gather [hbm4b:s2+s13], $0x80, s5, s13, $0xb8;
	[tilespmem:$0x1F400] =	vst v63  }
0x127: {  	_ =	swait.ge [sflag:s15], $0x80  }
0x128: {  	[sflag:s15] =	ssyncset.done $0x0  }
0x129: {  	[sflag:s15] =	ssyncadd.s32 $0xFFFFFF80  }
0x12a: {  	[tilespmem:s20], [sflag:$0x6] =	stream.indirect.gather [hbm4b:s2+s13], $0x80, s10, s13, $0xb8;
	[tilespmem:$0x1F400] =	vst v63  }
0x12b: {  	_ =	swait.ge [sflag:s17], $0x80  }
0x12c: {  	[sflag:s17] =	ssyncset.done $0x0  }
0x12d: {  	s10 =	simm.s32 $0x4400;
	[sflag:s17] =	ssyncadd.s32 $0xFFFFFF80  }
0x12e: {  	[tilespmem:s10], [sflag:$0x7] =	stream.indirect.gather [hbm4b:s2+s13], $0x80, s14, s13, $0xb8;
	[tilespmem:$0x1F400] =	vst v63  }
0x12f: {  	_ =	swait.ge [sflag:s19], $0x80  }
0x130: {  	[sflag:s19] =	ssyncset.done $0x0  }
0x131: {  	[sflag:s19] =	ssyncadd.s32 $0xFFFFFF80  }
0x132: {  	[tilespmem:s23], [sflag:$0x8] =	stream.indirect.gather [hbm4b:s2+s13], $0x80, s18, s13, $0xb8;
	[tilespmem:$0x1F400] =	vst v63  }
0x133: {  	_ =	swait.ge [sflag:s12], $0x80  }
0x134: {  	[sflag:s12] =	ssyncset.done $0x0  }
0x135: {  	[sflag:s12] =	ssyncadd.s32 $0xFFFFFF80  }
0x136: {  	_ =	swait.ge [sflag:s25], $0x2000  }
0x137: {  	[sflag:s25] =	ssyncset.done $0x0  }
0x138: {  	s3 =	simm.s32 $0x200;
	[sflag:s25] =	ssyncadd.s32 $0xFFFFE000  }
0x139: {  	[spmem:s8] =	stream.indirect.scatter.add.f32 [tilespmem:s0], [sflag:$0x9], $0x80, s3, s13, $0xb8;
	[tilespmem:$0x1F400] =	vst v63  }
0x13a: {  	v2 =	vld [tilespmem:$0x200];
	_ =	sdelay $0x7  }
0x13b: {  	[tilespmem:v2+s22+$0x0] =	vst.idx.add.f32.msk $0xffff, v1  }
0x13c: {  	v2 =	vld [tilespmem:$0x210];
	_ =	sdelay $0x7  }
0x13d: {  	[tilespmem:v2+s22+$0x0] =	vst.idx.add.f32.msk $0xffff, v1  }
0x13e: {  	v2 =	vld [tilespmem:$0x220];
	_ =	sdelay $0x7  }
0x13f: {  	[tilespmem:v2+s22+$0x0] =	vst.idx.add.f32.msk $0xffff, v1  }
0x140: {  	v2 =	vld [tilespmem:$0x230];
	_ =	sdelay $0x7  }
0x141: {  	[tilespmem:v2+s22+$0x0] =	vst.idx.add.f32.msk $0xffff, v1  }
0x142: {  	_ =	swait.ge [sflag:s15], $0x80  }
0x143: {  	[sflag:s15] =	ssyncset.done $0x0  }
0x144: {  	[sflag:s15] =	ssyncadd.s32 $0xFFFFFF80  }
0x145: {  	_ =	swait.ge [sflag:s24], $0x2000  }
0x146: {  	[sflag:s24] =	ssyncset.done $0x0  }
0x147: {  	[sflag:s24] =	ssyncadd.s32 $0xFFFFE000  }
0x148: {  	[spmem:s8] =	stream.indirect.scatter.add.f32 [tilespmem:s20], [sflag:$0xA], $0x80, s11, s13, $0xb8;
	[tilespmem:$0x1F400] =	vst v63  }
0x149: {  	v2 =	vld [tilespmem:$0x280];
	_ =	sdelay $0x7  }
0x14a: {  	[tilespmem:v2+s22+$0x0] =	vst.idx.add.f32.msk $0xffff, v1  }
0x14b: {  	v2 =	vld [tilespmem:$0x290];
	_ =	sdelay $0x7  }
0x14c: {  	[tilespmem:v2+s22+$0x0] =	vst.idx.add.f32.msk $0xffff, v1  }
0x14d: {  	v2 =	vld [tilespmem:$0x2A0];
	_ =	sdelay $0x7  }
0x14e: {  	[tilespmem:v2+s22+$0x0] =	vst.idx.add.f32.msk $0xffff, v1  }
0x14f: {  	v2 =	vld [tilespmem:$0x2B0];
	_ =	sdelay $0x7  }
0x150: {  	[tilespmem:v2+s22+$0x0] =	vst.idx.add.f32.msk $0xffff, v1  }
0x151: {  	_ =	swait.ge [sflag:s17], $0x80  }
0x152: {  	[sflag:s17] =	ssyncset.done $0x0  }
0x153: {  	[sflag:s17] =	ssyncadd.s32 $0xFFFFFF80  }
0x154: {  	_ =	swait.ge [sflag:s26], $0x2000  }
0x155: {  	[sflag:s26] =	ssyncset.done $0x0  }
0x156: {  	[sflag:s26] =	ssyncadd.s32 $0xFFFFE000  }
0x157: {  	[spmem:s8] =	stream.indirect.scatter.add.f32 [tilespmem:s10], [sflag:$0xB], $0x80, s16, s13, $0xb8;
	[tilespmem:$0x1F400] =	vst v63  }
0x158: {  	v2 =	vld [tilespmem:$0x300];
	_ =	sdelay $0x7  }
0x159: {  	[tilespmem:v2+s22+$0x0] =	vst.idx.add.f32.msk $0xffff, v1  }
0x15a: {  	v2 =	vld [tilespmem:$0x310];
	_ =	sdelay $0x7  }
0x15b: {  	[tilespmem:v2+s22+$0x0] =	vst.idx.add.f32.msk $0xffff, v1  }
0x15c: {  	v2 =	vld [tilespmem:$0x320];
	_ =	sdelay $0x7  }
0x15d: {  	[tilespmem:v2+s22+$0x0] =	vst.idx.add.f32.msk $0xffff, v1  }
0x15e: {  	v2 =	vld [tilespmem:$0x330];
	_ =	sdelay $0x7  }
0x15f: {  	[tilespmem:v2+s22+$0x0] =	vst.idx.add.f32.msk $0xffff, v1  }
0x160: {  	_ =	swait.ge [sflag:s19], $0x80  }
0x161: {  	[sflag:s19] =	ssyncset.done $0x0  }
0x162: {  	[sflag:s19] =	ssyncadd.s32 $0xFFFFFF80  }
0x163: {  	_ =	swait.ge [sflag:s28], $0x2000  }
0x164: {  	[sflag:s28] =	ssyncset.done $0x0  }
0x165: {  	[sflag:s28] =	ssyncadd.s32 $0xFFFFE000  }
0x166: {  	[spmem:s8] =	stream.indirect.scatter.add.f32 [tilespmem:s23], [sflag:$0xC], $0x80, s21, s13, $0xb8;
	[tilespmem:$0x1F400] =	vst v63  }
0x167: {  	v2 =	vld [tilespmem:$0x380];
	_ =	sdelay $0x7  }
0x168: {  	[tilespmem:v2+s22+$0x0] =	vst.idx.add.f32.msk $0xffff, v1  }
0x169: {  	v2 =	vld [tilespmem:$0x390];
	_ =	sdelay $0x7  }
0x16a: {  	[tilespmem:v2+s22+$0x0] =	vst.idx.add.f32.msk $0xffff, v1  }
0x16b: {  	v2 =	vld [tilespmem:$0x3A0];
	_ =	sdelay $0x7  }
0x16c: {  	[tilespmem:v2+s22+$0x0] =	vst.idx.add.f32.msk $0xffff, v1  }
0x16d: {  	v2 =	vld [tilespmem:$0x3B0];
	_ =	sdelay $0x7  }
0x16e: {  	[tilespmem:v2+s22+$0x0] =	vst.idx.add.f32.msk $0xffff, v1  }
0x16f: {  	_ =	swait.ge [sflag:s29], $0x2000  }
0x170: {  	[sflag:s29] =	ssyncset.done $0x0  }
0x171: {  	[sflag:s29] =	ssyncadd.s32 $0xFFFFE000  }
0x172: {  	_ =	swait.ge [sflag:s7], $0x2000  }
0x173: {  	[sflag:s7] =	ssyncset.done $0x0  }
0x174: {  	[sflag:s7] =	ssyncadd.s32 $0xFFFFE000  }
0x175: {  	p0 =	sne.s32 s31, $0x1;
	_ =	swait.ge [sflag:s1], $0x2000  }
.Ltmp2:
0x176: {  	[sflag:s1] =	ssyncset.done $0x0;
	(pc) =	sbr.rel @p0 .LBB2_6-.Ltmp2, $4  }
0x177: {  	[sflag:s1] =	ssyncadd.s32 $0xFFFFE000  }
0x178: {  	_ =	swait.ge [sflag:s9], $0x2000  }
0x179: {  	[sflag:s9] =	ssyncset.done $0x0  }
0x17a: {  	s31 =	sadd.s32 $0xFFFFFFFF, s31;
	s30 =	sadd.s32 $0x40, s30;
	[sflag:s9] =	ssyncadd.s32 $0xFFFFE000  }
0x17b: {  	s0 =	stileid.u32;
	[bflag:$0x0] =	sbarrier.arrive $0xFFFF  }
0x17c: {  	s1 =	simm.s32 $0xD;
	s0 =	sshll.u32 s0, $0x6;
	s3 =	rddreg [dreg:$0x5]  }
0x17d: {  	s30 =	rddreg [dreg:$0x14];
	s0 =	sor.u32 $0x1C0D, s0;
	s3 =	sshrl.u32 s3, $0x3  }
0x17e: {  	[hbm:s30], [sflag:s0] =	dma.local [spmem:s3], $0x2800  }
0x17f: {  	_ =	swait.ge [sflag:s1], $0x2800  }
0x180: {  	[sflag:s1] =	ssyncset.done $0x0  }
0x181: {  	s30 =	rddreg [dreg:$0x15];
	[sflag:s1] =	ssyncadd.s32 $0xFFFFD800  }
0x182: {  	[hbm4b:s30+s5] =	stream.linear.scatter [tilespmem:s22], [sflag:$0xD], $0x2800, $0x38;
	[tilespmem:$0x1F400] =	vst v63  }
0x183: {  	_ =	swait.ge [sflag:s1], $0x2800  }
0x184: {  	s2 =	sld [smem:$0x7EB];
	_ =	sdelay $0x2  }
0x185: {  	s31 =	rddreg [dreg:$0x16];
	s2 =	sadd.s32 $0x1, s2  }
0x186: {  	p0 =	sne.s32 s2, s31  }
.Ltmp3:
0x187: {  	_ = 	snop;
	(pc) =	sbr.rel @p0 .LBB2_1-.Ltmp3, $3  }
0x188: {  	_ =	sdelay $0x1  }
0x189: {  	[sflag:s1] =	ssyncset.done $0x0  }
0x18a: {  	[sflag:s1] =	ssyncadd.s32 $0xFFFFD800  }
0x18b: {  	_ =	sfence.sel $0x180000  }
0x18c: {  	[bflag:$0x0] =	sbarrier.arrive $0xFFFF  }
0x18d: {  	_ =	strace $0x90000047  }
0x18e: {  	s0 =	stileid.u32;
	[bflag:$0x2] =	sbarrier.arrive $0xFFFF  }
0x18f: {  	p0 =	sne.s32 s0, $0x0;
	s0 =	rddreg [dreg:$0x4]  }
0x190: {  	s0 =	sadd.s32 @!p0 $0x100000, s0  }
0x191: {  	[sflag:s0] =	ssyncadd.tile.s32 @!p0 $0x1;
	_ =	shalt  }
.Lfunc_end2:
_tile_overlayer_lowered:
.L_overlay_start_2:
0x192: {  	(tag) =	ssettag $0x2  }
0x193: {  	s0 =	rddreg [dreg:$0x0];
	s2 =	stileid.u32  }
0x194: {  	s1 =	rddreg [dreg:$0x1];
	p0 =	sne.s32 s2, $0x0  }
0x195: {  	s3 =	rddreg [dreg:$0x2];
	[bflag:$0x3] =	sbarrier.arrive $0xFFFF;
	s2 =	simm.s32 @!p0 $0x1C0D  }
0x196: {  	[timem:s3], [sflag:s2] =	dma.local @!p0 [hbm:s0], s1  }
0x197: {  	s0 =	simm.s32 @!p0 $0xD  }
0x198: {  	_ =	swait.ge @!p0 [sflag:s0], s1  }
0x199: {  	s1 =	ssub.s32 @!p0 $0x0, s1;
	[sflag:s0] =	ssyncset.done @!p0 $0x0  }
0x19a: {  	[sflag:s0] =	ssyncadd.s32 @!p0 s1  }
0x19b: {  	[bflag:$0x3] =	sbarrier.arrive $0xFFFF  }
0x19c: {  	_ =	shalt  }

</sc_bundles>
